<compile_context>
chip_gen: v7x
topology: tpu7x:2x2x1
jax: 0.10.2.dev20260603
libtpu: 0.0.44.dev20260713+nightly
codegen_flags: <defaults>
</compile_context>

<pallas_src>
import jax
import jax.numpy as jnp
from jax import lax
from jax.experimental import pallas as pl
from jax.experimental.pallas import tpu as pltpu
from jax.experimental.pallas import tpu_sc as plsc

V = 100000
B = 1024
L = 20
PAD = 1

NC = 2
NS = 16
LANES = 16
NW = NC * NS
ROWS_PER_W = B // NW
TOK_PER_W = ROWS_PER_W * L
CHUNKS = TOK_PER_W // 128

NBLK = 50
ZBLK = B * V // NBLK


def _zero_body(o_ref):
    o_ref[...] = jnp.zeros_like(o_ref)


def _scatter_body(ids_hbm, w_hbm, out_hbm, ids_v, vals_v, gidx_v,
                  sem_g, sem_s):
    cid = lax.axis_index("c")
    sid = lax.axis_index("s")
    wid = sid * NC + cid
    base_row = wid * ROWS_PER_W

    pltpu.sync_copy(ids_hbm.at[wid], ids_v)

    gcopies = []
    for j in range(CHUNKS):
        cp = pltpu.make_async_copy(
            w_hbm.at[ids_v.at[j]], vals_v.at[j], sem_g)
        cp.start()
        gcopies.append(cp)
    for cp in gcopies:
        cp.wait()

    for c in range(TOK_PER_W // LANES):
        j, o = divmod(c, 128 // LANES)
        sl = pl.ds(o * LANES, LANES)
        col = ids_v[j, sl]
        lp = c * LANES + lax.iota(jnp.int32, LANES)
        row = base_row + lax.div(lp, jnp.int32(L))
        gidx_v[j, sl] = row * V + col
        vals_v[j, sl] = jnp.where(col == PAD, 0.0, vals_v[j, sl])

    scopies = []
    for j in range(CHUNKS):
        cp = pltpu.make_async_copy(
            vals_v.at[j], out_hbm.at[gidx_v.at[j]], sem_s)
        cp.start()
        scopies.append(cp)
    for cp in scopies:
        cp.wait()


@jax.jit
def kernel(input_ids, weights):
    ids3 = input_ids.astype(jnp.int32).reshape(NW, CHUNKS, 128)

    zeros = pl.pallas_call(
        _zero_body,
        out_shape=jax.ShapeDtypeStruct((B * V,), jnp.float32),
        grid=(NBLK,),
        out_specs=pl.BlockSpec((ZBLK,), lambda i: (i,)),
    )()

    out_ref = jax.new_ref(zeros)
    mesh = plsc.VectorSubcoreMesh(
        core_axis_name="c", subcore_axis_name="s",
        num_cores=NC, num_subcores=NS)
    pl.kernel(
        _scatter_body,
        out_type=(),
        mesh=mesh,
        scratch_types=[
            pltpu.VMEM((CHUNKS, 128), jnp.int32),
            pltpu.VMEM((CHUNKS, 128), jnp.float32),
            pltpu.VMEM((CHUNKS, 128), jnp.int32),
            pltpu.SemaphoreType.DMA,
            pltpu.SemaphoreType.DMA,
        ],
    )(ids3, weights, out_ref)
    return out_ref[...].reshape(B, V)

# --- scband reference (transcript-rebuilt; emitter-appended) ---
"""Pipeline reference for scband-query-encoder-1185410973872 (READ-ONLY COPY).

The authoritative reference and input builder live on the scoring server;
editing this copy changes nothing except your own understanding.
"""

import jax, jax.numpy as jnp
import numpy as np

VOCAB_SIZE = 100000
BATCH = 1024
SEQ_LEN = 20
PAD_TOKEN = 1


def setup_inputs(seed: int = 0) -> dict:
    key = jax.random.key(seed)
    k1, k2 = jax.random.split(key)
    input_ids = jax.random.randint(k1, (BATCH, SEQ_LEN), 0, VOCAB_SIZE, dtype=jnp.int64 if jax.config.jax_enable_x64 else jnp.int32)
    weights = jax.random.normal(k2, (VOCAB_SIZE,), dtype=jnp.float32)
    return {"input_ids": input_ids, "weights": weights}


def reference(input_ids, weights):
    # Faithful translation of: F.one_hot(queries, vocab).max(-2)[0]
    # one_hot over [B, L] -> [B, L, V]; max over L -> [B, V].
    # Equivalent math via scatter-max (avoids materializing the [B, L, V] tensor):
    B, L = input_ids.shape
    rows = jnp.repeat(jnp.arange(B), L)
    cols = input_ids.reshape(-1)
    query_hot = jnp.zeros((B, VOCAB_SIZE), dtype=jnp.float32).at[rows, cols].max(1.0)
    # query_hot[:, PAD_TOKEN] = 0
    query_hot = query_hot.at[:, PAD_TOKEN].set(0.0)
    # torch.mul(self.weights, query_hot) -- weights [V] broadcasts over [B, V]
    encoded = weights * query_hot
    return encoded

if __name__ == "__main__":
    import jax
    _d = setup_inputs()
    print(jax.jit(kernel)(*tuple(_d.values())))

</pallas_src>

<mosaic_0001>
#map = affine_map<(d0, d1) -> (0, 0, 0)>
#map1 = affine_map<(d0, d1) -> (0)>
module attributes {stable_mosaic.version = 14 : i64} {
  func.func @new_body(%arg0: i32, %arg1: i32, %arg2: memref<32x5x128xi32, #tpu.memory_space<hbm>>, %arg3: memref<100000xf32, #tpu.memory_space<hbm>>, %arg4: memref<102400000xf32, #tpu.memory_space<hbm>>, %arg5: memref<102400000xf32, #tpu.memory_space<hbm>>, %arg6: memref<5x128xi32, #tpu.memory_space<vmem>>, %arg7: memref<5x128xf32, #tpu.memory_space<vmem>>, %arg8: memref<5x128xi32, #tpu.memory_space<vmem>>, %arg9: memref<!tpu.dma_semaphore, #tpu.memory_space<semaphore_mem>>, %arg10: memref<!tpu.dma_semaphore, #tpu.memory_space<semaphore_mem>>) attributes {dimension_semantics = [#tpu.dimension_semantics<core_parallel>, #tpu.dimension_semantics<subcore_parallel>], iteration_bounds = array<i64: 2, 16>, scalar_prefetch = 0 : i64, scratch_operands = 5 : i64, tpu.core_type = #tpu.core_type<sc_vector_subcore>, window_params = [{transform_indices = #map}, {transform_indices = #map1}, {transform_indices = #map1}, {transform_indices = #map1}]} {
    %mul3A = arith.constant 2 : i32
    %mul3A_0 = arith.muli %arg1, %mul3A : i32
    %add3A = arith.addi %mul3A_0, %arg0 : i32
    %mul3A_1 = arith.constant 32 : i32
    %mul3A_2 = arith.muli %add3A, %mul3A_1 : i32
    "tpu.region"() ({
      %run_scoped3A = tpu.sem_alloc : memref<!tpu.dma_semaphore, #tpu.memory_space<semaphore_mem>>
      %dma_start3A_1833 = arith.constant 0 : i32
      %dma_start3A_1834 = arith.constant 0 : i32
      %dma_start3A_1835 = tpu.memref_slice %arg2[%add3A, %dma_start3A_1833, %dma_start3A_1834] : memref<32x5x128xi32, #tpu.memory_space<hbm>> -> memref<1x5x128xi32, #tpu.memory_space<hbm>>
      %dma_start3A_1836 = tpu.memref_squeeze %dma_start3A_1835 : memref<1x5x128xi32, #tpu.memory_space<hbm>> -> memref<5x128xi32, #tpu.memory_space<hbm>>
      %dma_start3A_1837 = arith.constant 0 : i32
      %dma_start3A_1838 = arith.constant 0 : i32
      %dma_start3A_1839 = tpu.memref_slice %arg2[%add3A, %dma_start3A_1837, %dma_start3A_1838] : memref<32x5x128xi32, #tpu.memory_space<hbm>> -> memref<1x5x128xi32, #tpu.memory_space<hbm>>
      %dma_start3A_1840 = tpu.memref_squeeze %dma_start3A_1839 : memref<1x5x128xi32, #tpu.memory_space<hbm>> -> memref<5x128xi32, #tpu.memory_space<hbm>>
      tpu.enqueue_dma source(%dma_start3A_1840 : memref<5x128xi32, #tpu.memory_space<hbm>>) target(%arg6 : memref<5x128xi32, #tpu.memory_space<vmem>>) target_semaphore(%run_scoped3A : memref<!tpu.dma_semaphore, #tpu.memory_space<semaphore_mem>>)
      %dma_wait3A_1841 = arith.constant 0 : i32
      %dma_wait3A_1842 = arith.constant 0 : i32
      %dma_wait3A_1843 = tpu.memref_slice %arg2[%add3A, %dma_wait3A_1841, %dma_wait3A_1842] : memref<32x5x128xi32, #tpu.memory_space<hbm>> -> memref<1x5x128xi32, #tpu.memory_space<hbm>>
      %dma_wait3A_1844 = tpu.memref_squeeze %dma_wait3A_1843 : memref<1x5x128xi32, #tpu.memory_space<hbm>> -> memref<5x128xi32, #tpu.memory_space<hbm>>
      %dma_wait3A_1845 = arith.constant 0 : i32
      %dma_wait3A_1846 = arith.constant 0 : i32
      %dma_wait3A_1847 = tpu.memref_slice %arg2[%add3A, %dma_wait3A_1845, %dma_wait3A_1846] : memref<32x5x128xi32, #tpu.memory_space<hbm>> -> memref<1x5x128xi32, #tpu.memory_space<hbm>>
      %dma_wait3A_1848 = tpu.memref_squeeze %dma_wait3A_1847 : memref<1x5x128xi32, #tpu.memory_space<hbm>> -> memref<5x128xi32, #tpu.memory_space<hbm>>
      tpu.wait_dma2 semaphore(%run_scoped3A : memref<!tpu.dma_semaphore, #tpu.memory_space<semaphore_mem>>) src(%dma_wait3A_1848 : memref<5x128xi32, #tpu.memory_space<hbm>>) dst(%arg6 : memref<5x128xi32, #tpu.memory_space<vmem>>)
      tpu.yield
    }) : () -> ()
    %dma_start3A = arith.constant 0 : i32
    %dma_start3A_3 = arith.constant 0 : i32
    %dma_start3A_4 = arith.constant 0 : i32
    %dma_start3A_5 = tpu.memref_slice %arg7[%dma_start3A_3, %dma_start3A_4] : memref<5x128xf32, #tpu.memory_space<vmem>> -> memref<1x128xf32, #tpu.memory_space<vmem>>
    %dma_start3A_6 = tpu.memref_squeeze %dma_start3A_5 : memref<1x128xf32, #tpu.memory_space<vmem>> -> memref<128xf32, #tpu.memory_space<vmem>>
    %dma_start3A_7 = arith.constant 0 : i32
    %dma_start3A_8 = tpu.memref_slice %arg6[%dma_start3A, %dma_start3A_7] : memref<5x128xi32, #tpu.memory_space<vmem>> -> memref<1x128xi32, #tpu.memory_space<vmem>>
    %dma_start3A_9 = tpu.memref_squeeze %dma_start3A_8 : memref<1x128xi32, #tpu.memory_space<vmem>> -> memref<128xi32, #tpu.memory_space<vmem>>
    %dma_start3A_10 = arith.constant 0 : i32
    %dma_start3A_11 = tpu.memref_slice %arg3[%dma_start3A_10] : memref<100000xf32, #tpu.memory_space<hbm>> -> memref<100000xf32, #tpu.memory_space<hbm>>
    tpu.enqueue_indirect_dma source(%dma_start3A_11 : memref<100000xf32, #tpu.memory_space<hbm>>) target(%dma_start3A_6 : memref<128xf32, #tpu.memory_space<vmem>>) offsets(%dma_start3A_9 : memref<128xi32, #tpu.memory_space<vmem>>) semaphore(%arg9 : memref<!tpu.dma_semaphore, #tpu.memory_space<semaphore_mem>>)
    %dma_start3A_12 = arith.constant 1 : i32
    %dma_start3A_13 = arith.constant 1 : i32
    %dma_start3A_14 = arith.constant 0 : i32
    %dma_start3A_15 = tpu.memref_slice %arg7[%dma_start3A_13, %dma_start3A_14] : memref<5x128xf32, #tpu.memory_space<vmem>> -> memref<1x128xf32, #tpu.memory_space<vmem>>
    %dma_start3A_16 = tpu.memref_squeeze %dma_start3A_15 : memref<1x128xf32, #tpu.memory_space<vmem>> -> memref<128xf32, #tpu.memory_space<vmem>>
    %dma_start3A_17 = arith.constant 0 : i32
    %dma_start3A_18 = tpu.memref_slice %arg6[%dma_start3A_12, %dma_start3A_17] : memref<5x128xi32, #tpu.memory_space<vmem>> -> memref<1x128xi32, #tpu.memory_space<vmem>>
    %dma_start3A_19 = tpu.memref_squeeze %dma_start3A_18 : memref<1x128xi32, #tpu.memory_space<vmem>> -> memref<128xi32, #tpu.memory_space<vmem>>
    %dma_start3A_20 = arith.constant 0 : i32
    %dma_start3A_21 = tpu.memref_slice %arg3[%dma_start3A_20] : memref<100000xf32, #tpu.memory_space<hbm>> -> memref<100000xf32, #tpu.memory_space<hbm>>
    tpu.enqueue_indirect_dma source(%dma_start3A_21 : memref<100000xf32, #tpu.memory_space<hbm>>) target(%dma_start3A_16 : memref<128xf32, #tpu.memory_space<vmem>>) offsets(%dma_start3A_19 : memref<128xi32, #tpu.memory_space<vmem>>) semaphore(%arg9 : memref<!tpu.dma_semaphore, #tpu.memory_space<semaphore_mem>>)
    %dma_start3A_22 = arith.constant 2 : i32
    %dma_start3A_23 = arith.constant 2 : i32
    %dma_start3A_24 = arith.constant 0 : i32
    %dma_start3A_25 = tpu.memref_slice %arg7[%dma_start3A_23, %dma_start3A_24] : memref<5x128xf32, #tpu.memory_space<vmem>> -> memref<1x128xf32, #tpu.memory_space<vmem>>
    %dma_start3A_26 = tpu.memref_squeeze %dma_start3A_25 : memref<1x128xf32, #tpu.memory_space<vmem>> -> memref<128xf32, #tpu.memory_space<vmem>>
    %dma_start3A_27 = arith.constant 0 : i32
    %dma_start3A_28 = tpu.memref_slice %arg6[%dma_start3A_22, %dma_start3A_27] : memref<5x128xi32, #tpu.memory_space<vmem>> -> memref<1x128xi32, #tpu.memory_space<vmem>>
    %dma_start3A_29 = tpu.memref_squeeze %dma_start3A_28 : memref<1x128xi32, #tpu.memory_space<vmem>> -> memref<128xi32, #tpu.memory_space<vmem>>
    %dma_start3A_30 = arith.constant 0 : i32
    %dma_start3A_31 = tpu.memref_slice %arg3[%dma_start3A_30] : memref<100000xf32, #tpu.memory_space<hbm>> -> memref<100000xf32, #tpu.memory_space<hbm>>
    tpu.enqueue_indirect_dma source(%dma_start3A_31 : memref<100000xf32, #tpu.memory_space<hbm>>) target(%dma_start3A_26 : memref<128xf32, #tpu.memory_space<vmem>>) offsets(%dma_start3A_29 : memref<128xi32, #tpu.memory_space<vmem>>) semaphore(%arg9 : memref<!tpu.dma_semaphore, #tpu.memory_space<semaphore_mem>>)
    %dma_start3A_32 = arith.constant 3 : i32
    %dma_start3A_33 = arith.constant 3 : i32
    %dma_start3A_34 = arith.constant 0 : i32
    %dma_start3A_35 = tpu.memref_slice %arg7[%dma_start3A_33, %dma_start3A_34] : memref<5x128xf32, #tpu.memory_space<vmem>> -> memref<1x128xf32, #tpu.memory_space<vmem>>
    %dma_start3A_36 = tpu.memref_squeeze %dma_start3A_35 : memref<1x128xf32, #tpu.memory_space<vmem>> -> memref<128xf32, #tpu.memory_space<vmem>>
    %dma_start3A_37 = arith.constant 0 : i32
    %dma_start3A_38 = tpu.memref_slice %arg6[%dma_start3A_32, %dma_start3A_37] : memref<5x128xi32, #tpu.memory_space<vmem>> -> memref<1x128xi32, #tpu.memory_space<vmem>>
    %dma_start3A_39 = tpu.memref_squeeze %dma_start3A_38 : memref<1x128xi32, #tpu.memory_space<vmem>> -> memref<128xi32, #tpu.memory_space<vmem>>
    %dma_start3A_40 = arith.constant 0 : i32
    %dma_start3A_41 = tpu.memref_slice %arg3[%dma_start3A_40] : memref<100000xf32, #tpu.memory_space<hbm>> -> memref<100000xf32, #tpu.memory_space<hbm>>
    tpu.enqueue_indirect_dma source(%dma_start3A_41 : memref<100000xf32, #tpu.memory_space<hbm>>) target(%dma_start3A_36 : memref<128xf32, #tpu.memory_space<vmem>>) offsets(%dma_start3A_39 : memref<128xi32, #tpu.memory_space<vmem>>) semaphore(%arg9 : memref<!tpu.dma_semaphore, #tpu.memory_space<semaphore_mem>>)
    %dma_start3A_42 = arith.constant 4 : i32
    %dma_start3A_43 = arith.constant 4 : i32
    %dma_start3A_44 = arith.constant 0 : i32
    %dma_start3A_45 = tpu.memref_slice %arg7[%dma_start3A_43, %dma_start3A_44] : memref<5x128xf32, #tpu.memory_space<vmem>> -> memref<1x128xf32, #tpu.memory_space<vmem>>
    %dma_start3A_46 = tpu.memref_squeeze %dma_start3A_45 : memref<1x128xf32, #tpu.memory_space<vmem>> -> memref<128xf32, #tpu.memory_space<vmem>>
    %dma_start3A_47 = arith.constant 0 : i32
    %dma_start3A_48 = tpu.memref_slice %arg6[%dma_start3A_42, %dma_start3A_47] : memref<5x128xi32, #tpu.memory_space<vmem>> -> memref<1x128xi32, #tpu.memory_space<vmem>>
    %dma_start3A_49 = tpu.memref_squeeze %dma_start3A_48 : memref<1x128xi32, #tpu.memory_space<vmem>> -> memref<128xi32, #tpu.memory_space<vmem>>
    %dma_start3A_50 = arith.constant 0 : i32
    %dma_start3A_51 = tpu.memref_slice %arg3[%dma_start3A_50] : memref<100000xf32, #tpu.memory_space<hbm>> -> memref<100000xf32, #tpu.memory_space<hbm>>
    tpu.enqueue_indirect_dma source(%dma_start3A_51 : memref<100000xf32, #tpu.memory_space<hbm>>) target(%dma_start3A_46 : memref<128xf32, #tpu.memory_space<vmem>>) offsets(%dma_start3A_49 : memref<128xi32, #tpu.memory_space<vmem>>) semaphore(%arg9 : memref<!tpu.dma_semaphore, #tpu.memory_space<semaphore_mem>>)
    %dma_wait3A = arith.constant 0 : i32
    %dma_wait3A_52 = arith.constant 0 : i32
    %dma_wait3A_53 = arith.constant 0 : i32
    %dma_wait3A_54 = tpu.memref_slice %arg7[%dma_wait3A_52, %dma_wait3A_53] : memref<5x128xf32, #tpu.memory_space<vmem>> -> memref<1x128xf32, #tpu.memory_space<vmem>>
    %dma_wait3A_55 = tpu.memref_squeeze %dma_wait3A_54 : memref<1x128xf32, #tpu.memory_space<vmem>> -> memref<128xf32, #tpu.memory_space<vmem>>
    %dma_wait3A_56 = arith.constant 0 : i32
    %dma_wait3A_57 = tpu.memref_slice %arg6[%dma_wait3A, %dma_wait3A_56] : memref<5x128xi32, #tpu.memory_space<vmem>> -> memref<1x128xi32, #tpu.memory_space<vmem>>
    %dma_wait3A_58 = tpu.memref_squeeze %dma_wait3A_57 : memref<1x128xi32, #tpu.memory_space<vmem>> -> memref<128xi32, #tpu.memory_space<vmem>>
    %dma_wait3A_59 = arith.constant 0 : i32
    %dma_wait3A_60 = tpu.memref_slice %arg3[%dma_wait3A_59] : memref<100000xf32, #tpu.memory_space<hbm>> -> memref<100000xf32, #tpu.memory_space<hbm>>
    tpu.wait_indirect_dma semaphore(%arg9 : memref<!tpu.dma_semaphore, #tpu.memory_space<semaphore_mem>>) src(%dma_wait3A_60 : memref<100000xf32, #tpu.memory_space<hbm>>) dst(%dma_wait3A_55 : memref<128xf32, #tpu.memory_space<vmem>>)
    %dma_wait3A_61 = arith.constant 1 : i32
    %dma_wait3A_62 = arith.constant 1 : i32
    %dma_wait3A_63 = arith.constant 0 : i32
    %dma_wait3A_64 = tpu.memref_slice %arg7[%dma_wait3A_62, %dma_wait3A_63] : memref<5x128xf32, #tpu.memory_space<vmem>> -> memref<1x128xf32, #tpu.memory_space<vmem>>
    %dma_wait3A_65 = tpu.memref_squeeze %dma_wait3A_64 : memref<1x128xf32, #tpu.memory_space<vmem>> -> memref<128xf32, #tpu.memory_space<vmem>>
    %dma_wait3A_66 = arith.constant 0 : i32
    %dma_wait3A_67 = tpu.memref_slice %arg6[%dma_wait3A_61, %dma_wait3A_66] : memref<5x128xi32, #tpu.memory_space<vmem>> -> memref<1x128xi32, #tpu.memory_space<vmem>>
    %dma_wait3A_68 = tpu.memref_squeeze %dma_wait3A_67 : memref<1x128xi32, #tpu.memory_space<vmem>> -> memref<128xi32, #tpu.memory_space<vmem>>
    %dma_wait3A_69 = arith.constant 0 : i32
    %dma_wait3A_70 = tpu.memref_slice %arg3[%dma_wait3A_69] : memref<100000xf32, #tpu.memory_space<hbm>> -> memref<100000xf32, #tpu.memory_space<hbm>>
    tpu.wait_indirect_dma semaphore(%arg9 : memref<!tpu.dma_semaphore, #tpu.memory_space<semaphore_mem>>) src(%dma_wait3A_70 : memref<100000xf32, #tpu.memory_space<hbm>>) dst(%dma_wait3A_65 : memref<128xf32, #tpu.memory_space<vmem>>)
    %dma_wait3A_71 = arith.constant 2 : i32
    %dma_wait3A_72 = arith.constant 2 : i32
    %dma_wait3A_73 = arith.constant 0 : i32
    %dma_wait3A_74 = tpu.memref_slice %arg7[%dma_wait3A_72, %dma_wait3A_73] : memref<5x128xf32, #tpu.memory_space<vmem>> -> memref<1x128xf32, #tpu.memory_space<vmem>>
    %dma_wait3A_75 = tpu.memref_squeeze %dma_wait3A_74 : memref<1x128xf32, #tpu.memory_space<vmem>> -> memref<128xf32, #tpu.memory_space<vmem>>
    %dma_wait3A_76 = arith.constant 0 : i32
    %dma_wait3A_77 = tpu.memref_slice %arg6[%dma_wait3A_71, %dma_wait3A_76] : memref<5x128xi32, #tpu.memory_space<vmem>> -> memref<1x128xi32, #tpu.memory_space<vmem>>
    %dma_wait3A_78 = tpu.memref_squeeze %dma_wait3A_77 : memref<1x128xi32, #tpu.memory_space<vmem>> -> memref<128xi32, #tpu.memory_space<vmem>>
    %dma_wait3A_79 = arith.constant 0 : i32
    %dma_wait3A_80 = tpu.memref_slice %arg3[%dma_wait3A_79] : memref<100000xf32, #tpu.memory_space<hbm>> -> memref<100000xf32, #tpu.memory_space<hbm>>
    tpu.wait_indirect_dma semaphore(%arg9 : memref<!tpu.dma_semaphore, #tpu.memory_space<semaphore_mem>>) src(%dma_wait3A_80 : memref<100000xf32, #tpu.memory_space<hbm>>) dst(%dma_wait3A_75 : memref<128xf32, #tpu.memory_space<vmem>>)
    %dma_wait3A_81 = arith.constant 3 : i32
    %dma_wait3A_82 = arith.constant 3 : i32
    %dma_wait3A_83 = arith.constant 0 : i32
    %dma_wait3A_84 = tpu.memref_slice %arg7[%dma_wait3A_82, %dma_wait3A_83] : memref<5x128xf32, #tpu.memory_space<vmem>> -> memref<1x128xf32, #tpu.memory_space<vmem>>
    %dma_wait3A_85 = tpu.memref_squeeze %dma_wait3A_84 : memref<1x128xf32, #tpu.memory_space<vmem>> -> memref<128xf32, #tpu.memory_space<vmem>>
    %dma_wait3A_86 = arith.constant 0 : i32
    %dma_wait3A_87 = tpu.memref_slice %arg6[%dma_wait3A_81, %dma_wait3A_86] : memref<5x128xi32, #tpu.memory_space<vmem>> -> memref<1x128xi32, #tpu.memory_space<vmem>>
    %dma_wait3A_88 = tpu.memref_squeeze %dma_wait3A_87 : memref<1x128xi32, #tpu.memory_space<vmem>> -> memref<128xi32, #tpu.memory_space<vmem>>
    %dma_wait3A_89 = arith.constant 0 : i32
    %dma_wait3A_90 = tpu.memref_slice %arg3[%dma_wait3A_89] : memref<100000xf32, #tpu.memory_space<hbm>> -> memref<100000xf32, #tpu.memory_space<hbm>>
    tpu.wait_indirect_dma semaphore(%arg9 : memref<!tpu.dma_semaphore, #tpu.memory_space<semaphore_mem>>) src(%dma_wait3A_90 : memref<100000xf32, #tpu.memory_space<hbm>>) dst(%dma_wait3A_85 : memref<128xf32, #tpu.memory_space<vmem>>)
    %dma_wait3A_91 = arith.constant 4 : i32
    %dma_wait3A_92 = arith.constant 4 : i32
    %dma_wait3A_93 = arith.constant 0 : i32
    %dma_wait3A_94 = tpu.memref_slice %arg7[%dma_wait3A_92, %dma_wait3A_93] : memref<5x128xf32, #tpu.memory_space<vmem>> -> memref<1x128xf32, #tpu.memory_space<vmem>>
    %dma_wait3A_95 = tpu.memref_squeeze %dma_wait3A_94 : memref<1x128xf32, #tpu.memory_space<vmem>> -> memref<128xf32, #tpu.memory_space<vmem>>
    %dma_wait3A_96 = arith.constant 0 : i32
    %dma_wait3A_97 = tpu.memref_slice %arg6[%dma_wait3A_91, %dma_wait3A_96] : memref<5x128xi32, #tpu.memory_space<vmem>> -> memref<1x128xi32, #tpu.memory_space<vmem>>
    %dma_wait3A_98 = tpu.memref_squeeze %dma_wait3A_97 : memref<1x128xi32, #tpu.memory_space<vmem>> -> memref<128xi32, #tpu.memory_space<vmem>>
    %dma_wait3A_99 = arith.constant 0 : i32
    %dma_wait3A_100 = tpu.memref_slice %arg3[%dma_wait3A_99] : memref<100000xf32, #tpu.memory_space<hbm>> -> memref<100000xf32, #tpu.memory_space<hbm>>
    tpu.wait_indirect_dma semaphore(%arg9 : memref<!tpu.dma_semaphore, #tpu.memory_space<semaphore_mem>>) src(%dma_wait3A_100 : memref<100000xf32, #tpu.memory_space<hbm>>) dst(%dma_wait3A_95 : memref<128xf32, #tpu.memory_space<vmem>>)
    %get3A = arith.constant 0 : i32
    %get3A_101 = arith.index_cast %get3A : i32 to index
    %get3A_102 = arith.constant 0 : index
    %get3A_103 = tpu.vector_load %arg6[%get3A_101, %get3A_102] {strides = array<i32>} : memref<5x128xi32, #tpu.memory_space<vmem>>, vector<1x16xi32>,
    %get3A_104 = vector.shape_cast %get3A_103 : vector<1x16xi32> to vector<16xi32>
    %iota3A = tpu.iota {dimensions = array<i32: 0>} : vector<16xi32>
    %add3A_105 = arith.constant 0 : i32
    %add3A_106 = vector.broadcast %add3A_105 : i32 to vector<16xi32>
    %add3A_107 = arith.addi %add3A_106, %iota3A : vector<16xi32>
    %div3A = arith.constant 20 : i32
    %div3A_108 = vector.broadcast %div3A : i32 to vector<16xi32>
    %div3A_109 = arith.divsi %add3A_107, %div3A_108 : vector<16xi32>
    %add3A_110 = vector.broadcast %mul3A_2 : i32 to vector<16xi32>
    %add3A_111 = arith.addi %add3A_110, %div3A_109 : vector<16xi32>
    %mul3A_112 = arith.constant 100000 : i32
    %mul3A_113 = vector.broadcast %mul3A_112 : i32 to vector<16xi32>
    %mul3A_114 = arith.muli %add3A_111, %mul3A_113 : vector<16xi32>
    %add3A_115 = arith.addi %mul3A_114, %get3A_104 : vector<16xi32>
    %swap3A = arith.constant 0 : i32
    %swap3A_116 = arith.index_cast %swap3A : i32 to index
    %swap3A_117 = arith.constant 0 : index
    %swap3A_118 = tpu.vector_load %arg8[%swap3A_116, %swap3A_117] {strides = array<i32>} : memref<5x128xi32, #tpu.memory_space<vmem>>, vector<1x16xi32>,
    %swap3A_119 = vector.shape_cast %swap3A_118 : vector<1x16xi32> to vector<16xi32>
    %swap3A_120 = vector.shape_cast %add3A_115 : vector<16xi32> to vector<1x16xi32>
    tpu.vector_store %arg8[%swap3A_116, %swap3A_117], %swap3A_120 {strides = array<i32>} : memref<5x128xi32, #tpu.memory_space<vmem>>, vector<1x16xi32>,
    %eq3A = arith.constant 1 : i32
    %eq3A_121 = vector.broadcast %eq3A : i32 to vector<16xi32>
    %eq3A_122 = arith.cmpi eq, %get3A_104, %eq3A_121 : vector<16xi32>
    %get3A_123 = arith.constant 0 : i32
    %get3A_124 = arith.index_cast %get3A_123 : i32 to index
    %get3A_125 = arith.constant 0 : index
    %get3A_126 = tpu.vector_load %arg7[%get3A_124, %get3A_125] {strides = array<i32>} : memref<5x128xf32, #tpu.memory_space<vmem>>, vector<1x16xf32>,
    %get3A_127 = vector.shape_cast %get3A_126 : vector<1x16xf32> to vector<16xf32>
    %jit3A = arith.constant 0.000000e+00 : f32
    %broadcast_in_dim3A = vector.broadcast %jit3A : f32 to vector<16xf32>
    %select_n3A = arith.select %eq3A_122, %broadcast_in_dim3A, %get3A_127 : vector<16xi1>, vector<16xf32>
    %swap3A_128 = arith.constant 0 : i32
    %swap3A_129 = arith.index_cast %swap3A_128 : i32 to index
    %swap3A_130 = arith.constant 0 : index
    %swap3A_131 = tpu.vector_load %arg7[%swap3A_129, %swap3A_130] {strides = array<i32>} : memref<5x128xf32, #tpu.memory_space<vmem>>, vector<1x16xf32>,
    %swap3A_132 = vector.shape_cast %swap3A_131 : vector<1x16xf32> to vector<16xf32>
    %swap3A_133 = vector.shape_cast %select_n3A : vector<16xf32> to vector<1x16xf32>
    tpu.vector_store %arg7[%swap3A_129, %swap3A_130], %swap3A_133 {strides = array<i32>} : memref<5x128xf32, #tpu.memory_space<vmem>>, vector<1x16xf32>,
    %get3A_134 = arith.constant 0 : i32
    %get3A_135 = arith.index_cast %get3A_134 : i32 to index
    %get3A_136 = arith.constant 16 : index
    %get3A_137 = tpu.vector_load %arg6[%get3A_135, %get3A_136] {strides = array<i32>} : memref<5x128xi32, #tpu.memory_space<vmem>>, vector<1x16xi32>,
    %get3A_138 = vector.shape_cast %get3A_137 : vector<1x16xi32> to vector<16xi32>
    %iota3A_139 = tpu.iota {dimensions = array<i32: 0>} : vector<16xi32>
    %add3A_140 = arith.constant 16 : i32
    %add3A_141 = vector.broadcast %add3A_140 : i32 to vector<16xi32>
    %add3A_142 = arith.addi %add3A_141, %iota3A_139 : vector<16xi32>
    %div3A_143 = arith.constant 20 : i32
    %div3A_144 = vector.broadcast %div3A_143 : i32 to vector<16xi32>
    %div3A_145 = arith.divsi %add3A_142, %div3A_144 : vector<16xi32>
    %add3A_146 = vector.broadcast %mul3A_2 : i32 to vector<16xi32>
    %add3A_147 = arith.addi %add3A_146, %div3A_145 : vector<16xi32>
    %mul3A_148 = arith.constant 100000 : i32
    %mul3A_149 = vector.broadcast %mul3A_148 : i32 to vector<16xi32>
    %mul3A_150 = arith.muli %add3A_147, %mul3A_149 : vector<16xi32>
    %add3A_151 = arith.addi %mul3A_150, %get3A_138 : vector<16xi32>
    %swap3A_152 = arith.constant 0 : i32
    %swap3A_153 = arith.index_cast %swap3A_152 : i32 to index
    %swap3A_154 = arith.constant 16 : index
    %swap3A_155 = tpu.vector_load %arg8[%swap3A_153, %swap3A_154] {strides = array<i32>} : memref<5x128xi32, #tpu.memory_space<vmem>>, vector<1x16xi32>,
    %swap3A_156 = vector.shape_cast %swap3A_155 : vector<1x16xi32> to vector<16xi32>
    %swap3A_157 = vector.shape_cast %add3A_151 : vector<16xi32> to vector<1x16xi32>
    tpu.vector_store %arg8[%swap3A_153, %swap3A_154], %swap3A_157 {strides = array<i32>} : memref<5x128xi32, #tpu.memory_space<vmem>>, vector<1x16xi32>,
    %eq3A_158 = arith.constant 1 : i32
    %eq3A_159 = vector.broadcast %eq3A_158 : i32 to vector<16xi32>
    %eq3A_160 = arith.cmpi eq, %get3A_138, %eq3A_159 : vector<16xi32>
    %get3A_161 = arith.constant 0 : i32
    %get3A_162 = arith.index_cast %get3A_161 : i32 to index
    %get3A_163 = arith.constant 16 : index
    %get3A_164 = tpu.vector_load %arg7[%get3A_162, %get3A_163] {strides = array<i32>} : memref<5x128xf32, #tpu.memory_space<vmem>>, vector<1x16xf32>,
    %get3A_165 = vector.shape_cast %get3A_164 : vector<1x16xf32> to vector<16xf32>
    %jit3A_166 = arith.constant 0.000000e+00 : f32
    %broadcast_in_dim3A_167 = vector.broadcast %jit3A_166 : f32 to vector<16xf32>
    %select_n3A_168 = arith.select %eq3A_160, %broadcast_in_dim3A_167, %get3A_165 : vector<16xi1>, vector<16xf32>
    %swap3A_169 = arith.constant 0 : i32
    %swap3A_170 = arith.index_cast %swap3A_169 : i32 to index
    %swap3A_171 = arith.constant 16 : index
    %swap3A_172 = tpu.vector_load %arg7[%swap3A_170, %swap3A_171] {strides = array<i32>} : memref<5x128xf32, #tpu.memory_space<vmem>>, vector<1x16xf32>,
    %swap3A_173 = vector.shape_cast %swap3A_172 : vector<1x16xf32> to vector<16xf32>
    %swap3A_174 = vector.shape_cast %select_n3A_168 : vector<16xf32> to vector<1x16xf32>
    tpu.vector_store %arg7[%swap3A_170, %swap3A_171], %swap3A_174 {strides = array<i32>} : memref<5x128xf32, #tpu.memory_space<vmem>>, vector<1x16xf32>,
    %get3A_175 = arith.constant 0 : i32
    %get3A_176 = arith.index_cast %get3A_175 : i32 to index
    %get3A_177 = arith.constant 32 : index
    %get3A_178 = tpu.vector_load %arg6[%get3A_176, %get3A_177] {strides = array<i32>} : memref<5x128xi32, #tpu.memory_space<vmem>>, vector<1x16xi32>,
    %get3A_179 = vector.shape_cast %get3A_178 : vector<1x16xi32> to vector<16xi32>
    %iota3A_180 = tpu.iota {dimensions = array<i32: 0>} : vector<16xi32>
    %add3A_181 = arith.constant 32 : i32
    %add3A_182 = vector.broadcast %add3A_181 : i32 to vector<16xi32>
    %add3A_183 = arith.addi %add3A_182, %iota3A_180 : vector<16xi32>
    %div3A_184 = arith.constant 20 : i32
    %div3A_185 = vector.broadcast %div3A_184 : i32 to vector<16xi32>
    %div3A_186 = arith.divsi %add3A_183, %div3A_185 : vector<16xi32>
    %add3A_187 = vector.broadcast %mul3A_2 : i32 to vector<16xi32>
    %add3A_188 = arith.addi %add3A_187, %div3A_186 : vector<16xi32>
    %mul3A_189 = arith.constant 100000 : i32
    %mul3A_190 = vector.broadcast %mul3A_189 : i32 to vector<16xi32>
    %mul3A_191 = arith.muli %add3A_188, %mul3A_190 : vector<16xi32>
    %add3A_192 = arith.addi %mul3A_191, %get3A_179 : vector<16xi32>
    %swap3A_193 = arith.constant 0 : i32
    %swap3A_194 = arith.index_cast %swap3A_193 : i32 to index
    %swap3A_195 = arith.constant 32 : index
    %swap3A_196 = tpu.vector_load %arg8[%swap3A_194, %swap3A_195] {strides = array<i32>} : memref<5x128xi32, #tpu.memory_space<vmem>>, vector<1x16xi32>,
    %swap3A_197 = vector.shape_cast %swap3A_196 : vector<1x16xi32> to vector<16xi32>
    %swap3A_198 = vector.shape_cast %add3A_192 : vector<16xi32> to vector<1x16xi32>
    tpu.vector_store %arg8[%swap3A_194, %swap3A_195], %swap3A_198 {strides = array<i32>} : memref<5x128xi32, #tpu.memory_space<vmem>>, vector<1x16xi32>,
    %eq3A_199 = arith.constant 1 : i32
    %eq3A_200 = vector.broadcast %eq3A_199 : i32 to vector<16xi32>
    %eq3A_201 = arith.cmpi eq, %get3A_179, %eq3A_200 : vector<16xi32>
    %get3A_202 = arith.constant 0 : i32
    %get3A_203 = arith.index_cast %get3A_202 : i32 to index
    %get3A_204 = arith.constant 32 : index
    %get3A_205 = tpu.vector_load %arg7[%get3A_203, %get3A_204] {strides = array<i32>} : memref<5x128xf32, #tpu.memory_space<vmem>>, vector<1x16xf32>,
    %get3A_206 = vector.shape_cast %get3A_205 : vector<1x16xf32> to vector<16xf32>
    %jit3A_207 = arith.constant 0.000000e+00 : f32
    %broadcast_in_dim3A_208 = vector.broadcast %jit3A_207 : f32 to vector<16xf32>
    %select_n3A_209 = arith.select %eq3A_201, %broadcast_in_dim3A_208, %get3A_206 : vector<16xi1>, vector<16xf32>
    %swap3A_210 = arith.constant 0 : i32
    %swap3A_211 = arith.index_cast %swap3A_210 : i32 to index
    %swap3A_212 = arith.constant 32 : index
    %swap3A_213 = tpu.vector_load %arg7[%swap3A_211, %swap3A_212] {strides = array<i32>} : memref<5x128xf32, #tpu.memory_space<vmem>>, vector<1x16xf32>,
    %swap3A_214 = vector.shape_cast %swap3A_213 : vector<1x16xf32> to vector<16xf32>
    %swap3A_215 = vector.shape_cast %select_n3A_209 : vector<16xf32> to vector<1x16xf32>
    tpu.vector_store %arg7[%swap3A_211, %swap3A_212], %swap3A_215 {strides = array<i32>} : memref<5x128xf32, #tpu.memory_space<vmem>>, vector<1x16xf32>,
    %get3A_216 = arith.constant 0 : i32
    %get3A_217 = arith.index_cast %get3A_216 : i32 to index
    %get3A_218 = arith.constant 48 : index
    %get3A_219 = tpu.vector_load %arg6[%get3A_217, %get3A_218] {strides = array<i32>} : memref<5x128xi32, #tpu.memory_space<vmem>>, vector<1x16xi32>,
    %get3A_220 = vector.shape_cast %get3A_219 : vector<1x16xi32> to vector<16xi32>
    %iota3A_221 = tpu.iota {dimensions = array<i32: 0>} : vector<16xi32>
    %add3A_222 = arith.constant 48 : i32
    %add3A_223 = vector.broadcast %add3A_222 : i32 to vector<16xi32>
    %add3A_224 = arith.addi %add3A_223, %iota3A_221 : vector<16xi32>
    %div3A_225 = arith.constant 20 : i32
    %div3A_226 = vector.broadcast %div3A_225 : i32 to vector<16xi32>
    %div3A_227 = arith.divsi %add3A_224, %div3A_226 : vector<16xi32>
    %add3A_228 = vector.broadcast %mul3A_2 : i32 to vector<16xi32>
    %add3A_229 = arith.addi %add3A_228, %div3A_227 : vector<16xi32>
    %mul3A_230 = arith.constant 100000 : i32
    %mul3A_231 = vector.broadcast %mul3A_230 : i32 to vector<16xi32>
    %mul3A_232 = arith.muli %add3A_229, %mul3A_231 : vector<16xi32>
    %add3A_233 = arith.addi %mul3A_232, %get3A_220 : vector<16xi32>
    %swap3A_234 = arith.constant 0 : i32
    %swap3A_235 = arith.index_cast %swap3A_234 : i32 to index
    %swap3A_236 = arith.constant 48 : index
    %swap3A_237 = tpu.vector_load %arg8[%swap3A_235, %swap3A_236] {strides = array<i32>} : memref<5x128xi32, #tpu.memory_space<vmem>>, vector<1x16xi32>,
    %swap3A_238 = vector.shape_cast %swap3A_237 : vector<1x16xi32> to vector<16xi32>
    %swap3A_239 = vector.shape_cast %add3A_233 : vector<16xi32> to vector<1x16xi32>
    tpu.vector_store %arg8[%swap3A_235, %swap3A_236], %swap3A_239 {strides = array<i32>} : memref<5x128xi32, #tpu.memory_space<vmem>>, vector<1x16xi32>,
    %eq3A_240 = arith.constant 1 : i32
    %eq3A_241 = vector.broadcast %eq3A_240 : i32 to vector<16xi32>
    %eq3A_242 = arith.cmpi eq, %get3A_220, %eq3A_241 : vector<16xi32>
    %get3A_243 = arith.constant 0 : i32
    %get3A_244 = arith.index_cast %get3A_243 : i32 to index
    %get3A_245 = arith.constant 48 : index
    %get3A_246 = tpu.vector_load %arg7[%get3A_244, %get3A_245] {strides = array<i32>} : memref<5x128xf32, #tpu.memory_space<vmem>>, vector<1x16xf32>,
    %get3A_247 = vector.shape_cast %get3A_246 : vector<1x16xf32> to vector<16xf32>
    %jit3A_248 = arith.constant 0.000000e+00 : f32
    %broadcast_in_dim3A_249 = vector.broadcast %jit3A_248 : f32 to vector<16xf32>
    %select_n3A_250 = arith.select %eq3A_242, %broadcast_in_dim3A_249, %get3A_247 : vector<16xi1>, vector<16xf32>
    %swap3A_251 = arith.constant 0 : i32
    %swap3A_252 = arith.index_cast %swap3A_251 : i32 to index
    %swap3A_253 = arith.constant 48 : index
    %swap3A_254 = tpu.vector_load %arg7[%swap3A_252, %swap3A_253] {strides = array<i32>} : memref<5x128xf32, #tpu.memory_space<vmem>>, vector<1x16xf32>,
    %swap3A_255 = vector.shape_cast %swap3A_254 : vector<1x16xf32> to vector<16xf32>
    %swap3A_256 = vector.shape_cast %select_n3A_250 : vector<16xf32> to vector<1x16xf32>
    tpu.vector_store %arg7[%swap3A_252, %swap3A_253], %swap3A_256 {strides = array<i32>} : memref<5x128xf32, #tpu.memory_space<vmem>>, vector<1x16xf32>,
    %get3A_257 = arith.constant 0 : i32
    %get3A_258 = arith.index_cast %get3A_257 : i32 to index
    %get3A_259 = arith.constant 64 : index
    %get3A_260 = tpu.vector_load %arg6[%get3A_258, %get3A_259] {strides = array<i32>} : memref<5x128xi32, #tpu.memory_space<vmem>>, vector<1x16xi32>,
    %get3A_261 = vector.shape_cast %get3A_260 : vector<1x16xi32> to vector<16xi32>
    %iota3A_262 = tpu.iota {dimensions = array<i32: 0>} : vector<16xi32>
    %add3A_263 = arith.constant 64 : i32
    %add3A_264 = vector.broadcast %add3A_263 : i32 to vector<16xi32>
    %add3A_265 = arith.addi %add3A_264, %iota3A_262 : vector<16xi32>
    %div3A_266 = arith.constant 20 : i32
    %div3A_267 = vector.broadcast %div3A_266 : i32 to vector<16xi32>
    %div3A_268 = arith.divsi %add3A_265, %div3A_267 : vector<16xi32>
    %add3A_269 = vector.broadcast %mul3A_2 : i32 to vector<16xi32>
    %add3A_270 = arith.addi %add3A_269, %div3A_268 : vector<16xi32>
    %mul3A_271 = arith.constant 100000 : i32
    %mul3A_272 = vector.broadcast %mul3A_271 : i32 to vector<16xi32>
    %mul3A_273 = arith.muli %add3A_270, %mul3A_272 : vector<16xi32>
    %add3A_274 = arith.addi %mul3A_273, %get3A_261 : vector<16xi32>
    %swap3A_275 = arith.constant 0 : i32
    %swap3A_276 = arith.index_cast %swap3A_275 : i32 to index
    %swap3A_277 = arith.constant 64 : index
    %swap3A_278 = tpu.vector_load %arg8[%swap3A_276, %swap3A_277] {strides = array<i32>} : memref<5x128xi32, #tpu.memory_space<vmem>>, vector<1x16xi32>,
    %swap3A_279 = vector.shape_cast %swap3A_278 : vector<1x16xi32> to vector<16xi32>
    %swap3A_280 = vector.shape_cast %add3A_274 : vector<16xi32> to vector<1x16xi32>
    tpu.vector_store %arg8[%swap3A_276, %swap3A_277], %swap3A_280 {strides = array<i32>} : memref<5x128xi32, #tpu.memory_space<vmem>>, vector<1x16xi32>,
    %eq3A_281 = arith.constant 1 : i32
    %eq3A_282 = vector.broadcast %eq3A_281 : i32 to vector<16xi32>
    %eq3A_283 = arith.cmpi eq, %get3A_261, %eq3A_282 : vector<16xi32>
    %get3A_284 = arith.constant 0 : i32
    %get3A_285 = arith.index_cast %get3A_284 : i32 to index
    %get3A_286 = arith.constant 64 : index
    %get3A_287 = tpu.vector_load %arg7[%get3A_285, %get3A_286] {strides = array<i32>} : memref<5x128xf32, #tpu.memory_space<vmem>>, vector<1x16xf32>,
    %get3A_288 = vector.shape_cast %get3A_287 : vector<1x16xf32> to vector<16xf32>
    %jit3A_289 = arith.constant 0.000000e+00 : f32
    %broadcast_in_dim3A_290 = vector.broadcast %jit3A_289 : f32 to vector<16xf32>
    %select_n3A_291 = arith.select %eq3A_283, %broadcast_in_dim3A_290, %get3A_288 : vector<16xi1>, vector<16xf32>
    %swap3A_292 = arith.constant 0 : i32
    %swap3A_293 = arith.index_cast %swap3A_292 : i32 to index
    %swap3A_294 = arith.constant 64 : index
    %swap3A_295 = tpu.vector_load %arg7[%swap3A_293, %swap3A_294] {strides = array<i32>} : memref<5x128xf32, #tpu.memory_space<vmem>>, vector<1x16xf32>,
    %swap3A_296 = vector.shape_cast %swap3A_295 : vector<1x16xf32> to vector<16xf32>
    %swap3A_297 = vector.shape_cast %select_n3A_291 : vector<16xf32> to vector<1x16xf32>
    tpu.vector_store %arg7[%swap3A_293, %swap3A_294], %swap3A_297 {strides = array<i32>} : memref<5x128xf32, #tpu.memory_space<vmem>>, vector<1x16xf32>,
    %get3A_298 = arith.constant 0 : i32
    %get3A_299 = arith.index_cast %get3A_298 : i32 to index
    %get3A_300 = arith.constant 80 : index
    %get3A_301 = tpu.vector_load %arg6[%get3A_299, %get3A_300] {strides = array<i32>} : memref<5x128xi32, #tpu.memory_space<vmem>>, vector<1x16xi32>,
    %get3A_302 = vector.shape_cast %get3A_301 : vector<1x16xi32> to vector<16xi32>
    %iota3A_303 = tpu.iota {dimensions = array<i32: 0>} : vector<16xi32>
    %add3A_304 = arith.constant 80 : i32
    %add3A_305 = vector.broadcast %add3A_304 : i32 to vector<16xi32>
    %add3A_306 = arith.addi %add3A_305, %iota3A_303 : vector<16xi32>
    %div3A_307 = arith.constant 20 : i32
    %div3A_308 = vector.broadcast %div3A_307 : i32 to vector<16xi32>
    %div3A_309 = arith.divsi %add3A_306, %div3A_308 : vector<16xi32>
    %add3A_310 = vector.broadcast %mul3A_2 : i32 to vector<16xi32>
    %add3A_311 = arith.addi %add3A_310, %div3A_309 : vector<16xi32>
    %mul3A_312 = arith.constant 100000 : i32
    %mul3A_313 = vector.broadcast %mul3A_312 : i32 to vector<16xi32>
    %mul3A_314 = arith.muli %add3A_311, %mul3A_313 : vector<16xi32>
    %add3A_315 = arith.addi %mul3A_314, %get3A_302 : vector<16xi32>
    %swap3A_316 = arith.constant 0 : i32
    %swap3A_317 = arith.index_cast %swap3A_316 : i32 to index
    %swap3A_318 = arith.constant 80 : index
    %swap3A_319 = tpu.vector_load %arg8[%swap3A_317, %swap3A_318] {strides = array<i32>} : memref<5x128xi32, #tpu.memory_space<vmem>>, vector<1x16xi32>,
    %swap3A_320 = vector.shape_cast %swap3A_319 : vector<1x16xi32> to vector<16xi32>
    %swap3A_321 = vector.shape_cast %add3A_315 : vector<16xi32> to vector<1x16xi32>
    tpu.vector_store %arg8[%swap3A_317, %swap3A_318], %swap3A_321 {strides = array<i32>} : memref<5x128xi32, #tpu.memory_space<vmem>>, vector<1x16xi32>,
    %eq3A_322 = arith.constant 1 : i32
    %eq3A_323 = vector.broadcast %eq3A_322 : i32 to vector<16xi32>
    %eq3A_324 = arith.cmpi eq, %get3A_302, %eq3A_323 : vector<16xi32>
    %get3A_325 = arith.constant 0 : i32
    %get3A_326 = arith.index_cast %get3A_325 : i32 to index
    %get3A_327 = arith.constant 80 : index
    %get3A_328 = tpu.vector_load %arg7[%get3A_326, %get3A_327] {strides = array<i32>} : memref<5x128xf32, #tpu.memory_space<vmem>>, vector<1x16xf32>,
    %get3A_329 = vector.shape_cast %get3A_328 : vector<1x16xf32> to vector<16xf32>
    %jit3A_330 = arith.constant 0.000000e+00 : f32
    %broadcast_in_dim3A_331 = vector.broadcast %jit3A_330 : f32 to vector<16xf32>
    %select_n3A_332 = arith.select %eq3A_324, %broadcast_in_dim3A_331, %get3A_329 : vector<16xi1>, vector<16xf32>
    %swap3A_333 = arith.constant 0 : i32
    %swap3A_334 = arith.index_cast %swap3A_333 : i32 to index
    %swap3A_335 = arith.constant 80 : index
    %swap3A_336 = tpu.vector_load %arg7[%swap3A_334, %swap3A_335] {strides = array<i32>} : memref<5x128xf32, #tpu.memory_space<vmem>>, vector<1x16xf32>,
    %swap3A_337 = vector.shape_cast %swap3A_336 : vector<1x16xf32> to vector<16xf32>
    %swap3A_338 = vector.shape_cast %select_n3A_332 : vector<16xf32> to vector<1x16xf32>
    tpu.vector_store %arg7[%swap3A_334, %swap3A_335], %swap3A_338 {strides = array<i32>} : memref<5x128xf32, #tpu.memory_space<vmem>>, vector<1x16xf32>,
    %get3A_339 = arith.constant 0 : i32
    %get3A_340 = arith.index_cast %get3A_339 : i32 to index
    %get3A_341 = arith.constant 96 : index
    %get3A_342 = tpu.vector_load %arg6[%get3A_340, %get3A_341] {strides = array<i32>} : memref<5x128xi32, #tpu.memory_space<vmem>>, vector<1x16xi32>,
    %get3A_343 = vector.shape_cast %get3A_342 : vector<1x16xi32> to vector<16xi32>
    %iota3A_344 = tpu.iota {dimensions = array<i32: 0>} : vector<16xi32>
    %add3A_345 = arith.constant 96 : i32
    %add3A_346 = vector.broadcast %add3A_345 : i32 to vector<16xi32>
    %add3A_347 = arith.addi %add3A_346, %iota3A_344 : vector<16xi32>
    %div3A_348 = arith.constant 20 : i32
    %div3A_349 = vector.broadcast %div3A_348 : i32 to vector<16xi32>
    %div3A_350 = arith.divsi %add3A_347, %div3A_349 : vector<16xi32>
    %add3A_351 = vector.broadcast %mul3A_2 : i32 to vector<16xi32>
    %add3A_352 = arith.addi %add3A_351, %div3A_350 : vector<16xi32>
    %mul3A_353 = arith.constant 100000 : i32
    %mul3A_354 = vector.broadcast %mul3A_353 : i32 to vector<16xi32>
    %mul3A_355 = arith.muli %add3A_352, %mul3A_354 : vector<16xi32>
    %add3A_356 = arith.addi %mul3A_355, %get3A_343 : vector<16xi32>
    %swap3A_357 = arith.constant 0 : i32
    %swap3A_358 = arith.index_cast %swap3A_357 : i32 to index
    %swap3A_359 = arith.constant 96 : index
    %swap3A_360 = tpu.vector_load %arg8[%swap3A_358, %swap3A_359] {strides = array<i32>} : memref<5x128xi32, #tpu.memory_space<vmem>>, vector<1x16xi32>,
    %swap3A_361 = vector.shape_cast %swap3A_360 : vector<1x16xi32> to vector<16xi32>
    %swap3A_362 = vector.shape_cast %add3A_356 : vector<16xi32> to vector<1x16xi32>
    tpu.vector_store %arg8[%swap3A_358, %swap3A_359], %swap3A_362 {strides = array<i32>} : memref<5x128xi32, #tpu.memory_space<vmem>>, vector<1x16xi32>,
    %eq3A_363 = arith.constant 1 : i32
    %eq3A_364 = vector.broadcast %eq3A_363 : i32 to vector<16xi32>
    %eq3A_365 = arith.cmpi eq, %get3A_343, %eq3A_364 : vector<16xi32>
    %get3A_366 = arith.constant 0 : i32
    %get3A_367 = arith.index_cast %get3A_366 : i32 to index
    %get3A_368 = arith.constant 96 : index
    %get3A_369 = tpu.vector_load %arg7[%get3A_367, %get3A_368] {strides = array<i32>} : memref<5x128xf32, #tpu.memory_space<vmem>>, vector<1x16xf32>,
    %get3A_370 = vector.shape_cast %get3A_369 : vector<1x16xf32> to vector<16xf32>
    %jit3A_371 = arith.constant 0.000000e+00 : f32
    %broadcast_in_dim3A_372 = vector.broadcast %jit3A_371 : f32 to vector<16xf32>
    %select_n3A_373 = arith.select %eq3A_365, %broadcast_in_dim3A_372, %get3A_370 : vector<16xi1>, vector<16xf32>
    %swap3A_374 = arith.constant 0 : i32
    %swap3A_375 = arith.index_cast %swap3A_374 : i32 to index
    %swap3A_376 = arith.constant 96 : index
    %swap3A_377 = tpu.vector_load %arg7[%swap3A_375, %swap3A_376] {strides = array<i32>} : memref<5x128xf32, #tpu.memory_space<vmem>>, vector<1x16xf32>,
    %swap3A_378 = vector.shape_cast %swap3A_377 : vector<1x16xf32> to vector<16xf32>
    %swap3A_379 = vector.shape_cast %select_n3A_373 : vector<16xf32> to vector<1x16xf32>
    tpu.vector_store %arg7[%swap3A_375, %swap3A_376], %swap3A_379 {strides = array<i32>} : memref<5x128xf32, #tpu.memory_space<vmem>>, vector<1x16xf32>,
    %get3A_380 = arith.constant 0 : i32
    %get3A_381 = arith.index_cast %get3A_380 : i32 to index
    %get3A_382 = arith.constant 112 : index
    %get3A_383 = tpu.vector_load %arg6[%get3A_381, %get3A_382] {strides = array<i32>} : memref<5x128xi32, #tpu.memory_space<vmem>>, vector<1x16xi32>,
    %get3A_384 = vector.shape_cast %get3A_383 : vector<1x16xi32> to vector<16xi32>
    %iota3A_385 = tpu.iota {dimensions = array<i32: 0>} : vector<16xi32>
    %add3A_386 = arith.constant 112 : i32
    %add3A_387 = vector.broadcast %add3A_386 : i32 to vector<16xi32>
    %add3A_388 = arith.addi %add3A_387, %iota3A_385 : vector<16xi32>
    %div3A_389 = arith.constant 20 : i32
    %div3A_390 = vector.broadcast %div3A_389 : i32 to vector<16xi32>
    %div3A_391 = arith.divsi %add3A_388, %div3A_390 : vector<16xi32>
    %add3A_392 = vector.broadcast %mul3A_2 : i32 to vector<16xi32>
    %add3A_393 = arith.addi %add3A_392, %div3A_391 : vector<16xi32>
    %mul3A_394 = arith.constant 100000 : i32
    %mul3A_395 = vector.broadcast %mul3A_394 : i32 to vector<16xi32>
    %mul3A_396 = arith.muli %add3A_393, %mul3A_395 : vector<16xi32>
    %add3A_397 = arith.addi %mul3A_396, %get3A_384 : vector<16xi32>
    %swap3A_398 = arith.constant 0 : i32
    %swap3A_399 = arith.index_cast %swap3A_398 : i32 to index
    %swap3A_400 = arith.constant 112 : index
    %swap3A_401 = tpu.vector_load %arg8[%swap3A_399, %swap3A_400] {strides = array<i32>} : memref<5x128xi32, #tpu.memory_space<vmem>>, vector<1x16xi32>,
    %swap3A_402 = vector.shape_cast %swap3A_401 : vector<1x16xi32> to vector<16xi32>
    %swap3A_403 = vector.shape_cast %add3A_397 : vector<16xi32> to vector<1x16xi32>
    tpu.vector_store %arg8[%swap3A_399, %swap3A_400], %swap3A_403 {strides = array<i32>} : memref<5x128xi32, #tpu.memory_space<vmem>>, vector<1x16xi32>,
    %eq3A_404 = arith.constant 1 : i32
    %eq3A_405 = vector.broadcast %eq3A_404 : i32 to vector<16xi32>
    %eq3A_406 = arith.cmpi eq, %get3A_384, %eq3A_405 : vector<16xi32>
    %get3A_407 = arith.constant 0 : i32
    %get3A_408 = arith.index_cast %get3A_407 : i32 to index
    %get3A_409 = arith.constant 112 : index
    %get3A_410 = tpu.vector_load %arg7[%get3A_408, %get3A_409] {strides = array<i32>} : memref<5x128xf32, #tpu.memory_space<vmem>>, vector<1x16xf32>,
    %get3A_411 = vector.shape_cast %get3A_410 : vector<1x16xf32> to vector<16xf32>
    %jit3A_412 = arith.constant 0.000000e+00 : f32
    %broadcast_in_dim3A_413 = vector.broadcast %jit3A_412 : f32 to vector<16xf32>
    %select_n3A_414 = arith.select %eq3A_406, %broadcast_in_dim3A_413, %get3A_411 : vector<16xi1>, vector<16xf32>
    %swap3A_415 = arith.constant 0 : i32
    %swap3A_416 = arith.index_cast %swap3A_415 : i32 to index
    %swap3A_417 = arith.constant 112 : index
    %swap3A_418 = tpu.vector_load %arg7[%swap3A_416, %swap3A_417] {strides = array<i32>} : memref<5x128xf32, #tpu.memory_space<vmem>>, vector<1x16xf32>,
    %swap3A_419 = vector.shape_cast %swap3A_418 : vector<1x16xf32> to vector<16xf32>
    %swap3A_420 = vector.shape_cast %select_n3A_414 : vector<16xf32> to vector<1x16xf32>
    tpu.vector_store %arg7[%swap3A_416, %swap3A_417], %swap3A_420 {strides = array<i32>} : memref<5x128xf32, #tpu.memory_space<vmem>>, vector<1x16xf32>,
    %get3A_421 = arith.constant 1 : i32
    %get3A_422 = arith.index_cast %get3A_421 : i32 to index
    %get3A_423 = arith.constant 0 : index
    %get3A_424 = tpu.vector_load %arg6[%get3A_422, %get3A_423] {strides = array<i32>} : memref<5x128xi32, #tpu.memory_space<vmem>>, vector<1x16xi32>,
    %get3A_425 = vector.shape_cast %get3A_424 : vector<1x16xi32> to vector<16xi32>
    %iota3A_426 = tpu.iota {dimensions = array<i32: 0>} : vector<16xi32>
    %add3A_427 = arith.constant 128 : i32
    %add3A_428 = vector.broadcast %add3A_427 : i32 to vector<16xi32>
    %add3A_429 = arith.addi %add3A_428, %iota3A_426 : vector<16xi32>
    %div3A_430 = arith.constant 20 : i32
    %div3A_431 = vector.broadcast %div3A_430 : i32 to vector<16xi32>
    %div3A_432 = arith.divsi %add3A_429, %div3A_431 : vector<16xi32>
    %add3A_433 = vector.broadcast %mul3A_2 : i32 to vector<16xi32>
    %add3A_434 = arith.addi %add3A_433, %div3A_432 : vector<16xi32>
    %mul3A_435 = arith.constant 100000 : i32
    %mul3A_436 = vector.broadcast %mul3A_435 : i32 to vector<16xi32>
    %mul3A_437 = arith.muli %add3A_434, %mul3A_436 : vector<16xi32>
    %add3A_438 = arith.addi %mul3A_437, %get3A_425 : vector<16xi32>
    %swap3A_439 = arith.constant 1 : i32
    %swap3A_440 = arith.index_cast %swap3A_439 : i32 to index
    %swap3A_441 = arith.constant 0 : index
    %swap3A_442 = tpu.vector_load %arg8[%swap3A_440, %swap3A_441] {strides = array<i32>} : memref<5x128xi32, #tpu.memory_space<vmem>>, vector<1x16xi32>,
    %swap3A_443 = vector.shape_cast %swap3A_442 : vector<1x16xi32> to vector<16xi32>
    %swap3A_444 = vector.shape_cast %add3A_438 : vector<16xi32> to vector<1x16xi32>
    tpu.vector_store %arg8[%swap3A_440, %swap3A_441], %swap3A_444 {strides = array<i32>} : memref<5x128xi32, #tpu.memory_space<vmem>>, vector<1x16xi32>,
    %eq3A_445 = arith.constant 1 : i32
    %eq3A_446 = vector.broadcast %eq3A_445 : i32 to vector<16xi32>
    %eq3A_447 = arith.cmpi eq, %get3A_425, %eq3A_446 : vector<16xi32>
    %get3A_448 = arith.constant 1 : i32
    %get3A_449 = arith.index_cast %get3A_448 : i32 to index
    %get3A_450 = arith.constant 0 : index
    %get3A_451 = tpu.vector_load %arg7[%get3A_449, %get3A_450] {strides = array<i32>} : memref<5x128xf32, #tpu.memory_space<vmem>>, vector<1x16xf32>,
    %get3A_452 = vector.shape_cast %get3A_451 : vector<1x16xf32> to vector<16xf32>
    %jit3A_453 = arith.constant 0.000000e+00 : f32
    %broadcast_in_dim3A_454 = vector.broadcast %jit3A_453 : f32 to vector<16xf32>
    %select_n3A_455 = arith.select %eq3A_447, %broadcast_in_dim3A_454, %get3A_452 : vector<16xi1>, vector<16xf32>
    %swap3A_456 = arith.constant 1 : i32
    %swap3A_457 = arith.index_cast %swap3A_456 : i32 to index
    %swap3A_458 = arith.constant 0 : index
    %swap3A_459 = tpu.vector_load %arg7[%swap3A_457, %swap3A_458] {strides = array<i32>} : memref<5x128xf32, #tpu.memory_space<vmem>>, vector<1x16xf32>,
    %swap3A_460 = vector.shape_cast %swap3A_459 : vector<1x16xf32> to vector<16xf32>
    %swap3A_461 = vector.shape_cast %select_n3A_455 : vector<16xf32> to vector<1x16xf32>
    tpu.vector_store %arg7[%swap3A_457, %swap3A_458], %swap3A_461 {strides = array<i32>} : memref<5x128xf32, #tpu.memory_space<vmem>>, vector<1x16xf32>,
    %get3A_462 = arith.constant 1 : i32
    %get3A_463 = arith.index_cast %get3A_462 : i32 to index
    %get3A_464 = arith.constant 16 : index
    %get3A_465 = tpu.vector_load %arg6[%get3A_463, %get3A_464] {strides = array<i32>} : memref<5x128xi32, #tpu.memory_space<vmem>>, vector<1x16xi32>,
    %get3A_466 = vector.shape_cast %get3A_465 : vector<1x16xi32> to vector<16xi32>
    %iota3A_467 = tpu.iota {dimensions = array<i32: 0>} : vector<16xi32>
    %add3A_468 = arith.constant 144 : i32
    %add3A_469 = vector.broadcast %add3A_468 : i32 to vector<16xi32>
    %add3A_470 = arith.addi %add3A_469, %iota3A_467 : vector<16xi32>
    %div3A_471 = arith.constant 20 : i32
    %div3A_472 = vector.broadcast %div3A_471 : i32 to vector<16xi32>
    %div3A_473 = arith.divsi %add3A_470, %div3A_472 : vector<16xi32>
    %add3A_474 = vector.broadcast %mul3A_2 : i32 to vector<16xi32>
    %add3A_475 = arith.addi %add3A_474, %div3A_473 : vector<16xi32>
    %mul3A_476 = arith.constant 100000 : i32
    %mul3A_477 = vector.broadcast %mul3A_476 : i32 to vector<16xi32>
    %mul3A_478 = arith.muli %add3A_475, %mul3A_477 : vector<16xi32>
    %add3A_479 = arith.addi %mul3A_478, %get3A_466 : vector<16xi32>
    %swap3A_480 = arith.constant 1 : i32
    %swap3A_481 = arith.index_cast %swap3A_480 : i32 to index
    %swap3A_482 = arith.constant 16 : index
    %swap3A_483 = tpu.vector_load %arg8[%swap3A_481, %swap3A_482] {strides = array<i32>} : memref<5x128xi32, #tpu.memory_space<vmem>>, vector<1x16xi32>,
    %swap3A_484 = vector.shape_cast %swap3A_483 : vector<1x16xi32> to vector<16xi32>
    %swap3A_485 = vector.shape_cast %add3A_479 : vector<16xi32> to vector<1x16xi32>
    tpu.vector_store %arg8[%swap3A_481, %swap3A_482], %swap3A_485 {strides = array<i32>} : memref<5x128xi32, #tpu.memory_space<vmem>>, vector<1x16xi32>,
    %eq3A_486 = arith.constant 1 : i32
    %eq3A_487 = vector.broadcast %eq3A_486 : i32 to vector<16xi32>
    %eq3A_488 = arith.cmpi eq, %get3A_466, %eq3A_487 : vector<16xi32>
    %get3A_489 = arith.constant 1 : i32
    %get3A_490 = arith.index_cast %get3A_489 : i32 to index
    %get3A_491 = arith.constant 16 : index
    %get3A_492 = tpu.vector_load %arg7[%get3A_490, %get3A_491] {strides = array<i32>} : memref<5x128xf32, #tpu.memory_space<vmem>>, vector<1x16xf32>,
    %get3A_493 = vector.shape_cast %get3A_492 : vector<1x16xf32> to vector<16xf32>
    %jit3A_494 = arith.constant 0.000000e+00 : f32
    %broadcast_in_dim3A_495 = vector.broadcast %jit3A_494 : f32 to vector<16xf32>
    %select_n3A_496 = arith.select %eq3A_488, %broadcast_in_dim3A_495, %get3A_493 : vector<16xi1>, vector<16xf32>
    %swap3A_497 = arith.constant 1 : i32
    %swap3A_498 = arith.index_cast %swap3A_497 : i32 to index
    %swap3A_499 = arith.constant 16 : index
    %swap3A_500 = tpu.vector_load %arg7[%swap3A_498, %swap3A_499] {strides = array<i32>} : memref<5x128xf32, #tpu.memory_space<vmem>>, vector<1x16xf32>,
    %swap3A_501 = vector.shape_cast %swap3A_500 : vector<1x16xf32> to vector<16xf32>
    %swap3A_502 = vector.shape_cast %select_n3A_496 : vector<16xf32> to vector<1x16xf32>
    tpu.vector_store %arg7[%swap3A_498, %swap3A_499], %swap3A_502 {strides = array<i32>} : memref<5x128xf32, #tpu.memory_space<vmem>>, vector<1x16xf32>,
    %get3A_503 = arith.constant 1 : i32
    %get3A_504 = arith.index_cast %get3A_503 : i32 to index
    %get3A_505 = arith.constant 32 : index
    %get3A_506 = tpu.vector_load %arg6[%get3A_504, %get3A_505] {strides = array<i32>} : memref<5x128xi32, #tpu.memory_space<vmem>>, vector<1x16xi32>,
    %get3A_507 = vector.shape_cast %get3A_506 : vector<1x16xi32> to vector<16xi32>
    %iota3A_508 = tpu.iota {dimensions = array<i32: 0>} : vector<16xi32>
    %add3A_509 = arith.constant 160 : i32
    %add3A_510 = vector.broadcast %add3A_509 : i32 to vector<16xi32>
    %add3A_511 = arith.addi %add3A_510, %iota3A_508 : vector<16xi32>
    %div3A_512 = arith.constant 20 : i32
    %div3A_513 = vector.broadcast %div3A_512 : i32 to vector<16xi32>
    %div3A_514 = arith.divsi %add3A_511, %div3A_513 : vector<16xi32>
    %add3A_515 = vector.broadcast %mul3A_2 : i32 to vector<16xi32>
    %add3A_516 = arith.addi %add3A_515, %div3A_514 : vector<16xi32>
    %mul3A_517 = arith.constant 100000 : i32
    %mul3A_518 = vector.broadcast %mul3A_517 : i32 to vector<16xi32>
    %mul3A_519 = arith.muli %add3A_516, %mul3A_518 : vector<16xi32>
    %add3A_520 = arith.addi %mul3A_519, %get3A_507 : vector<16xi32>
    %swap3A_521 = arith.constant 1 : i32
    %swap3A_522 = arith.index_cast %swap3A_521 : i32 to index
    %swap3A_523 = arith.constant 32 : index
    %swap3A_524 = tpu.vector_load %arg8[%swap3A_522, %swap3A_523] {strides = array<i32>} : memref<5x128xi32, #tpu.memory_space<vmem>>, vector<1x16xi32>,
    %swap3A_525 = vector.shape_cast %swap3A_524 : vector<1x16xi32> to vector<16xi32>
    %swap3A_526 = vector.shape_cast %add3A_520 : vector<16xi32> to vector<1x16xi32>
    tpu.vector_store %arg8[%swap3A_522, %swap3A_523], %swap3A_526 {strides = array<i32>} : memref<5x128xi32, #tpu.memory_space<vmem>>, vector<1x16xi32>,
    %eq3A_527 = arith.constant 1 : i32
    %eq3A_528 = vector.broadcast %eq3A_527 : i32 to vector<16xi32>
    %eq3A_529 = arith.cmpi eq, %get3A_507, %eq3A_528 : vector<16xi32>
    %get3A_530 = arith.constant 1 : i32
    %get3A_531 = arith.index_cast %get3A_530 : i32 to index
    %get3A_532 = arith.constant 32 : index
    %get3A_533 = tpu.vector_load %arg7[%get3A_531, %get3A_532] {strides = array<i32>} : memref<5x128xf32, #tpu.memory_space<vmem>>, vector<1x16xf32>,
    %get3A_534 = vector.shape_cast %get3A_533 : vector<1x16xf32> to vector<16xf32>
    %jit3A_535 = arith.constant 0.000000e+00 : f32
    %broadcast_in_dim3A_536 = vector.broadcast %jit3A_535 : f32 to vector<16xf32>
    %select_n3A_537 = arith.select %eq3A_529, %broadcast_in_dim3A_536, %get3A_534 : vector<16xi1>, vector<16xf32>
    %swap3A_538 = arith.constant 1 : i32
    %swap3A_539 = arith.index_cast %swap3A_538 : i32 to index
    %swap3A_540 = arith.constant 32 : index
    %swap3A_541 = tpu.vector_load %arg7[%swap3A_539, %swap3A_540] {strides = array<i32>} : memref<5x128xf32, #tpu.memory_space<vmem>>, vector<1x16xf32>,
    %swap3A_542 = vector.shape_cast %swap3A_541 : vector<1x16xf32> to vector<16xf32>
    %swap3A_543 = vector.shape_cast %select_n3A_537 : vector<16xf32> to vector<1x16xf32>
    tpu.vector_store %arg7[%swap3A_539, %swap3A_540], %swap3A_543 {strides = array<i32>} : memref<5x128xf32, #tpu.memory_space<vmem>>, vector<1x16xf32>,
    %get3A_544 = arith.constant 1 : i32
    %get3A_545 = arith.index_cast %get3A_544 : i32 to index
    %get3A_546 = arith.constant 48 : index
    %get3A_547 = tpu.vector_load %arg6[%get3A_545, %get3A_546] {strides = array<i32>} : memref<5x128xi32, #tpu.memory_space<vmem>>, vector<1x16xi32>,
    %get3A_548 = vector.shape_cast %get3A_547 : vector<1x16xi32> to vector<16xi32>
    %iota3A_549 = tpu.iota {dimensions = array<i32: 0>} : vector<16xi32>
    %add3A_550 = arith.constant 176 : i32
    %add3A_551 = vector.broadcast %add3A_550 : i32 to vector<16xi32>
    %add3A_552 = arith.addi %add3A_551, %iota3A_549 : vector<16xi32>
    %div3A_553 = arith.constant 20 : i32
    %div3A_554 = vector.broadcast %div3A_553 : i32 to vector<16xi32>
    %div3A_555 = arith.divsi %add3A_552, %div3A_554 : vector<16xi32>
    %add3A_556 = vector.broadcast %mul3A_2 : i32 to vector<16xi32>
    %add3A_557 = arith.addi %add3A_556, %div3A_555 : vector<16xi32>
    %mul3A_558 = arith.constant 100000 : i32
    %mul3A_559 = vector.broadcast %mul3A_558 : i32 to vector<16xi32>
    %mul3A_560 = arith.muli %add3A_557, %mul3A_559 : vector<16xi32>
    %add3A_561 = arith.addi %mul3A_560, %get3A_548 : vector<16xi32>
    %swap3A_562 = arith.constant 1 : i32
    %swap3A_563 = arith.index_cast %swap3A_562 : i32 to index
    %swap3A_564 = arith.constant 48 : index
    %swap3A_565 = tpu.vector_load %arg8[%swap3A_563, %swap3A_564] {strides = array<i32>} : memref<5x128xi32, #tpu.memory_space<vmem>>, vector<1x16xi32>,
    %swap3A_566 = vector.shape_cast %swap3A_565 : vector<1x16xi32> to vector<16xi32>
    %swap3A_567 = vector.shape_cast %add3A_561 : vector<16xi32> to vector<1x16xi32>
    tpu.vector_store %arg8[%swap3A_563, %swap3A_564], %swap3A_567 {strides = array<i32>} : memref<5x128xi32, #tpu.memory_space<vmem>>, vector<1x16xi32>,
    %eq3A_568 = arith.constant 1 : i32
    %eq3A_569 = vector.broadcast %eq3A_568 : i32 to vector<16xi32>
    %eq3A_570 = arith.cmpi eq, %get3A_548, %eq3A_569 : vector<16xi32>
    %get3A_571 = arith.constant 1 : i32
    %get3A_572 = arith.index_cast %get3A_571 : i32 to index
    %get3A_573 = arith.constant 48 : index
    %get3A_574 = tpu.vector_load %arg7[%get3A_572, %get3A_573] {strides = array<i32>} : memref<5x128xf32, #tpu.memory_space<vmem>>, vector<1x16xf32>,
    %get3A_575 = vector.shape_cast %get3A_574 : vector<1x16xf32> to vector<16xf32>
    %jit3A_576 = arith.constant 0.000000e+00 : f32
    %broadcast_in_dim3A_577 = vector.broadcast %jit3A_576 : f32 to vector<16xf32>
    %select_n3A_578 = arith.select %eq3A_570, %broadcast_in_dim3A_577, %get3A_575 : vector<16xi1>, vector<16xf32>
    %swap3A_579 = arith.constant 1 : i32
    %swap3A_580 = arith.index_cast %swap3A_579 : i32 to index
    %swap3A_581 = arith.constant 48 : index
    %swap3A_582 = tpu.vector_load %arg7[%swap3A_580, %swap3A_581] {strides = array<i32>} : memref<5x128xf32, #tpu.memory_space<vmem>>, vector<1x16xf32>,
    %swap3A_583 = vector.shape_cast %swap3A_582 : vector<1x16xf32> to vector<16xf32>
    %swap3A_584 = vector.shape_cast %select_n3A_578 : vector<16xf32> to vector<1x16xf32>
    tpu.vector_store %arg7[%swap3A_580, %swap3A_581], %swap3A_584 {strides = array<i32>} : memref<5x128xf32, #tpu.memory_space<vmem>>, vector<1x16xf32>,
    %get3A_585 = arith.constant 1 : i32
    %get3A_586 = arith.index_cast %get3A_585 : i32 to index
    %get3A_587 = arith.constant 64 : index
    %get3A_588 = tpu.vector_load %arg6[%get3A_586, %get3A_587] {strides = array<i32>} : memref<5x128xi32, #tpu.memory_space<vmem>>, vector<1x16xi32>,
    %get3A_589 = vector.shape_cast %get3A_588 : vector<1x16xi32> to vector<16xi32>
    %iota3A_590 = tpu.iota {dimensions = array<i32: 0>} : vector<16xi32>
    %add3A_591 = arith.constant 192 : i32
    %add3A_592 = vector.broadcast %add3A_591 : i32 to vector<16xi32>
    %add3A_593 = arith.addi %add3A_592, %iota3A_590 : vector<16xi32>
    %div3A_594 = arith.constant 20 : i32
    %div3A_595 = vector.broadcast %div3A_594 : i32 to vector<16xi32>
    %div3A_596 = arith.divsi %add3A_593, %div3A_595 : vector<16xi32>
    %add3A_597 = vector.broadcast %mul3A_2 : i32 to vector<16xi32>
    %add3A_598 = arith.addi %add3A_597, %div3A_596 : vector<16xi32>
    %mul3A_599 = arith.constant 100000 : i32
    %mul3A_600 = vector.broadcast %mul3A_599 : i32 to vector<16xi32>
    %mul3A_601 = arith.muli %add3A_598, %mul3A_600 : vector<16xi32>
    %add3A_602 = arith.addi %mul3A_601, %get3A_589 : vector<16xi32>
    %swap3A_603 = arith.constant 1 : i32
    %swap3A_604 = arith.index_cast %swap3A_603 : i32 to index
    %swap3A_605 = arith.constant 64 : index
    %swap3A_606 = tpu.vector_load %arg8[%swap3A_604, %swap3A_605] {strides = array<i32>} : memref<5x128xi32, #tpu.memory_space<vmem>>, vector<1x16xi32>,
    %swap3A_607 = vector.shape_cast %swap3A_606 : vector<1x16xi32> to vector<16xi32>
    %swap3A_608 = vector.shape_cast %add3A_602 : vector<16xi32> to vector<1x16xi32>
    tpu.vector_store %arg8[%swap3A_604, %swap3A_605], %swap3A_608 {strides = array<i32>} : memref<5x128xi32, #tpu.memory_space<vmem>>, vector<1x16xi32>,
    %eq3A_609 = arith.constant 1 : i32
    %eq3A_610 = vector.broadcast %eq3A_609 : i32 to vector<16xi32>
    %eq3A_611 = arith.cmpi eq, %get3A_589, %eq3A_610 : vector<16xi32>
    %get3A_612 = arith.constant 1 : i32
    %get3A_613 = arith.index_cast %get3A_612 : i32 to index
    %get3A_614 = arith.constant 64 : index
    %get3A_615 = tpu.vector_load %arg7[%get3A_613, %get3A_614] {strides = array<i32>} : memref<5x128xf32, #tpu.memory_space<vmem>>, vector<1x16xf32>,
    %get3A_616 = vector.shape_cast %get3A_615 : vector<1x16xf32> to vector<16xf32>
    %jit3A_617 = arith.constant 0.000000e+00 : f32
    %broadcast_in_dim3A_618 = vector.broadcast %jit3A_617 : f32 to vector<16xf32>
    %select_n3A_619 = arith.select %eq3A_611, %broadcast_in_dim3A_618, %get3A_616 : vector<16xi1>, vector<16xf32>
    %swap3A_620 = arith.constant 1 : i32
    %swap3A_621 = arith.index_cast %swap3A_620 : i32 to index
    %swap3A_622 = arith.constant 64 : index
    %swap3A_623 = tpu.vector_load %arg7[%swap3A_621, %swap3A_622] {strides = array<i32>} : memref<5x128xf32, #tpu.memory_space<vmem>>, vector<1x16xf32>,
    %swap3A_624 = vector.shape_cast %swap3A_623 : vector<1x16xf32> to vector<16xf32>
    %swap3A_625 = vector.shape_cast %select_n3A_619 : vector<16xf32> to vector<1x16xf32>
    tpu.vector_store %arg7[%swap3A_621, %swap3A_622], %swap3A_625 {strides = array<i32>} : memref<5x128xf32, #tpu.memory_space<vmem>>, vector<1x16xf32>,
    %get3A_626 = arith.constant 1 : i32
    %get3A_627 = arith.index_cast %get3A_626 : i32 to index
    %get3A_628 = arith.constant 80 : index
    %get3A_629 = tpu.vector_load %arg6[%get3A_627, %get3A_628] {strides = array<i32>} : memref<5x128xi32, #tpu.memory_space<vmem>>, vector<1x16xi32>,
    %get3A_630 = vector.shape_cast %get3A_629 : vector<1x16xi32> to vector<16xi32>
    %iota3A_631 = tpu.iota {dimensions = array<i32: 0>} : vector<16xi32>
    %add3A_632 = arith.constant 208 : i32
    %add3A_633 = vector.broadcast %add3A_632 : i32 to vector<16xi32>
    %add3A_634 = arith.addi %add3A_633, %iota3A_631 : vector<16xi32>
    %div3A_635 = arith.constant 20 : i32
    %div3A_636 = vector.broadcast %div3A_635 : i32 to vector<16xi32>
    %div3A_637 = arith.divsi %add3A_634, %div3A_636 : vector<16xi32>
    %add3A_638 = vector.broadcast %mul3A_2 : i32 to vector<16xi32>
    %add3A_639 = arith.addi %add3A_638, %div3A_637 : vector<16xi32>
    %mul3A_640 = arith.constant 100000 : i32
    %mul3A_641 = vector.broadcast %mul3A_640 : i32 to vector<16xi32>
    %mul3A_642 = arith.muli %add3A_639, %mul3A_641 : vector<16xi32>
    %add3A_643 = arith.addi %mul3A_642, %get3A_630 : vector<16xi32>
    %swap3A_644 = arith.constant 1 : i32
    %swap3A_645 = arith.index_cast %swap3A_644 : i32 to index
    %swap3A_646 = arith.constant 80 : index
    %swap3A_647 = tpu.vector_load %arg8[%swap3A_645, %swap3A_646] {strides = array<i32>} : memref<5x128xi32, #tpu.memory_space<vmem>>, vector<1x16xi32>,
    %swap3A_648 = vector.shape_cast %swap3A_647 : vector<1x16xi32> to vector<16xi32>
    %swap3A_649 = vector.shape_cast %add3A_643 : vector<16xi32> to vector<1x16xi32>
    tpu.vector_store %arg8[%swap3A_645, %swap3A_646], %swap3A_649 {strides = array<i32>} : memref<5x128xi32, #tpu.memory_space<vmem>>, vector<1x16xi32>,
    %eq3A_650 = arith.constant 1 : i32
    %eq3A_651 = vector.broadcast %eq3A_650 : i32 to vector<16xi32>
    %eq3A_652 = arith.cmpi eq, %get3A_630, %eq3A_651 : vector<16xi32>
    %get3A_653 = arith.constant 1 : i32
    %get3A_654 = arith.index_cast %get3A_653 : i32 to index
    %get3A_655 = arith.constant 80 : index
    %get3A_656 = tpu.vector_load %arg7[%get3A_654, %get3A_655] {strides = array<i32>} : memref<5x128xf32, #tpu.memory_space<vmem>>, vector<1x16xf32>,
    %get3A_657 = vector.shape_cast %get3A_656 : vector<1x16xf32> to vector<16xf32>
    %jit3A_658 = arith.constant 0.000000e+00 : f32
    %broadcast_in_dim3A_659 = vector.broadcast %jit3A_658 : f32 to vector<16xf32>
    %select_n3A_660 = arith.select %eq3A_652, %broadcast_in_dim3A_659, %get3A_657 : vector<16xi1>, vector<16xf32>
    %swap3A_661 = arith.constant 1 : i32
    %swap3A_662 = arith.index_cast %swap3A_661 : i32 to index
    %swap3A_663 = arith.constant 80 : index
    %swap3A_664 = tpu.vector_load %arg7[%swap3A_662, %swap3A_663] {strides = array<i32>} : memref<5x128xf32, #tpu.memory_space<vmem>>, vector<1x16xf32>,
    %swap3A_665 = vector.shape_cast %swap3A_664 : vector<1x16xf32> to vector<16xf32>
    %swap3A_666 = vector.shape_cast %select_n3A_660 : vector<16xf32> to vector<1x16xf32>
    tpu.vector_store %arg7[%swap3A_662, %swap3A_663], %swap3A_666 {strides = array<i32>} : memref<5x128xf32, #tpu.memory_space<vmem>>, vector<1x16xf32>,
    %get3A_667 = arith.constant 1 : i32
    %get3A_668 = arith.index_cast %get3A_667 : i32 to index
    %get3A_669 = arith.constant 96 : index
    %get3A_670 = tpu.vector_load %arg6[%get3A_668, %get3A_669] {strides = array<i32>} : memref<5x128xi32, #tpu.memory_space<vmem>>, vector<1x16xi32>,
    %get3A_671 = vector.shape_cast %get3A_670 : vector<1x16xi32> to vector<16xi32>
    %iota3A_672 = tpu.iota {dimensions = array<i32: 0>} : vector<16xi32>
    %add3A_673 = arith.constant 224 : i32
    %add3A_674 = vector.broadcast %add3A_673 : i32 to vector<16xi32>
    %add3A_675 = arith.addi %add3A_674, %iota3A_672 : vector<16xi32>
    %div3A_676 = arith.constant 20 : i32
    %div3A_677 = vector.broadcast %div3A_676 : i32 to vector<16xi32>
    %div3A_678 = arith.divsi %add3A_675, %div3A_677 : vector<16xi32>
    %add3A_679 = vector.broadcast %mul3A_2 : i32 to vector<16xi32>
    %add3A_680 = arith.addi %add3A_679, %div3A_678 : vector<16xi32>
    %mul3A_681 = arith.constant 100000 : i32
    %mul3A_682 = vector.broadcast %mul3A_681 : i32 to vector<16xi32>
    %mul3A_683 = arith.muli %add3A_680, %mul3A_682 : vector<16xi32>
    %add3A_684 = arith.addi %mul3A_683, %get3A_671 : vector<16xi32>
    %swap3A_685 = arith.constant 1 : i32
    %swap3A_686 = arith.index_cast %swap3A_685 : i32 to index
    %swap3A_687 = arith.constant 96 : index
    %swap3A_688 = tpu.vector_load %arg8[%swap3A_686, %swap3A_687] {strides = array<i32>} : memref<5x128xi32, #tpu.memory_space<vmem>>, vector<1x16xi32>,
    %swap3A_689 = vector.shape_cast %swap3A_688 : vector<1x16xi32> to vector<16xi32>
    %swap3A_690 = vector.shape_cast %add3A_684 : vector<16xi32> to vector<1x16xi32>
    tpu.vector_store %arg8[%swap3A_686, %swap3A_687], %swap3A_690 {strides = array<i32>} : memref<5x128xi32, #tpu.memory_space<vmem>>, vector<1x16xi32>,
    %eq3A_691 = arith.constant 1 : i32
    %eq3A_692 = vector.broadcast %eq3A_691 : i32 to vector<16xi32>
    %eq3A_693 = arith.cmpi eq, %get3A_671, %eq3A_692 : vector<16xi32>
    %get3A_694 = arith.constant 1 : i32
    %get3A_695 = arith.index_cast %get3A_694 : i32 to index
    %get3A_696 = arith.constant 96 : index
    %get3A_697 = tpu.vector_load %arg7[%get3A_695, %get3A_696] {strides = array<i32>} : memref<5x128xf32, #tpu.memory_space<vmem>>, vector<1x16xf32>,
    %get3A_698 = vector.shape_cast %get3A_697 : vector<1x16xf32> to vector<16xf32>
    %jit3A_699 = arith.constant 0.000000e+00 : f32
    %broadcast_in_dim3A_700 = vector.broadcast %jit3A_699 : f32 to vector<16xf32>
    %select_n3A_701 = arith.select %eq3A_693, %broadcast_in_dim3A_700, %get3A_698 : vector<16xi1>, vector<16xf32>
    %swap3A_702 = arith.constant 1 : i32
    %swap3A_703 = arith.index_cast %swap3A_702 : i32 to index
    %swap3A_704 = arith.constant 96 : index
    %swap3A_705 = tpu.vector_load %arg7[%swap3A_703, %swap3A_704] {strides = array<i32>} : memref<5x128xf32, #tpu.memory_space<vmem>>, vector<1x16xf32>,
    %swap3A_706 = vector.shape_cast %swap3A_705 : vector<1x16xf32> to vector<16xf32>
    %swap3A_707 = vector.shape_cast %select_n3A_701 : vector<16xf32> to vector<1x16xf32>
    tpu.vector_store %arg7[%swap3A_703, %swap3A_704], %swap3A_707 {strides = array<i32>} : memref<5x128xf32, #tpu.memory_space<vmem>>, vector<1x16xf32>,
    %get3A_708 = arith.constant 1 : i32
    %get3A_709 = arith.index_cast %get3A_708 : i32 to index
    %get3A_710 = arith.constant 112 : index
    %get3A_711 = tpu.vector_load %arg6[%get3A_709, %get3A_710] {strides = array<i32>} : memref<5x128xi32, #tpu.memory_space<vmem>>, vector<1x16xi32>,
    %get3A_712 = vector.shape_cast %get3A_711 : vector<1x16xi32> to vector<16xi32>
    %iota3A_713 = tpu.iota {dimensions = array<i32: 0>} : vector<16xi32>
    %add3A_714 = arith.constant 240 : i32
    %add3A_715 = vector.broadcast %add3A_714 : i32 to vector<16xi32>
    %add3A_716 = arith.addi %add3A_715, %iota3A_713 : vector<16xi32>
    %div3A_717 = arith.constant 20 : i32
    %div3A_718 = vector.broadcast %div3A_717 : i32 to vector<16xi32>
    %div3A_719 = arith.divsi %add3A_716, %div3A_718 : vector<16xi32>
    %add3A_720 = vector.broadcast %mul3A_2 : i32 to vector<16xi32>
    %add3A_721 = arith.addi %add3A_720, %div3A_719 : vector<16xi32>
    %mul3A_722 = arith.constant 100000 : i32
    %mul3A_723 = vector.broadcast %mul3A_722 : i32 to vector<16xi32>
    %mul3A_724 = arith.muli %add3A_721, %mul3A_723 : vector<16xi32>
    %add3A_725 = arith.addi %mul3A_724, %get3A_712 : vector<16xi32>
    %swap3A_726 = arith.constant 1 : i32
    %swap3A_727 = arith.index_cast %swap3A_726 : i32 to index
    %swap3A_728 = arith.constant 112 : index
    %swap3A_729 = tpu.vector_load %arg8[%swap3A_727, %swap3A_728] {strides = array<i32>} : memref<5x128xi32, #tpu.memory_space<vmem>>, vector<1x16xi32>,
    %swap3A_730 = vector.shape_cast %swap3A_729 : vector<1x16xi32> to vector<16xi32>
    %swap3A_731 = vector.shape_cast %add3A_725 : vector<16xi32> to vector<1x16xi32>
    tpu.vector_store %arg8[%swap3A_727, %swap3A_728], %swap3A_731 {strides = array<i32>} : memref<5x128xi32, #tpu.memory_space<vmem>>, vector<1x16xi32>,
    %eq3A_732 = arith.constant 1 : i32
    %eq3A_733 = vector.broadcast %eq3A_732 : i32 to vector<16xi32>
    %eq3A_734 = arith.cmpi eq, %get3A_712, %eq3A_733 : vector<16xi32>
    %get3A_735 = arith.constant 1 : i32
    %get3A_736 = arith.index_cast %get3A_735 : i32 to index
    %get3A_737 = arith.constant 112 : index
    %get3A_738 = tpu.vector_load %arg7[%get3A_736, %get3A_737] {strides = array<i32>} : memref<5x128xf32, #tpu.memory_space<vmem>>, vector<1x16xf32>,
    %get3A_739 = vector.shape_cast %get3A_738 : vector<1x16xf32> to vector<16xf32>
    %jit3A_740 = arith.constant 0.000000e+00 : f32
    %broadcast_in_dim3A_741 = vector.broadcast %jit3A_740 : f32 to vector<16xf32>
    %select_n3A_742 = arith.select %eq3A_734, %broadcast_in_dim3A_741, %get3A_739 : vector<16xi1>, vector<16xf32>
    %swap3A_743 = arith.constant 1 : i32
    %swap3A_744 = arith.index_cast %swap3A_743 : i32 to index
    %swap3A_745 = arith.constant 112 : index
    %swap3A_746 = tpu.vector_load %arg7[%swap3A_744, %swap3A_745] {strides = array<i32>} : memref<5x128xf32, #tpu.memory_space<vmem>>, vector<1x16xf32>,
    %swap3A_747 = vector.shape_cast %swap3A_746 : vector<1x16xf32> to vector<16xf32>
    %swap3A_748 = vector.shape_cast %select_n3A_742 : vector<16xf32> to vector<1x16xf32>
    tpu.vector_store %arg7[%swap3A_744, %swap3A_745], %swap3A_748 {strides = array<i32>} : memref<5x128xf32, #tpu.memory_space<vmem>>, vector<1x16xf32>,
    %get3A_749 = arith.constant 2 : i32
    %get3A_750 = arith.index_cast %get3A_749 : i32 to index
    %get3A_751 = arith.constant 0 : index
    %get3A_752 = tpu.vector_load %arg6[%get3A_750, %get3A_751] {strides = array<i32>} : memref<5x128xi32, #tpu.memory_space<vmem>>, vector<1x16xi32>,
    %get3A_753 = vector.shape_cast %get3A_752 : vector<1x16xi32> to vector<16xi32>
    %iota3A_754 = tpu.iota {dimensions = array<i32: 0>} : vector<16xi32>
    %add3A_755 = arith.constant 256 : i32
    %add3A_756 = vector.broadcast %add3A_755 : i32 to vector<16xi32>
    %add3A_757 = arith.addi %add3A_756, %iota3A_754 : vector<16xi32>
    %div3A_758 = arith.constant 20 : i32
    %div3A_759 = vector.broadcast %div3A_758 : i32 to vector<16xi32>
    %div3A_760 = arith.divsi %add3A_757, %div3A_759 : vector<16xi32>
    %add3A_761 = vector.broadcast %mul3A_2 : i32 to vector<16xi32>
    %add3A_762 = arith.addi %add3A_761, %div3A_760 : vector<16xi32>
    %mul3A_763 = arith.constant 100000 : i32
    %mul3A_764 = vector.broadcast %mul3A_763 : i32 to vector<16xi32>
    %mul3A_765 = arith.muli %add3A_762, %mul3A_764 : vector<16xi32>
    %add3A_766 = arith.addi %mul3A_765, %get3A_753 : vector<16xi32>
    %swap3A_767 = arith.constant 2 : i32
    %swap3A_768 = arith.index_cast %swap3A_767 : i32 to index
    %swap3A_769 = arith.constant 0 : index
    %swap3A_770 = tpu.vector_load %arg8[%swap3A_768, %swap3A_769] {strides = array<i32>} : memref<5x128xi32, #tpu.memory_space<vmem>>, vector<1x16xi32>,
    %swap3A_771 = vector.shape_cast %swap3A_770 : vector<1x16xi32> to vector<16xi32>
    %swap3A_772 = vector.shape_cast %add3A_766 : vector<16xi32> to vector<1x16xi32>
    tpu.vector_store %arg8[%swap3A_768, %swap3A_769], %swap3A_772 {strides = array<i32>} : memref<5x128xi32, #tpu.memory_space<vmem>>, vector<1x16xi32>,
    %eq3A_773 = arith.constant 1 : i32
    %eq3A_774 = vector.broadcast %eq3A_773 : i32 to vector<16xi32>
    %eq3A_775 = arith.cmpi eq, %get3A_753, %eq3A_774 : vector<16xi32>
    %get3A_776 = arith.constant 2 : i32
    %get3A_777 = arith.index_cast %get3A_776 : i32 to index
    %get3A_778 = arith.constant 0 : index
    %get3A_779 = tpu.vector_load %arg7[%get3A_777, %get3A_778] {strides = array<i32>} : memref<5x128xf32, #tpu.memory_space<vmem>>, vector<1x16xf32>,
    %get3A_780 = vector.shape_cast %get3A_779 : vector<1x16xf32> to vector<16xf32>
    %jit3A_781 = arith.constant 0.000000e+00 : f32
    %broadcast_in_dim3A_782 = vector.broadcast %jit3A_781 : f32 to vector<16xf32>
    %select_n3A_783 = arith.select %eq3A_775, %broadcast_in_dim3A_782, %get3A_780 : vector<16xi1>, vector<16xf32>
    %swap3A_784 = arith.constant 2 : i32
    %swap3A_785 = arith.index_cast %swap3A_784 : i32 to index
    %swap3A_786 = arith.constant 0 : index
    %swap3A_787 = tpu.vector_load %arg7[%swap3A_785, %swap3A_786] {strides = array<i32>} : memref<5x128xf32, #tpu.memory_space<vmem>>, vector<1x16xf32>,
    %swap3A_788 = vector.shape_cast %swap3A_787 : vector<1x16xf32> to vector<16xf32>
    %swap3A_789 = vector.shape_cast %select_n3A_783 : vector<16xf32> to vector<1x16xf32>
    tpu.vector_store %arg7[%swap3A_785, %swap3A_786], %swap3A_789 {strides = array<i32>} : memref<5x128xf32, #tpu.memory_space<vmem>>, vector<1x16xf32>,
    %get3A_790 = arith.constant 2 : i32
    %get3A_791 = arith.index_cast %get3A_790 : i32 to index
    %get3A_792 = arith.constant 16 : index
    %get3A_793 = tpu.vector_load %arg6[%get3A_791, %get3A_792] {strides = array<i32>} : memref<5x128xi32, #tpu.memory_space<vmem>>, vector<1x16xi32>,
    %get3A_794 = vector.shape_cast %get3A_793 : vector<1x16xi32> to vector<16xi32>
    %iota3A_795 = tpu.iota {dimensions = array<i32: 0>} : vector<16xi32>
    %add3A_796 = arith.constant 272 : i32
    %add3A_797 = vector.broadcast %add3A_796 : i32 to vector<16xi32>
    %add3A_798 = arith.addi %add3A_797, %iota3A_795 : vector<16xi32>
    %div3A_799 = arith.constant 20 : i32
    %div3A_800 = vector.broadcast %div3A_799 : i32 to vector<16xi32>
    %div3A_801 = arith.divsi %add3A_798, %div3A_800 : vector<16xi32>
    %add3A_802 = vector.broadcast %mul3A_2 : i32 to vector<16xi32>
    %add3A_803 = arith.addi %add3A_802, %div3A_801 : vector<16xi32>
    %mul3A_804 = arith.constant 100000 : i32
    %mul3A_805 = vector.broadcast %mul3A_804 : i32 to vector<16xi32>
    %mul3A_806 = arith.muli %add3A_803, %mul3A_805 : vector<16xi32>
    %add3A_807 = arith.addi %mul3A_806, %get3A_794 : vector<16xi32>
    %swap3A_808 = arith.constant 2 : i32
    %swap3A_809 = arith.index_cast %swap3A_808 : i32 to index
    %swap3A_810 = arith.constant 16 : index
    %swap3A_811 = tpu.vector_load %arg8[%swap3A_809, %swap3A_810] {strides = array<i32>} : memref<5x128xi32, #tpu.memory_space<vmem>>, vector<1x16xi32>,
    %swap3A_812 = vector.shape_cast %swap3A_811 : vector<1x16xi32> to vector<16xi32>
    %swap3A_813 = vector.shape_cast %add3A_807 : vector<16xi32> to vector<1x16xi32>
    tpu.vector_store %arg8[%swap3A_809, %swap3A_810], %swap3A_813 {strides = array<i32>} : memref<5x128xi32, #tpu.memory_space<vmem>>, vector<1x16xi32>,
    %eq3A_814 = arith.constant 1 : i32
    %eq3A_815 = vector.broadcast %eq3A_814 : i32 to vector<16xi32>
    %eq3A_816 = arith.cmpi eq, %get3A_794, %eq3A_815 : vector<16xi32>
    %get3A_817 = arith.constant 2 : i32
    %get3A_818 = arith.index_cast %get3A_817 : i32 to index
    %get3A_819 = arith.constant 16 : index
    %get3A_820 = tpu.vector_load %arg7[%get3A_818, %get3A_819] {strides = array<i32>} : memref<5x128xf32, #tpu.memory_space<vmem>>, vector<1x16xf32>,
    %get3A_821 = vector.shape_cast %get3A_820 : vector<1x16xf32> to vector<16xf32>
    %jit3A_822 = arith.constant 0.000000e+00 : f32
    %broadcast_in_dim3A_823 = vector.broadcast %jit3A_822 : f32 to vector<16xf32>
    %select_n3A_824 = arith.select %eq3A_816, %broadcast_in_dim3A_823, %get3A_821 : vector<16xi1>, vector<16xf32>
    %swap3A_825 = arith.constant 2 : i32
    %swap3A_826 = arith.index_cast %swap3A_825 : i32 to index
    %swap3A_827 = arith.constant 16 : index
    %swap3A_828 = tpu.vector_load %arg7[%swap3A_826, %swap3A_827] {strides = array<i32>} : memref<5x128xf32, #tpu.memory_space<vmem>>, vector<1x16xf32>,
    %swap3A_829 = vector.shape_cast %swap3A_828 : vector<1x16xf32> to vector<16xf32>
    %swap3A_830 = vector.shape_cast %select_n3A_824 : vector<16xf32> to vector<1x16xf32>
    tpu.vector_store %arg7[%swap3A_826, %swap3A_827], %swap3A_830 {strides = array<i32>} : memref<5x128xf32, #tpu.memory_space<vmem>>, vector<1x16xf32>,
    %get3A_831 = arith.constant 2 : i32
    %get3A_832 = arith.index_cast %get3A_831 : i32 to index
    %get3A_833 = arith.constant 32 : index
    %get3A_834 = tpu.vector_load %arg6[%get3A_832, %get3A_833] {strides = array<i32>} : memref<5x128xi32, #tpu.memory_space<vmem>>, vector<1x16xi32>,
    %get3A_835 = vector.shape_cast %get3A_834 : vector<1x16xi32> to vector<16xi32>
    %iota3A_836 = tpu.iota {dimensions = array<i32: 0>} : vector<16xi32>
    %add3A_837 = arith.constant 288 : i32
    %add3A_838 = vector.broadcast %add3A_837 : i32 to vector<16xi32>
    %add3A_839 = arith.addi %add3A_838, %iota3A_836 : vector<16xi32>
    %div3A_840 = arith.constant 20 : i32
    %div3A_841 = vector.broadcast %div3A_840 : i32 to vector<16xi32>
    %div3A_842 = arith.divsi %add3A_839, %div3A_841 : vector<16xi32>
    %add3A_843 = vector.broadcast %mul3A_2 : i32 to vector<16xi32>
    %add3A_844 = arith.addi %add3A_843, %div3A_842 : vector<16xi32>
    %mul3A_845 = arith.constant 100000 : i32
    %mul3A_846 = vector.broadcast %mul3A_845 : i32 to vector<16xi32>
    %mul3A_847 = arith.muli %add3A_844, %mul3A_846 : vector<16xi32>
    %add3A_848 = arith.addi %mul3A_847, %get3A_835 : vector<16xi32>
    %swap3A_849 = arith.constant 2 : i32
    %swap3A_850 = arith.index_cast %swap3A_849 : i32 to index
    %swap3A_851 = arith.constant 32 : index
    %swap3A_852 = tpu.vector_load %arg8[%swap3A_850, %swap3A_851] {strides = array<i32>} : memref<5x128xi32, #tpu.memory_space<vmem>>, vector<1x16xi32>,
    %swap3A_853 = vector.shape_cast %swap3A_852 : vector<1x16xi32> to vector<16xi32>
    %swap3A_854 = vector.shape_cast %add3A_848 : vector<16xi32> to vector<1x16xi32>
    tpu.vector_store %arg8[%swap3A_850, %swap3A_851], %swap3A_854 {strides = array<i32>} : memref<5x128xi32, #tpu.memory_space<vmem>>, vector<1x16xi32>,
    %eq3A_855 = arith.constant 1 : i32
    %eq3A_856 = vector.broadcast %eq3A_855 : i32 to vector<16xi32>
    %eq3A_857 = arith.cmpi eq, %get3A_835, %eq3A_856 : vector<16xi32>
    %get3A_858 = arith.constant 2 : i32
    %get3A_859 = arith.index_cast %get3A_858 : i32 to index
    %get3A_860 = arith.constant 32 : index
    %get3A_861 = tpu.vector_load %arg7[%get3A_859, %get3A_860] {strides = array<i32>} : memref<5x128xf32, #tpu.memory_space<vmem>>, vector<1x16xf32>,
    %get3A_862 = vector.shape_cast %get3A_861 : vector<1x16xf32> to vector<16xf32>
    %jit3A_863 = arith.constant 0.000000e+00 : f32
    %broadcast_in_dim3A_864 = vector.broadcast %jit3A_863 : f32 to vector<16xf32>
    %select_n3A_865 = arith.select %eq3A_857, %broadcast_in_dim3A_864, %get3A_862 : vector<16xi1>, vector<16xf32>
    %swap3A_866 = arith.constant 2 : i32
    %swap3A_867 = arith.index_cast %swap3A_866 : i32 to index
    %swap3A_868 = arith.constant 32 : index
    %swap3A_869 = tpu.vector_load %arg7[%swap3A_867, %swap3A_868] {strides = array<i32>} : memref<5x128xf32, #tpu.memory_space<vmem>>, vector<1x16xf32>,
    %swap3A_870 = vector.shape_cast %swap3A_869 : vector<1x16xf32> to vector<16xf32>
    %swap3A_871 = vector.shape_cast %select_n3A_865 : vector<16xf32> to vector<1x16xf32>
    tpu.vector_store %arg7[%swap3A_867, %swap3A_868], %swap3A_871 {strides = array<i32>} : memref<5x128xf32, #tpu.memory_space<vmem>>, vector<1x16xf32>,
    %get3A_872 = arith.constant 2 : i32
    %get3A_873 = arith.index_cast %get3A_872 : i32 to index
    %get3A_874 = arith.constant 48 : index
    %get3A_875 = tpu.vector_load %arg6[%get3A_873, %get3A_874] {strides = array<i32>} : memref<5x128xi32, #tpu.memory_space<vmem>>, vector<1x16xi32>,
    %get3A_876 = vector.shape_cast %get3A_875 : vector<1x16xi32> to vector<16xi32>
    %iota3A_877 = tpu.iota {dimensions = array<i32: 0>} : vector<16xi32>
    %add3A_878 = arith.constant 304 : i32
    %add3A_879 = vector.broadcast %add3A_878 : i32 to vector<16xi32>
    %add3A_880 = arith.addi %add3A_879, %iota3A_877 : vector<16xi32>
    %div3A_881 = arith.constant 20 : i32
    %div3A_882 = vector.broadcast %div3A_881 : i32 to vector<16xi32>
    %div3A_883 = arith.divsi %add3A_880, %div3A_882 : vector<16xi32>
    %add3A_884 = vector.broadcast %mul3A_2 : i32 to vector<16xi32>
    %add3A_885 = arith.addi %add3A_884, %div3A_883 : vector<16xi32>
    %mul3A_886 = arith.constant 100000 : i32
    %mul3A_887 = vector.broadcast %mul3A_886 : i32 to vector<16xi32>
    %mul3A_888 = arith.muli %add3A_885, %mul3A_887 : vector<16xi32>
    %add3A_889 = arith.addi %mul3A_888, %get3A_876 : vector<16xi32>
    %swap3A_890 = arith.constant 2 : i32
    %swap3A_891 = arith.index_cast %swap3A_890 : i32 to index
    %swap3A_892 = arith.constant 48 : index
    %swap3A_893 = tpu.vector_load %arg8[%swap3A_891, %swap3A_892] {strides = array<i32>} : memref<5x128xi32, #tpu.memory_space<vmem>>, vector<1x16xi32>,
    %swap3A_894 = vector.shape_cast %swap3A_893 : vector<1x16xi32> to vector<16xi32>
    %swap3A_895 = vector.shape_cast %add3A_889 : vector<16xi32> to vector<1x16xi32>
    tpu.vector_store %arg8[%swap3A_891, %swap3A_892], %swap3A_895 {strides = array<i32>} : memref<5x128xi32, #tpu.memory_space<vmem>>, vector<1x16xi32>,
    %eq3A_896 = arith.constant 1 : i32
    %eq3A_897 = vector.broadcast %eq3A_896 : i32 to vector<16xi32>
    %eq3A_898 = arith.cmpi eq, %get3A_876, %eq3A_897 : vector<16xi32>
    %get3A_899 = arith.constant 2 : i32
    %get3A_900 = arith.index_cast %get3A_899 : i32 to index
    %get3A_901 = arith.constant 48 : index
    %get3A_902 = tpu.vector_load %arg7[%get3A_900, %get3A_901] {strides = array<i32>} : memref<5x128xf32, #tpu.memory_space<vmem>>, vector<1x16xf32>,
    %get3A_903 = vector.shape_cast %get3A_902 : vector<1x16xf32> to vector<16xf32>
    %jit3A_904 = arith.constant 0.000000e+00 : f32
    %broadcast_in_dim3A_905 = vector.broadcast %jit3A_904 : f32 to vector<16xf32>
    %select_n3A_906 = arith.select %eq3A_898, %broadcast_in_dim3A_905, %get3A_903 : vector<16xi1>, vector<16xf32>
    %swap3A_907 = arith.constant 2 : i32
    %swap3A_908 = arith.index_cast %swap3A_907 : i32 to index
    %swap3A_909 = arith.constant 48 : index
    %swap3A_910 = tpu.vector_load %arg7[%swap3A_908, %swap3A_909] {strides = array<i32>} : memref<5x128xf32, #tpu.memory_space<vmem>>, vector<1x16xf32>,
    %swap3A_911 = vector.shape_cast %swap3A_910 : vector<1x16xf32> to vector<16xf32>
    %swap3A_912 = vector.shape_cast %select_n3A_906 : vector<16xf32> to vector<1x16xf32>
    tpu.vector_store %arg7[%swap3A_908, %swap3A_909], %swap3A_912 {strides = array<i32>} : memref<5x128xf32, #tpu.memory_space<vmem>>, vector<1x16xf32>,
    %get3A_913 = arith.constant 2 : i32
    %get3A_914 = arith.index_cast %get3A_913 : i32 to index
    %get3A_915 = arith.constant 64 : index
    %get3A_916 = tpu.vector_load %arg6[%get3A_914, %get3A_915] {strides = array<i32>} : memref<5x128xi32, #tpu.memory_space<vmem>>, vector<1x16xi32>,
    %get3A_917 = vector.shape_cast %get3A_916 : vector<1x16xi32> to vector<16xi32>
    %iota3A_918 = tpu.iota {dimensions = array<i32: 0>} : vector<16xi32>
    %add3A_919 = arith.constant 320 : i32
    %add3A_920 = vector.broadcast %add3A_919 : i32 to vector<16xi32>
    %add3A_921 = arith.addi %add3A_920, %iota3A_918 : vector<16xi32>
    %div3A_922 = arith.constant 20 : i32
    %div3A_923 = vector.broadcast %div3A_922 : i32 to vector<16xi32>
    %div3A_924 = arith.divsi %add3A_921, %div3A_923 : vector<16xi32>
    %add3A_925 = vector.broadcast %mul3A_2 : i32 to vector<16xi32>
    %add3A_926 = arith.addi %add3A_925, %div3A_924 : vector<16xi32>
    %mul3A_927 = arith.constant 100000 : i32
    %mul3A_928 = vector.broadcast %mul3A_927 : i32 to vector<16xi32>
    %mul3A_929 = arith.muli %add3A_926, %mul3A_928 : vector<16xi32>
    %add3A_930 = arith.addi %mul3A_929, %get3A_917 : vector<16xi32>
    %swap3A_931 = arith.constant 2 : i32
    %swap3A_932 = arith.index_cast %swap3A_931 : i32 to index
    %swap3A_933 = arith.constant 64 : index
    %swap3A_934 = tpu.vector_load %arg8[%swap3A_932, %swap3A_933] {strides = array<i32>} : memref<5x128xi32, #tpu.memory_space<vmem>>, vector<1x16xi32>,
    %swap3A_935 = vector.shape_cast %swap3A_934 : vector<1x16xi32> to vector<16xi32>
    %swap3A_936 = vector.shape_cast %add3A_930 : vector<16xi32> to vector<1x16xi32>
    tpu.vector_store %arg8[%swap3A_932, %swap3A_933], %swap3A_936 {strides = array<i32>} : memref<5x128xi32, #tpu.memory_space<vmem>>, vector<1x16xi32>,
    %eq3A_937 = arith.constant 1 : i32
    %eq3A_938 = vector.broadcast %eq3A_937 : i32 to vector<16xi32>
    %eq3A_939 = arith.cmpi eq, %get3A_917, %eq3A_938 : vector<16xi32>
    %get3A_940 = arith.constant 2 : i32
    %get3A_941 = arith.index_cast %get3A_940 : i32 to index
    %get3A_942 = arith.constant 64 : index
    %get3A_943 = tpu.vector_load %arg7[%get3A_941, %get3A_942] {strides = array<i32>} : memref<5x128xf32, #tpu.memory_space<vmem>>, vector<1x16xf32>,
    %get3A_944 = vector.shape_cast %get3A_943 : vector<1x16xf32> to vector<16xf32>
    %jit3A_945 = arith.constant 0.000000e+00 : f32
    %broadcast_in_dim3A_946 = vector.broadcast %jit3A_945 : f32 to vector<16xf32>
    %select_n3A_947 = arith.select %eq3A_939, %broadcast_in_dim3A_946, %get3A_944 : vector<16xi1>, vector<16xf32>
    %swap3A_948 = arith.constant 2 : i32
    %swap3A_949 = arith.index_cast %swap3A_948 : i32 to index
    %swap3A_950 = arith.constant 64 : index
    %swap3A_951 = tpu.vector_load %arg7[%swap3A_949, %swap3A_950] {strides = array<i32>} : memref<5x128xf32, #tpu.memory_space<vmem>>, vector<1x16xf32>,
    %swap3A_952 = vector.shape_cast %swap3A_951 : vector<1x16xf32> to vector<16xf32>
    %swap3A_953 = vector.shape_cast %select_n3A_947 : vector<16xf32> to vector<1x16xf32>
    tpu.vector_store %arg7[%swap3A_949, %swap3A_950], %swap3A_953 {strides = array<i32>} : memref<5x128xf32, #tpu.memory_space<vmem>>, vector<1x16xf32>,
    %get3A_954 = arith.constant 2 : i32
    %get3A_955 = arith.index_cast %get3A_954 : i32 to index
    %get3A_956 = arith.constant 80 : index
    %get3A_957 = tpu.vector_load %arg6[%get3A_955, %get3A_956] {strides = array<i32>} : memref<5x128xi32, #tpu.memory_space<vmem>>, vector<1x16xi32>,
    %get3A_958 = vector.shape_cast %get3A_957 : vector<1x16xi32> to vector<16xi32>
    %iota3A_959 = tpu.iota {dimensions = array<i32: 0>} : vector<16xi32>
    %add3A_960 = arith.constant 336 : i32
    %add3A_961 = vector.broadcast %add3A_960 : i32 to vector<16xi32>
    %add3A_962 = arith.addi %add3A_961, %iota3A_959 : vector<16xi32>
    %div3A_963 = arith.constant 20 : i32
    %div3A_964 = vector.broadcast %div3A_963 : i32 to vector<16xi32>
    %div3A_965 = arith.divsi %add3A_962, %div3A_964 : vector<16xi32>
    %add3A_966 = vector.broadcast %mul3A_2 : i32 to vector<16xi32>
    %add3A_967 = arith.addi %add3A_966, %div3A_965 : vector<16xi32>
    %mul3A_968 = arith.constant 100000 : i32
    %mul3A_969 = vector.broadcast %mul3A_968 : i32 to vector<16xi32>
    %mul3A_970 = arith.muli %add3A_967, %mul3A_969 : vector<16xi32>
    %add3A_971 = arith.addi %mul3A_970, %get3A_958 : vector<16xi32>
    %swap3A_972 = arith.constant 2 : i32
    %swap3A_973 = arith.index_cast %swap3A_972 : i32 to index
    %swap3A_974 = arith.constant 80 : index
    %swap3A_975 = tpu.vector_load %arg8[%swap3A_973, %swap3A_974] {strides = array<i32>} : memref<5x128xi32, #tpu.memory_space<vmem>>, vector<1x16xi32>,
    %swap3A_976 = vector.shape_cast %swap3A_975 : vector<1x16xi32> to vector<16xi32>
    %swap3A_977 = vector.shape_cast %add3A_971 : vector<16xi32> to vector<1x16xi32>
    tpu.vector_store %arg8[%swap3A_973, %swap3A_974], %swap3A_977 {strides = array<i32>} : memref<5x128xi32, #tpu.memory_space<vmem>>, vector<1x16xi32>,
    %eq3A_978 = arith.constant 1 : i32
    %eq3A_979 = vector.broadcast %eq3A_978 : i32 to vector<16xi32>
    %eq3A_980 = arith.cmpi eq, %get3A_958, %eq3A_979 : vector<16xi32>
    %get3A_981 = arith.constant 2 : i32
    %get3A_982 = arith.index_cast %get3A_981 : i32 to index
    %get3A_983 = arith.constant 80 : index
    %get3A_984 = tpu.vector_load %arg7[%get3A_982, %get3A_983] {strides = array<i32>} : memref<5x128xf32, #tpu.memory_space<vmem>>, vector<1x16xf32>,
    %get3A_985 = vector.shape_cast %get3A_984 : vector<1x16xf32> to vector<16xf32>
    %jit3A_986 = arith.constant 0.000000e+00 : f32
    %broadcast_in_dim3A_987 = vector.broadcast %jit3A_986 : f32 to vector<16xf32>
    %select_n3A_988 = arith.select %eq3A_980, %broadcast_in_dim3A_987, %get3A_985 : vector<16xi1>, vector<16xf32>
    %swap3A_989 = arith.constant 2 : i32
    %swap3A_990 = arith.index_cast %swap3A_989 : i32 to index
    %swap3A_991 = arith.constant 80 : index
    %swap3A_992 = tpu.vector_load %arg7[%swap3A_990, %swap3A_991] {strides = array<i32>} : memref<5x128xf32, #tpu.memory_space<vmem>>, vector<1x16xf32>,
    %swap3A_993 = vector.shape_cast %swap3A_992 : vector<1x16xf32> to vector<16xf32>
    %swap3A_994 = vector.shape_cast %select_n3A_988 : vector<16xf32> to vector<1x16xf32>
    tpu.vector_store %arg7[%swap3A_990, %swap3A_991], %swap3A_994 {strides = array<i32>} : memref<5x128xf32, #tpu.memory_space<vmem>>, vector<1x16xf32>,
    %get3A_995 = arith.constant 2 : i32
    %get3A_996 = arith.index_cast %get3A_995 : i32 to index
    %get3A_997 = arith.constant 96 : index
    %get3A_998 = tpu.vector_load %arg6[%get3A_996, %get3A_997] {strides = array<i32>} : memref<5x128xi32, #tpu.memory_space<vmem>>, vector<1x16xi32>,
    %get3A_999 = vector.shape_cast %get3A_998 : vector<1x16xi32> to vector<16xi32>
    %iota3A_1000 = tpu.iota {dimensions = array<i32: 0>} : vector<16xi32>
    %add3A_1001 = arith.constant 352 : i32
    %add3A_1002 = vector.broadcast %add3A_1001 : i32 to vector<16xi32>
    %add3A_1003 = arith.addi %add3A_1002, %iota3A_1000 : vector<16xi32>
    %div3A_1004 = arith.constant 20 : i32
    %div3A_1005 = vector.broadcast %div3A_1004 : i32 to vector<16xi32>
    %div3A_1006 = arith.divsi %add3A_1003, %div3A_1005 : vector<16xi32>
    %add3A_1007 = vector.broadcast %mul3A_2 : i32 to vector<16xi32>
    %add3A_1008 = arith.addi %add3A_1007, %div3A_1006 : vector<16xi32>
    %mul3A_1009 = arith.constant 100000 : i32
    %mul3A_1010 = vector.broadcast %mul3A_1009 : i32 to vector<16xi32>
    %mul3A_1011 = arith.muli %add3A_1008, %mul3A_1010 : vector<16xi32>
    %add3A_1012 = arith.addi %mul3A_1011, %get3A_999 : vector<16xi32>
    %swap3A_1013 = arith.constant 2 : i32
    %swap3A_1014 = arith.index_cast %swap3A_1013 : i32 to index
    %swap3A_1015 = arith.constant 96 : index
    %swap3A_1016 = tpu.vector_load %arg8[%swap3A_1014, %swap3A_1015] {strides = array<i32>} : memref<5x128xi32, #tpu.memory_space<vmem>>, vector<1x16xi32>,
    %swap3A_1017 = vector.shape_cast %swap3A_1016 : vector<1x16xi32> to vector<16xi32>
    %swap3A_1018 = vector.shape_cast %add3A_1012 : vector<16xi32> to vector<1x16xi32>
    tpu.vector_store %arg8[%swap3A_1014, %swap3A_1015], %swap3A_1018 {strides = array<i32>} : memref<5x128xi32, #tpu.memory_space<vmem>>, vector<1x16xi32>,
    %eq3A_1019 = arith.constant 1 : i32
    %eq3A_1020 = vector.broadcast %eq3A_1019 : i32 to vector<16xi32>
    %eq3A_1021 = arith.cmpi eq, %get3A_999, %eq3A_1020 : vector<16xi32>
    %get3A_1022 = arith.constant 2 : i32
    %get3A_1023 = arith.index_cast %get3A_1022 : i32 to index
    %get3A_1024 = arith.constant 96 : index
    %get3A_1025 = tpu.vector_load %arg7[%get3A_1023, %get3A_1024] {strides = array<i32>} : memref<5x128xf32, #tpu.memory_space<vmem>>, vector<1x16xf32>,
    %get3A_1026 = vector.shape_cast %get3A_1025 : vector<1x16xf32> to vector<16xf32>
    %jit3A_1027 = arith.constant 0.000000e+00 : f32
    %broadcast_in_dim3A_1028 = vector.broadcast %jit3A_1027 : f32 to vector<16xf32>
    %select_n3A_1029 = arith.select %eq3A_1021, %broadcast_in_dim3A_1028, %get3A_1026 : vector<16xi1>, vector<16xf32>
    %swap3A_1030 = arith.constant 2 : i32
    %swap3A_1031 = arith.index_cast %swap3A_1030 : i32 to index
    %swap3A_1032 = arith.constant 96 : index
    %swap3A_1033 = tpu.vector_load %arg7[%swap3A_1031, %swap3A_1032] {strides = array<i32>} : memref<5x128xf32, #tpu.memory_space<vmem>>, vector<1x16xf32>,
    %swap3A_1034 = vector.shape_cast %swap3A_1033 : vector<1x16xf32> to vector<16xf32>
    %swap3A_1035 = vector.shape_cast %select_n3A_1029 : vector<16xf32> to vector<1x16xf32>
    tpu.vector_store %arg7[%swap3A_1031, %swap3A_1032], %swap3A_1035 {strides = array<i32>} : memref<5x128xf32, #tpu.memory_space<vmem>>, vector<1x16xf32>,
    %get3A_1036 = arith.constant 2 : i32
    %get3A_1037 = arith.index_cast %get3A_1036 : i32 to index
    %get3A_1038 = arith.constant 112 : index
    %get3A_1039 = tpu.vector_load %arg6[%get3A_1037, %get3A_1038] {strides = array<i32>} : memref<5x128xi32, #tpu.memory_space<vmem>>, vector<1x16xi32>,
    %get3A_1040 = vector.shape_cast %get3A_1039 : vector<1x16xi32> to vector<16xi32>
    %iota3A_1041 = tpu.iota {dimensions = array<i32: 0>} : vector<16xi32>
    %add3A_1042 = arith.constant 368 : i32
    %add3A_1043 = vector.broadcast %add3A_1042 : i32 to vector<16xi32>
    %add3A_1044 = arith.addi %add3A_1043, %iota3A_1041 : vector<16xi32>
    %div3A_1045 = arith.constant 20 : i32
    %div3A_1046 = vector.broadcast %div3A_1045 : i32 to vector<16xi32>
    %div3A_1047 = arith.divsi %add3A_1044, %div3A_1046 : vector<16xi32>
    %add3A_1048 = vector.broadcast %mul3A_2 : i32 to vector<16xi32>
    %add3A_1049 = arith.addi %add3A_1048, %div3A_1047 : vector<16xi32>
    %mul3A_1050 = arith.constant 100000 : i32
    %mul3A_1051 = vector.broadcast %mul3A_1050 : i32 to vector<16xi32>
    %mul3A_1052 = arith.muli %add3A_1049, %mul3A_1051 : vector<16xi32>
    %add3A_1053 = arith.addi %mul3A_1052, %get3A_1040 : vector<16xi32>
    %swap3A_1054 = arith.constant 2 : i32
    %swap3A_1055 = arith.index_cast %swap3A_1054 : i32 to index
    %swap3A_1056 = arith.constant 112 : index
    %swap3A_1057 = tpu.vector_load %arg8[%swap3A_1055, %swap3A_1056] {strides = array<i32>} : memref<5x128xi32, #tpu.memory_space<vmem>>, vector<1x16xi32>,
    %swap3A_1058 = vector.shape_cast %swap3A_1057 : vector<1x16xi32> to vector<16xi32>
    %swap3A_1059 = vector.shape_cast %add3A_1053 : vector<16xi32> to vector<1x16xi32>
    tpu.vector_store %arg8[%swap3A_1055, %swap3A_1056], %swap3A_1059 {strides = array<i32>} : memref<5x128xi32, #tpu.memory_space<vmem>>, vector<1x16xi32>,
    %eq3A_1060 = arith.constant 1 : i32
    %eq3A_1061 = vector.broadcast %eq3A_1060 : i32 to vector<16xi32>
    %eq3A_1062 = arith.cmpi eq, %get3A_1040, %eq3A_1061 : vector<16xi32>
    %get3A_1063 = arith.constant 2 : i32
    %get3A_1064 = arith.index_cast %get3A_1063 : i32 to index
    %get3A_1065 = arith.constant 112 : index
    %get3A_1066 = tpu.vector_load %arg7[%get3A_1064, %get3A_1065] {strides = array<i32>} : memref<5x128xf32, #tpu.memory_space<vmem>>, vector<1x16xf32>,
    %get3A_1067 = vector.shape_cast %get3A_1066 : vector<1x16xf32> to vector<16xf32>
    %jit3A_1068 = arith.constant 0.000000e+00 : f32
    %broadcast_in_dim3A_1069 = vector.broadcast %jit3A_1068 : f32 to vector<16xf32>
    %select_n3A_1070 = arith.select %eq3A_1062, %broadcast_in_dim3A_1069, %get3A_1067 : vector<16xi1>, vector<16xf32>
    %swap3A_1071 = arith.constant 2 : i32
    %swap3A_1072 = arith.index_cast %swap3A_1071 : i32 to index
    %swap3A_1073 = arith.constant 112 : index
    %swap3A_1074 = tpu.vector_load %arg7[%swap3A_1072, %swap3A_1073] {strides = array<i32>} : memref<5x128xf32, #tpu.memory_space<vmem>>, vector<1x16xf32>,
    %swap3A_1075 = vector.shape_cast %swap3A_1074 : vector<1x16xf32> to vector<16xf32>
    %swap3A_1076 = vector.shape_cast %select_n3A_1070 : vector<16xf32> to vector<1x16xf32>
    tpu.vector_store %arg7[%swap3A_1072, %swap3A_1073], %swap3A_1076 {strides = array<i32>} : memref<5x128xf32, #tpu.memory_space<vmem>>, vector<1x16xf32>,
    %get3A_1077 = arith.constant 3 : i32
    %get3A_1078 = arith.index_cast %get3A_1077 : i32 to index
    %get3A_1079 = arith.constant 0 : index
    %get3A_1080 = tpu.vector_load %arg6[%get3A_1078, %get3A_1079] {strides = array<i32>} : memref<5x128xi32, #tpu.memory_space<vmem>>, vector<1x16xi32>,
    %get3A_1081 = vector.shape_cast %get3A_1080 : vector<1x16xi32> to vector<16xi32>
    %iota3A_1082 = tpu.iota {dimensions = array<i32: 0>} : vector<16xi32>
    %add3A_1083 = arith.constant 384 : i32
    %add3A_1084 = vector.broadcast %add3A_1083 : i32 to vector<16xi32>
    %add3A_1085 = arith.addi %add3A_1084, %iota3A_1082 : vector<16xi32>
    %div3A_1086 = arith.constant 20 : i32
    %div3A_1087 = vector.broadcast %div3A_1086 : i32 to vector<16xi32>
    %div3A_1088 = arith.divsi %add3A_1085, %div3A_1087 : vector<16xi32>
    %add3A_1089 = vector.broadcast %mul3A_2 : i32 to vector<16xi32>
    %add3A_1090 = arith.addi %add3A_1089, %div3A_1088 : vector<16xi32>
    %mul3A_1091 = arith.constant 100000 : i32
    %mul3A_1092 = vector.broadcast %mul3A_1091 : i32 to vector<16xi32>
    %mul3A_1093 = arith.muli %add3A_1090, %mul3A_1092 : vector<16xi32>
    %add3A_1094 = arith.addi %mul3A_1093, %get3A_1081 : vector<16xi32>
    %swap3A_1095 = arith.constant 3 : i32
    %swap3A_1096 = arith.index_cast %swap3A_1095 : i32 to index
    %swap3A_1097 = arith.constant 0 : index
    %swap3A_1098 = tpu.vector_load %arg8[%swap3A_1096, %swap3A_1097] {strides = array<i32>} : memref<5x128xi32, #tpu.memory_space<vmem>>, vector<1x16xi32>,
    %swap3A_1099 = vector.shape_cast %swap3A_1098 : vector<1x16xi32> to vector<16xi32>
    %swap3A_1100 = vector.shape_cast %add3A_1094 : vector<16xi32> to vector<1x16xi32>
    tpu.vector_store %arg8[%swap3A_1096, %swap3A_1097], %swap3A_1100 {strides = array<i32>} : memref<5x128xi32, #tpu.memory_space<vmem>>, vector<1x16xi32>,
    %eq3A_1101 = arith.constant 1 : i32
    %eq3A_1102 = vector.broadcast %eq3A_1101 : i32 to vector<16xi32>
    %eq3A_1103 = arith.cmpi eq, %get3A_1081, %eq3A_1102 : vector<16xi32>
    %get3A_1104 = arith.constant 3 : i32
    %get3A_1105 = arith.index_cast %get3A_1104 : i32 to index
    %get3A_1106 = arith.constant 0 : index
    %get3A_1107 = tpu.vector_load %arg7[%get3A_1105, %get3A_1106] {strides = array<i32>} : memref<5x128xf32, #tpu.memory_space<vmem>>, vector<1x16xf32>,
    %get3A_1108 = vector.shape_cast %get3A_1107 : vector<1x16xf32> to vector<16xf32>
    %jit3A_1109 = arith.constant 0.000000e+00 : f32
    %broadcast_in_dim3A_1110 = vector.broadcast %jit3A_1109 : f32 to vector<16xf32>
    %select_n3A_1111 = arith.select %eq3A_1103, %broadcast_in_dim3A_1110, %get3A_1108 : vector<16xi1>, vector<16xf32>
    %swap3A_1112 = arith.constant 3 : i32
    %swap3A_1113 = arith.index_cast %swap3A_1112 : i32 to index
    %swap3A_1114 = arith.constant 0 : index
    %swap3A_1115 = tpu.vector_load %arg7[%swap3A_1113, %swap3A_1114] {strides = array<i32>} : memref<5x128xf32, #tpu.memory_space<vmem>>, vector<1x16xf32>,
    %swap3A_1116 = vector.shape_cast %swap3A_1115 : vector<1x16xf32> to vector<16xf32>
    %swap3A_1117 = vector.shape_cast %select_n3A_1111 : vector<16xf32> to vector<1x16xf32>
    tpu.vector_store %arg7[%swap3A_1113, %swap3A_1114], %swap3A_1117 {strides = array<i32>} : memref<5x128xf32, #tpu.memory_space<vmem>>, vector<1x16xf32>,
    %get3A_1118 = arith.constant 3 : i32
    %get3A_1119 = arith.index_cast %get3A_1118 : i32 to index
    %get3A_1120 = arith.constant 16 : index
    %get3A_1121 = tpu.vector_load %arg6[%get3A_1119, %get3A_1120] {strides = array<i32>} : memref<5x128xi32, #tpu.memory_space<vmem>>, vector<1x16xi32>,
    %get3A_1122 = vector.shape_cast %get3A_1121 : vector<1x16xi32> to vector<16xi32>
    %iota3A_1123 = tpu.iota {dimensions = array<i32: 0>} : vector<16xi32>
    %add3A_1124 = arith.constant 400 : i32
    %add3A_1125 = vector.broadcast %add3A_1124 : i32 to vector<16xi32>
    %add3A_1126 = arith.addi %add3A_1125, %iota3A_1123 : vector<16xi32>
    %div3A_1127 = arith.constant 20 : i32
    %div3A_1128 = vector.broadcast %div3A_1127 : i32 to vector<16xi32>
    %div3A_1129 = arith.divsi %add3A_1126, %div3A_1128 : vector<16xi32>
    %add3A_1130 = vector.broadcast %mul3A_2 : i32 to vector<16xi32>
    %add3A_1131 = arith.addi %add3A_1130, %div3A_1129 : vector<16xi32>
    %mul3A_1132 = arith.constant 100000 : i32
    %mul3A_1133 = vector.broadcast %mul3A_1132 : i32 to vector<16xi32>
    %mul3A_1134 = arith.muli %add3A_1131, %mul3A_1133 : vector<16xi32>
    %add3A_1135 = arith.addi %mul3A_1134, %get3A_1122 : vector<16xi32>
    %swap3A_1136 = arith.constant 3 : i32
    %swap3A_1137 = arith.index_cast %swap3A_1136 : i32 to index
    %swap3A_1138 = arith.constant 16 : index
    %swap3A_1139 = tpu.vector_load %arg8[%swap3A_1137, %swap3A_1138] {strides = array<i32>} : memref<5x128xi32, #tpu.memory_space<vmem>>, vector<1x16xi32>,
    %swap3A_1140 = vector.shape_cast %swap3A_1139 : vector<1x16xi32> to vector<16xi32>
    %swap3A_1141 = vector.shape_cast %add3A_1135 : vector<16xi32> to vector<1x16xi32>
    tpu.vector_store %arg8[%swap3A_1137, %swap3A_1138], %swap3A_1141 {strides = array<i32>} : memref<5x128xi32, #tpu.memory_space<vmem>>, vector<1x16xi32>,
    %eq3A_1142 = arith.constant 1 : i32
    %eq3A_1143 = vector.broadcast %eq3A_1142 : i32 to vector<16xi32>
    %eq3A_1144 = arith.cmpi eq, %get3A_1122, %eq3A_1143 : vector<16xi32>
    %get3A_1145 = arith.constant 3 : i32
    %get3A_1146 = arith.index_cast %get3A_1145 : i32 to index
    %get3A_1147 = arith.constant 16 : index
    %get3A_1148 = tpu.vector_load %arg7[%get3A_1146, %get3A_1147] {strides = array<i32>} : memref<5x128xf32, #tpu.memory_space<vmem>>, vector<1x16xf32>,
    %get3A_1149 = vector.shape_cast %get3A_1148 : vector<1x16xf32> to vector<16xf32>
    %jit3A_1150 = arith.constant 0.000000e+00 : f32
    %broadcast_in_dim3A_1151 = vector.broadcast %jit3A_1150 : f32 to vector<16xf32>
    %select_n3A_1152 = arith.select %eq3A_1144, %broadcast_in_dim3A_1151, %get3A_1149 : vector<16xi1>, vector<16xf32>
    %swap3A_1153 = arith.constant 3 : i32
    %swap3A_1154 = arith.index_cast %swap3A_1153 : i32 to index
    %swap3A_1155 = arith.constant 16 : index
    %swap3A_1156 = tpu.vector_load %arg7[%swap3A_1154, %swap3A_1155] {strides = array<i32>} : memref<5x128xf32, #tpu.memory_space<vmem>>, vector<1x16xf32>,
    %swap3A_1157 = vector.shape_cast %swap3A_1156 : vector<1x16xf32> to vector<16xf32>
    %swap3A_1158 = vector.shape_cast %select_n3A_1152 : vector<16xf32> to vector<1x16xf32>
    tpu.vector_store %arg7[%swap3A_1154, %swap3A_1155], %swap3A_1158 {strides = array<i32>} : memref<5x128xf32, #tpu.memory_space<vmem>>, vector<1x16xf32>,
    %get3A_1159 = arith.constant 3 : i32
    %get3A_1160 = arith.index_cast %get3A_1159 : i32 to index
    %get3A_1161 = arith.constant 32 : index
    %get3A_1162 = tpu.vector_load %arg6[%get3A_1160, %get3A_1161] {strides = array<i32>} : memref<5x128xi32, #tpu.memory_space<vmem>>, vector<1x16xi32>,
    %get3A_1163 = vector.shape_cast %get3A_1162 : vector<1x16xi32> to vector<16xi32>
    %iota3A_1164 = tpu.iota {dimensions = array<i32: 0>} : vector<16xi32>
    %add3A_1165 = arith.constant 416 : i32
    %add3A_1166 = vector.broadcast %add3A_1165 : i32 to vector<16xi32>
    %add3A_1167 = arith.addi %add3A_1166, %iota3A_1164 : vector<16xi32>
    %div3A_1168 = arith.constant 20 : i32
    %div3A_1169 = vector.broadcast %div3A_1168 : i32 to vector<16xi32>
    %div3A_1170 = arith.divsi %add3A_1167, %div3A_1169 : vector<16xi32>
    %add3A_1171 = vector.broadcast %mul3A_2 : i32 to vector<16xi32>
    %add3A_1172 = arith.addi %add3A_1171, %div3A_1170 : vector<16xi32>
    %mul3A_1173 = arith.constant 100000 : i32
    %mul3A_1174 = vector.broadcast %mul3A_1173 : i32 to vector<16xi32>
    %mul3A_1175 = arith.muli %add3A_1172, %mul3A_1174 : vector<16xi32>
    %add3A_1176 = arith.addi %mul3A_1175, %get3A_1163 : vector<16xi32>
    %swap3A_1177 = arith.constant 3 : i32
    %swap3A_1178 = arith.index_cast %swap3A_1177 : i32 to index
    %swap3A_1179 = arith.constant 32 : index
    %swap3A_1180 = tpu.vector_load %arg8[%swap3A_1178, %swap3A_1179] {strides = array<i32>} : memref<5x128xi32, #tpu.memory_space<vmem>>, vector<1x16xi32>,
    %swap3A_1181 = vector.shape_cast %swap3A_1180 : vector<1x16xi32> to vector<16xi32>
    %swap3A_1182 = vector.shape_cast %add3A_1176 : vector<16xi32> to vector<1x16xi32>
    tpu.vector_store %arg8[%swap3A_1178, %swap3A_1179], %swap3A_1182 {strides = array<i32>} : memref<5x128xi32, #tpu.memory_space<vmem>>, vector<1x16xi32>,
    %eq3A_1183 = arith.constant 1 : i32
    %eq3A_1184 = vector.broadcast %eq3A_1183 : i32 to vector<16xi32>
    %eq3A_1185 = arith.cmpi eq, %get3A_1163, %eq3A_1184 : vector<16xi32>
    %get3A_1186 = arith.constant 3 : i32
    %get3A_1187 = arith.index_cast %get3A_1186 : i32 to index
    %get3A_1188 = arith.constant 32 : index
    %get3A_1189 = tpu.vector_load %arg7[%get3A_1187, %get3A_1188] {strides = array<i32>} : memref<5x128xf32, #tpu.memory_space<vmem>>, vector<1x16xf32>,
    %get3A_1190 = vector.shape_cast %get3A_1189 : vector<1x16xf32> to vector<16xf32>
    %jit3A_1191 = arith.constant 0.000000e+00 : f32
    %broadcast_in_dim3A_1192 = vector.broadcast %jit3A_1191 : f32 to vector<16xf32>
    %select_n3A_1193 = arith.select %eq3A_1185, %broadcast_in_dim3A_1192, %get3A_1190 : vector<16xi1>, vector<16xf32>
    %swap3A_1194 = arith.constant 3 : i32
    %swap3A_1195 = arith.index_cast %swap3A_1194 : i32 to index
    %swap3A_1196 = arith.constant 32 : index
    %swap3A_1197 = tpu.vector_load %arg7[%swap3A_1195, %swap3A_1196] {strides = array<i32>} : memref<5x128xf32, #tpu.memory_space<vmem>>, vector<1x16xf32>,
    %swap3A_1198 = vector.shape_cast %swap3A_1197 : vector<1x16xf32> to vector<16xf32>
    %swap3A_1199 = vector.shape_cast %select_n3A_1193 : vector<16xf32> to vector<1x16xf32>
    tpu.vector_store %arg7[%swap3A_1195, %swap3A_1196], %swap3A_1199 {strides = array<i32>} : memref<5x128xf32, #tpu.memory_space<vmem>>, vector<1x16xf32>,
    %get3A_1200 = arith.constant 3 : i32
    %get3A_1201 = arith.index_cast %get3A_1200 : i32 to index
    %get3A_1202 = arith.constant 48 : index
    %get3A_1203 = tpu.vector_load %arg6[%get3A_1201, %get3A_1202] {strides = array<i32>} : memref<5x128xi32, #tpu.memory_space<vmem>>, vector<1x16xi32>,
    %get3A_1204 = vector.shape_cast %get3A_1203 : vector<1x16xi32> to vector<16xi32>
    %iota3A_1205 = tpu.iota {dimensions = array<i32: 0>} : vector<16xi32>
    %add3A_1206 = arith.constant 432 : i32
    %add3A_1207 = vector.broadcast %add3A_1206 : i32 to vector<16xi32>
    %add3A_1208 = arith.addi %add3A_1207, %iota3A_1205 : vector<16xi32>
    %div3A_1209 = arith.constant 20 : i32
    %div3A_1210 = vector.broadcast %div3A_1209 : i32 to vector<16xi32>
    %div3A_1211 = arith.divsi %add3A_1208, %div3A_1210 : vector<16xi32>
    %add3A_1212 = vector.broadcast %mul3A_2 : i32 to vector<16xi32>
    %add3A_1213 = arith.addi %add3A_1212, %div3A_1211 : vector<16xi32>
    %mul3A_1214 = arith.constant 100000 : i32
    %mul3A_1215 = vector.broadcast %mul3A_1214 : i32 to vector<16xi32>
    %mul3A_1216 = arith.muli %add3A_1213, %mul3A_1215 : vector<16xi32>
    %add3A_1217 = arith.addi %mul3A_1216, %get3A_1204 : vector<16xi32>
    %swap3A_1218 = arith.constant 3 : i32
    %swap3A_1219 = arith.index_cast %swap3A_1218 : i32 to index
    %swap3A_1220 = arith.constant 48 : index
    %swap3A_1221 = tpu.vector_load %arg8[%swap3A_1219, %swap3A_1220] {strides = array<i32>} : memref<5x128xi32, #tpu.memory_space<vmem>>, vector<1x16xi32>,
    %swap3A_1222 = vector.shape_cast %swap3A_1221 : vector<1x16xi32> to vector<16xi32>
    %swap3A_1223 = vector.shape_cast %add3A_1217 : vector<16xi32> to vector<1x16xi32>
    tpu.vector_store %arg8[%swap3A_1219, %swap3A_1220], %swap3A_1223 {strides = array<i32>} : memref<5x128xi32, #tpu.memory_space<vmem>>, vector<1x16xi32>,
    %eq3A_1224 = arith.constant 1 : i32
    %eq3A_1225 = vector.broadcast %eq3A_1224 : i32 to vector<16xi32>
    %eq3A_1226 = arith.cmpi eq, %get3A_1204, %eq3A_1225 : vector<16xi32>
    %get3A_1227 = arith.constant 3 : i32
    %get3A_1228 = arith.index_cast %get3A_1227 : i32 to index
    %get3A_1229 = arith.constant 48 : index
    %get3A_1230 = tpu.vector_load %arg7[%get3A_1228, %get3A_1229] {strides = array<i32>} : memref<5x128xf32, #tpu.memory_space<vmem>>, vector<1x16xf32>,
    %get3A_1231 = vector.shape_cast %get3A_1230 : vector<1x16xf32> to vector<16xf32>
    %jit3A_1232 = arith.constant 0.000000e+00 : f32
    %broadcast_in_dim3A_1233 = vector.broadcast %jit3A_1232 : f32 to vector<16xf32>
    %select_n3A_1234 = arith.select %eq3A_1226, %broadcast_in_dim3A_1233, %get3A_1231 : vector<16xi1>, vector<16xf32>
    %swap3A_1235 = arith.constant 3 : i32
    %swap3A_1236 = arith.index_cast %swap3A_1235 : i32 to index
    %swap3A_1237 = arith.constant 48 : index
    %swap3A_1238 = tpu.vector_load %arg7[%swap3A_1236, %swap3A_1237] {strides = array<i32>} : memref<5x128xf32, #tpu.memory_space<vmem>>, vector<1x16xf32>,
    %swap3A_1239 = vector.shape_cast %swap3A_1238 : vector<1x16xf32> to vector<16xf32>
    %swap3A_1240 = vector.shape_cast %select_n3A_1234 : vector<16xf32> to vector<1x16xf32>
    tpu.vector_store %arg7[%swap3A_1236, %swap3A_1237], %swap3A_1240 {strides = array<i32>} : memref<5x128xf32, #tpu.memory_space<vmem>>, vector<1x16xf32>,
    %get3A_1241 = arith.constant 3 : i32
    %get3A_1242 = arith.index_cast %get3A_1241 : i32 to index
    %get3A_1243 = arith.constant 64 : index
    %get3A_1244 = tpu.vector_load %arg6[%get3A_1242, %get3A_1243] {strides = array<i32>} : memref<5x128xi32, #tpu.memory_space<vmem>>, vector<1x16xi32>,
    %get3A_1245 = vector.shape_cast %get3A_1244 : vector<1x16xi32> to vector<16xi32>
    %iota3A_1246 = tpu.iota {dimensions = array<i32: 0>} : vector<16xi32>
    %add3A_1247 = arith.constant 448 : i32
    %add3A_1248 = vector.broadcast %add3A_1247 : i32 to vector<16xi32>
    %add3A_1249 = arith.addi %add3A_1248, %iota3A_1246 : vector<16xi32>
    %div3A_1250 = arith.constant 20 : i32
    %div3A_1251 = vector.broadcast %div3A_1250 : i32 to vector<16xi32>
    %div3A_1252 = arith.divsi %add3A_1249, %div3A_1251 : vector<16xi32>
    %add3A_1253 = vector.broadcast %mul3A_2 : i32 to vector<16xi32>
    %add3A_1254 = arith.addi %add3A_1253, %div3A_1252 : vector<16xi32>
    %mul3A_1255 = arith.constant 100000 : i32
    %mul3A_1256 = vector.broadcast %mul3A_1255 : i32 to vector<16xi32>
    %mul3A_1257 = arith.muli %add3A_1254, %mul3A_1256 : vector<16xi32>
    %add3A_1258 = arith.addi %mul3A_1257, %get3A_1245 : vector<16xi32>
    %swap3A_1259 = arith.constant 3 : i32
    %swap3A_1260 = arith.index_cast %swap3A_1259 : i32 to index
    %swap3A_1261 = arith.constant 64 : index
    %swap3A_1262 = tpu.vector_load %arg8[%swap3A_1260, %swap3A_1261] {strides = array<i32>} : memref<5x128xi32, #tpu.memory_space<vmem>>, vector<1x16xi32>,
    %swap3A_1263 = vector.shape_cast %swap3A_1262 : vector<1x16xi32> to vector<16xi32>
    %swap3A_1264 = vector.shape_cast %add3A_1258 : vector<16xi32> to vector<1x16xi32>
    tpu.vector_store %arg8[%swap3A_1260, %swap3A_1261], %swap3A_1264 {strides = array<i32>} : memref<5x128xi32, #tpu.memory_space<vmem>>, vector<1x16xi32>,
    %eq3A_1265 = arith.constant 1 : i32
    %eq3A_1266 = vector.broadcast %eq3A_1265 : i32 to vector<16xi32>
    %eq3A_1267 = arith.cmpi eq, %get3A_1245, %eq3A_1266 : vector<16xi32>
    %get3A_1268 = arith.constant 3 : i32
    %get3A_1269 = arith.index_cast %get3A_1268 : i32 to index
    %get3A_1270 = arith.constant 64 : index
    %get3A_1271 = tpu.vector_load %arg7[%get3A_1269, %get3A_1270] {strides = array<i32>} : memref<5x128xf32, #tpu.memory_space<vmem>>, vector<1x16xf32>,
    %get3A_1272 = vector.shape_cast %get3A_1271 : vector<1x16xf32> to vector<16xf32>
    %jit3A_1273 = arith.constant 0.000000e+00 : f32
    %broadcast_in_dim3A_1274 = vector.broadcast %jit3A_1273 : f32 to vector<16xf32>
    %select_n3A_1275 = arith.select %eq3A_1267, %broadcast_in_dim3A_1274, %get3A_1272 : vector<16xi1>, vector<16xf32>
    %swap3A_1276 = arith.constant 3 : i32
    %swap3A_1277 = arith.index_cast %swap3A_1276 : i32 to index
    %swap3A_1278 = arith.constant 64 : index
    %swap3A_1279 = tpu.vector_load %arg7[%swap3A_1277, %swap3A_1278] {strides = array<i32>} : memref<5x128xf32, #tpu.memory_space<vmem>>, vector<1x16xf32>,
    %swap3A_1280 = vector.shape_cast %swap3A_1279 : vector<1x16xf32> to vector<16xf32>
    %swap3A_1281 = vector.shape_cast %select_n3A_1275 : vector<16xf32> to vector<1x16xf32>
    tpu.vector_store %arg7[%swap3A_1277, %swap3A_1278], %swap3A_1281 {strides = array<i32>} : memref<5x128xf32, #tpu.memory_space<vmem>>, vector<1x16xf32>,
    %get3A_1282 = arith.constant 3 : i32
    %get3A_1283 = arith.index_cast %get3A_1282 : i32 to index
    %get3A_1284 = arith.constant 80 : index
    %get3A_1285 = tpu.vector_load %arg6[%get3A_1283, %get3A_1284] {strides = array<i32>} : memref<5x128xi32, #tpu.memory_space<vmem>>, vector<1x16xi32>,
    %get3A_1286 = vector.shape_cast %get3A_1285 : vector<1x16xi32> to vector<16xi32>
    %iota3A_1287 = tpu.iota {dimensions = array<i32: 0>} : vector<16xi32>
    %add3A_1288 = arith.constant 464 : i32
    %add3A_1289 = vector.broadcast %add3A_1288 : i32 to vector<16xi32>
    %add3A_1290 = arith.addi %add3A_1289, %iota3A_1287 : vector<16xi32>
    %div3A_1291 = arith.constant 20 : i32
    %div3A_1292 = vector.broadcast %div3A_1291 : i32 to vector<16xi32>
    %div3A_1293 = arith.divsi %add3A_1290, %div3A_1292 : vector<16xi32>
    %add3A_1294 = vector.broadcast %mul3A_2 : i32 to vector<16xi32>
    %add3A_1295 = arith.addi %add3A_1294, %div3A_1293 : vector<16xi32>
    %mul3A_1296 = arith.constant 100000 : i32
    %mul3A_1297 = vector.broadcast %mul3A_1296 : i32 to vector<16xi32>
    %mul3A_1298 = arith.muli %add3A_1295, %mul3A_1297 : vector<16xi32>
    %add3A_1299 = arith.addi %mul3A_1298, %get3A_1286 : vector<16xi32>
    %swap3A_1300 = arith.constant 3 : i32
    %swap3A_1301 = arith.index_cast %swap3A_1300 : i32 to index
    %swap3A_1302 = arith.constant 80 : index
    %swap3A_1303 = tpu.vector_load %arg8[%swap3A_1301, %swap3A_1302] {strides = array<i32>} : memref<5x128xi32, #tpu.memory_space<vmem>>, vector<1x16xi32>,
    %swap3A_1304 = vector.shape_cast %swap3A_1303 : vector<1x16xi32> to vector<16xi32>
    %swap3A_1305 = vector.shape_cast %add3A_1299 : vector<16xi32> to vector<1x16xi32>
    tpu.vector_store %arg8[%swap3A_1301, %swap3A_1302], %swap3A_1305 {strides = array<i32>} : memref<5x128xi32, #tpu.memory_space<vmem>>, vector<1x16xi32>,
    %eq3A_1306 = arith.constant 1 : i32
    %eq3A_1307 = vector.broadcast %eq3A_1306 : i32 to vector<16xi32>
    %eq3A_1308 = arith.cmpi eq, %get3A_1286, %eq3A_1307 : vector<16xi32>
    %get3A_1309 = arith.constant 3 : i32
    %get3A_1310 = arith.index_cast %get3A_1309 : i32 to index
    %get3A_1311 = arith.constant 80 : index
    %get3A_1312 = tpu.vector_load %arg7[%get3A_1310, %get3A_1311] {strides = array<i32>} : memref<5x128xf32, #tpu.memory_space<vmem>>, vector<1x16xf32>,
    %get3A_1313 = vector.shape_cast %get3A_1312 : vector<1x16xf32> to vector<16xf32>
    %jit3A_1314 = arith.constant 0.000000e+00 : f32
    %broadcast_in_dim3A_1315 = vector.broadcast %jit3A_1314 : f32 to vector<16xf32>
    %select_n3A_1316 = arith.select %eq3A_1308, %broadcast_in_dim3A_1315, %get3A_1313 : vector<16xi1>, vector<16xf32>
    %swap3A_1317 = arith.constant 3 : i32
    %swap3A_1318 = arith.index_cast %swap3A_1317 : i32 to index
    %swap3A_1319 = arith.constant 80 : index
    %swap3A_1320 = tpu.vector_load %arg7[%swap3A_1318, %swap3A_1319] {strides = array<i32>} : memref<5x128xf32, #tpu.memory_space<vmem>>, vector<1x16xf32>,
    %swap3A_1321 = vector.shape_cast %swap3A_1320 : vector<1x16xf32> to vector<16xf32>
    %swap3A_1322 = vector.shape_cast %select_n3A_1316 : vector<16xf32> to vector<1x16xf32>
    tpu.vector_store %arg7[%swap3A_1318, %swap3A_1319], %swap3A_1322 {strides = array<i32>} : memref<5x128xf32, #tpu.memory_space<vmem>>, vector<1x16xf32>,
    %get3A_1323 = arith.constant 3 : i32
    %get3A_1324 = arith.index_cast %get3A_1323 : i32 to index
    %get3A_1325 = arith.constant 96 : index
    %get3A_1326 = tpu.vector_load %arg6[%get3A_1324, %get3A_1325] {strides = array<i32>} : memref<5x128xi32, #tpu.memory_space<vmem>>, vector<1x16xi32>,
    %get3A_1327 = vector.shape_cast %get3A_1326 : vector<1x16xi32> to vector<16xi32>
    %iota3A_1328 = tpu.iota {dimensions = array<i32: 0>} : vector<16xi32>
    %add3A_1329 = arith.constant 480 : i32
    %add3A_1330 = vector.broadcast %add3A_1329 : i32 to vector<16xi32>
    %add3A_1331 = arith.addi %add3A_1330, %iota3A_1328 : vector<16xi32>
    %div3A_1332 = arith.constant 20 : i32
    %div3A_1333 = vector.broadcast %div3A_1332 : i32 to vector<16xi32>
    %div3A_1334 = arith.divsi %add3A_1331, %div3A_1333 : vector<16xi32>
    %add3A_1335 = vector.broadcast %mul3A_2 : i32 to vector<16xi32>
    %add3A_1336 = arith.addi %add3A_1335, %div3A_1334 : vector<16xi32>
    %mul3A_1337 = arith.constant 100000 : i32
    %mul3A_1338 = vector.broadcast %mul3A_1337 : i32 to vector<16xi32>
    %mul3A_1339 = arith.muli %add3A_1336, %mul3A_1338 : vector<16xi32>
    %add3A_1340 = arith.addi %mul3A_1339, %get3A_1327 : vector<16xi32>
    %swap3A_1341 = arith.constant 3 : i32
    %swap3A_1342 = arith.index_cast %swap3A_1341 : i32 to index
    %swap3A_1343 = arith.constant 96 : index
    %swap3A_1344 = tpu.vector_load %arg8[%swap3A_1342, %swap3A_1343] {strides = array<i32>} : memref<5x128xi32, #tpu.memory_space<vmem>>, vector<1x16xi32>,
    %swap3A_1345 = vector.shape_cast %swap3A_1344 : vector<1x16xi32> to vector<16xi32>
    %swap3A_1346 = vector.shape_cast %add3A_1340 : vector<16xi32> to vector<1x16xi32>
    tpu.vector_store %arg8[%swap3A_1342, %swap3A_1343], %swap3A_1346 {strides = array<i32>} : memref<5x128xi32, #tpu.memory_space<vmem>>, vector<1x16xi32>,
    %eq3A_1347 = arith.constant 1 : i32
    %eq3A_1348 = vector.broadcast %eq3A_1347 : i32 to vector<16xi32>
    %eq3A_1349 = arith.cmpi eq, %get3A_1327, %eq3A_1348 : vector<16xi32>
    %get3A_1350 = arith.constant 3 : i32
    %get3A_1351 = arith.index_cast %get3A_1350 : i32 to index
    %get3A_1352 = arith.constant 96 : index
    %get3A_1353 = tpu.vector_load %arg7[%get3A_1351, %get3A_1352] {strides = array<i32>} : memref<5x128xf32, #tpu.memory_space<vmem>>, vector<1x16xf32>,
    %get3A_1354 = vector.shape_cast %get3A_1353 : vector<1x16xf32> to vector<16xf32>
    %jit3A_1355 = arith.constant 0.000000e+00 : f32
    %broadcast_in_dim3A_1356 = vector.broadcast %jit3A_1355 : f32 to vector<16xf32>
    %select_n3A_1357 = arith.select %eq3A_1349, %broadcast_in_dim3A_1356, %get3A_1354 : vector<16xi1>, vector<16xf32>
    %swap3A_1358 = arith.constant 3 : i32
    %swap3A_1359 = arith.index_cast %swap3A_1358 : i32 to index
    %swap3A_1360 = arith.constant 96 : index
    %swap3A_1361 = tpu.vector_load %arg7[%swap3A_1359, %swap3A_1360] {strides = array<i32>} : memref<5x128xf32, #tpu.memory_space<vmem>>, vector<1x16xf32>,
    %swap3A_1362 = vector.shape_cast %swap3A_1361 : vector<1x16xf32> to vector<16xf32>
    %swap3A_1363 = vector.shape_cast %select_n3A_1357 : vector<16xf32> to vector<1x16xf32>
    tpu.vector_store %arg7[%swap3A_1359, %swap3A_1360], %swap3A_1363 {strides = array<i32>} : memref<5x128xf32, #tpu.memory_space<vmem>>, vector<1x16xf32>,
    %get3A_1364 = arith.constant 3 : i32
    %get3A_1365 = arith.index_cast %get3A_1364 : i32 to index
    %get3A_1366 = arith.constant 112 : index
    %get3A_1367 = tpu.vector_load %arg6[%get3A_1365, %get3A_1366] {strides = array<i32>} : memref<5x128xi32, #tpu.memory_space<vmem>>, vector<1x16xi32>,
    %get3A_1368 = vector.shape_cast %get3A_1367 : vector<1x16xi32> to vector<16xi32>
    %iota3A_1369 = tpu.iota {dimensions = array<i32: 0>} : vector<16xi32>
    %add3A_1370 = arith.constant 496 : i32
    %add3A_1371 = vector.broadcast %add3A_1370 : i32 to vector<16xi32>
    %add3A_1372 = arith.addi %add3A_1371, %iota3A_1369 : vector<16xi32>
    %div3A_1373 = arith.constant 20 : i32
    %div3A_1374 = vector.broadcast %div3A_1373 : i32 to vector<16xi32>
    %div3A_1375 = arith.divsi %add3A_1372, %div3A_1374 : vector<16xi32>
    %add3A_1376 = vector.broadcast %mul3A_2 : i32 to vector<16xi32>
    %add3A_1377 = arith.addi %add3A_1376, %div3A_1375 : vector<16xi32>
    %mul3A_1378 = arith.constant 100000 : i32
    %mul3A_1379 = vector.broadcast %mul3A_1378 : i32 to vector<16xi32>
    %mul3A_1380 = arith.muli %add3A_1377, %mul3A_1379 : vector<16xi32>
    %add3A_1381 = arith.addi %mul3A_1380, %get3A_1368 : vector<16xi32>
    %swap3A_1382 = arith.constant 3 : i32
    %swap3A_1383 = arith.index_cast %swap3A_1382 : i32 to index
    %swap3A_1384 = arith.constant 112 : index
    %swap3A_1385 = tpu.vector_load %arg8[%swap3A_1383, %swap3A_1384] {strides = array<i32>} : memref<5x128xi32, #tpu.memory_space<vmem>>, vector<1x16xi32>,
    %swap3A_1386 = vector.shape_cast %swap3A_1385 : vector<1x16xi32> to vector<16xi32>
    %swap3A_1387 = vector.shape_cast %add3A_1381 : vector<16xi32> to vector<1x16xi32>
    tpu.vector_store %arg8[%swap3A_1383, %swap3A_1384], %swap3A_1387 {strides = array<i32>} : memref<5x128xi32, #tpu.memory_space<vmem>>, vector<1x16xi32>,
    %eq3A_1388 = arith.constant 1 : i32
    %eq3A_1389 = vector.broadcast %eq3A_1388 : i32 to vector<16xi32>
    %eq3A_1390 = arith.cmpi eq, %get3A_1368, %eq3A_1389 : vector<16xi32>
    %get3A_1391 = arith.constant 3 : i32
    %get3A_1392 = arith.index_cast %get3A_1391 : i32 to index
    %get3A_1393 = arith.constant 112 : index
    %get3A_1394 = tpu.vector_load %arg7[%get3A_1392, %get3A_1393] {strides = array<i32>} : memref<5x128xf32, #tpu.memory_space<vmem>>, vector<1x16xf32>,
    %get3A_1395 = vector.shape_cast %get3A_1394 : vector<1x16xf32> to vector<16xf32>
    %jit3A_1396 = arith.constant 0.000000e+00 : f32
    %broadcast_in_dim3A_1397 = vector.broadcast %jit3A_1396 : f32 to vector<16xf32>
    %select_n3A_1398 = arith.select %eq3A_1390, %broadcast_in_dim3A_1397, %get3A_1395 : vector<16xi1>, vector<16xf32>
    %swap3A_1399 = arith.constant 3 : i32
    %swap3A_1400 = arith.index_cast %swap3A_1399 : i32 to index
    %swap3A_1401 = arith.constant 112 : index
    %swap3A_1402 = tpu.vector_load %arg7[%swap3A_1400, %swap3A_1401] {strides = array<i32>} : memref<5x128xf32, #tpu.memory_space<vmem>>, vector<1x16xf32>,
    %swap3A_1403 = vector.shape_cast %swap3A_1402 : vector<1x16xf32> to vector<16xf32>
    %swap3A_1404 = vector.shape_cast %select_n3A_1398 : vector<16xf32> to vector<1x16xf32>
    tpu.vector_store %arg7[%swap3A_1400, %swap3A_1401], %swap3A_1404 {strides = array<i32>} : memref<5x128xf32, #tpu.memory_space<vmem>>, vector<1x16xf32>,
    %get3A_1405 = arith.constant 4 : i32
    %get3A_1406 = arith.index_cast %get3A_1405 : i32 to index
    %get3A_1407 = arith.constant 0 : index
    %get3A_1408 = tpu.vector_load %arg6[%get3A_1406, %get3A_1407] {strides = array<i32>} : memref<5x128xi32, #tpu.memory_space<vmem>>, vector<1x16xi32>,
    %get3A_1409 = vector.shape_cast %get3A_1408 : vector<1x16xi32> to vector<16xi32>
    %iota3A_1410 = tpu.iota {dimensions = array<i32: 0>} : vector<16xi32>
    %add3A_1411 = arith.constant 512 : i32
    %add3A_1412 = vector.broadcast %add3A_1411 : i32 to vector<16xi32>
    %add3A_1413 = arith.addi %add3A_1412, %iota3A_1410 : vector<16xi32>
    %div3A_1414 = arith.constant 20 : i32
    %div3A_1415 = vector.broadcast %div3A_1414 : i32 to vector<16xi32>
    %div3A_1416 = arith.divsi %add3A_1413, %div3A_1415 : vector<16xi32>
    %add3A_1417 = vector.broadcast %mul3A_2 : i32 to vector<16xi32>
    %add3A_1418 = arith.addi %add3A_1417, %div3A_1416 : vector<16xi32>
    %mul3A_1419 = arith.constant 100000 : i32
    %mul3A_1420 = vector.broadcast %mul3A_1419 : i32 to vector<16xi32>
    %mul3A_1421 = arith.muli %add3A_1418, %mul3A_1420 : vector<16xi32>
    %add3A_1422 = arith.addi %mul3A_1421, %get3A_1409 : vector<16xi32>
    %swap3A_1423 = arith.constant 4 : i32
    %swap3A_1424 = arith.index_cast %swap3A_1423 : i32 to index
    %swap3A_1425 = arith.constant 0 : index
    %swap3A_1426 = tpu.vector_load %arg8[%swap3A_1424, %swap3A_1425] {strides = array<i32>} : memref<5x128xi32, #tpu.memory_space<vmem>>, vector<1x16xi32>,
    %swap3A_1427 = vector.shape_cast %swap3A_1426 : vector<1x16xi32> to vector<16xi32>
    %swap3A_1428 = vector.shape_cast %add3A_1422 : vector<16xi32> to vector<1x16xi32>
    tpu.vector_store %arg8[%swap3A_1424, %swap3A_1425], %swap3A_1428 {strides = array<i32>} : memref<5x128xi32, #tpu.memory_space<vmem>>, vector<1x16xi32>,
    %eq3A_1429 = arith.constant 1 : i32
    %eq3A_1430 = vector.broadcast %eq3A_1429 : i32 to vector<16xi32>
    %eq3A_1431 = arith.cmpi eq, %get3A_1409, %eq3A_1430 : vector<16xi32>
    %get3A_1432 = arith.constant 4 : i32
    %get3A_1433 = arith.index_cast %get3A_1432 : i32 to index
    %get3A_1434 = arith.constant 0 : index
    %get3A_1435 = tpu.vector_load %arg7[%get3A_1433, %get3A_1434] {strides = array<i32>} : memref<5x128xf32, #tpu.memory_space<vmem>>, vector<1x16xf32>,
    %get3A_1436 = vector.shape_cast %get3A_1435 : vector<1x16xf32> to vector<16xf32>
    %jit3A_1437 = arith.constant 0.000000e+00 : f32
    %broadcast_in_dim3A_1438 = vector.broadcast %jit3A_1437 : f32 to vector<16xf32>
    %select_n3A_1439 = arith.select %eq3A_1431, %broadcast_in_dim3A_1438, %get3A_1436 : vector<16xi1>, vector<16xf32>
    %swap3A_1440 = arith.constant 4 : i32
    %swap3A_1441 = arith.index_cast %swap3A_1440 : i32 to index
    %swap3A_1442 = arith.constant 0 : index
    %swap3A_1443 = tpu.vector_load %arg7[%swap3A_1441, %swap3A_1442] {strides = array<i32>} : memref<5x128xf32, #tpu.memory_space<vmem>>, vector<1x16xf32>,
    %swap3A_1444 = vector.shape_cast %swap3A_1443 : vector<1x16xf32> to vector<16xf32>
    %swap3A_1445 = vector.shape_cast %select_n3A_1439 : vector<16xf32> to vector<1x16xf32>
    tpu.vector_store %arg7[%swap3A_1441, %swap3A_1442], %swap3A_1445 {strides = array<i32>} : memref<5x128xf32, #tpu.memory_space<vmem>>, vector<1x16xf32>,
    %get3A_1446 = arith.constant 4 : i32
    %get3A_1447 = arith.index_cast %get3A_1446 : i32 to index
    %get3A_1448 = arith.constant 16 : index
    %get3A_1449 = tpu.vector_load %arg6[%get3A_1447, %get3A_1448] {strides = array<i32>} : memref<5x128xi32, #tpu.memory_space<vmem>>, vector<1x16xi32>,
    %get3A_1450 = vector.shape_cast %get3A_1449 : vector<1x16xi32> to vector<16xi32>
    %iota3A_1451 = tpu.iota {dimensions = array<i32: 0>} : vector<16xi32>
    %add3A_1452 = arith.constant 528 : i32
    %add3A_1453 = vector.broadcast %add3A_1452 : i32 to vector<16xi32>
    %add3A_1454 = arith.addi %add3A_1453, %iota3A_1451 : vector<16xi32>
    %div3A_1455 = arith.constant 20 : i32
    %div3A_1456 = vector.broadcast %div3A_1455 : i32 to vector<16xi32>
    %div3A_1457 = arith.divsi %add3A_1454, %div3A_1456 : vector<16xi32>
    %add3A_1458 = vector.broadcast %mul3A_2 : i32 to vector<16xi32>
    %add3A_1459 = arith.addi %add3A_1458, %div3A_1457 : vector<16xi32>
    %mul3A_1460 = arith.constant 100000 : i32
    %mul3A_1461 = vector.broadcast %mul3A_1460 : i32 to vector<16xi32>
    %mul3A_1462 = arith.muli %add3A_1459, %mul3A_1461 : vector<16xi32>
    %add3A_1463 = arith.addi %mul3A_1462, %get3A_1450 : vector<16xi32>
    %swap3A_1464 = arith.constant 4 : i32
    %swap3A_1465 = arith.index_cast %swap3A_1464 : i32 to index
    %swap3A_1466 = arith.constant 16 : index
    %swap3A_1467 = tpu.vector_load %arg8[%swap3A_1465, %swap3A_1466] {strides = array<i32>} : memref<5x128xi32, #tpu.memory_space<vmem>>, vector<1x16xi32>,
    %swap3A_1468 = vector.shape_cast %swap3A_1467 : vector<1x16xi32> to vector<16xi32>
    %swap3A_1469 = vector.shape_cast %add3A_1463 : vector<16xi32> to vector<1x16xi32>
    tpu.vector_store %arg8[%swap3A_1465, %swap3A_1466], %swap3A_1469 {strides = array<i32>} : memref<5x128xi32, #tpu.memory_space<vmem>>, vector<1x16xi32>,
    %eq3A_1470 = arith.constant 1 : i32
    %eq3A_1471 = vector.broadcast %eq3A_1470 : i32 to vector<16xi32>
    %eq3A_1472 = arith.cmpi eq, %get3A_1450, %eq3A_1471 : vector<16xi32>
    %get3A_1473 = arith.constant 4 : i32
    %get3A_1474 = arith.index_cast %get3A_1473 : i32 to index
    %get3A_1475 = arith.constant 16 : index
    %get3A_1476 = tpu.vector_load %arg7[%get3A_1474, %get3A_1475] {strides = array<i32>} : memref<5x128xf32, #tpu.memory_space<vmem>>, vector<1x16xf32>,
    %get3A_1477 = vector.shape_cast %get3A_1476 : vector<1x16xf32> to vector<16xf32>
    %jit3A_1478 = arith.constant 0.000000e+00 : f32
    %broadcast_in_dim3A_1479 = vector.broadcast %jit3A_1478 : f32 to vector<16xf32>
    %select_n3A_1480 = arith.select %eq3A_1472, %broadcast_in_dim3A_1479, %get3A_1477 : vector<16xi1>, vector<16xf32>
    %swap3A_1481 = arith.constant 4 : i32
    %swap3A_1482 = arith.index_cast %swap3A_1481 : i32 to index
    %swap3A_1483 = arith.constant 16 : index
    %swap3A_1484 = tpu.vector_load %arg7[%swap3A_1482, %swap3A_1483] {strides = array<i32>} : memref<5x128xf32, #tpu.memory_space<vmem>>, vector<1x16xf32>,
    %swap3A_1485 = vector.shape_cast %swap3A_1484 : vector<1x16xf32> to vector<16xf32>
    %swap3A_1486 = vector.shape_cast %select_n3A_1480 : vector<16xf32> to vector<1x16xf32>
    tpu.vector_store %arg7[%swap3A_1482, %swap3A_1483], %swap3A_1486 {strides = array<i32>} : memref<5x128xf32, #tpu.memory_space<vmem>>, vector<1x16xf32>,
    %get3A_1487 = arith.constant 4 : i32
    %get3A_1488 = arith.index_cast %get3A_1487 : i32 to index
    %get3A_1489 = arith.constant 32 : index
    %get3A_1490 = tpu.vector_load %arg6[%get3A_1488, %get3A_1489] {strides = array<i32>} : memref<5x128xi32, #tpu.memory_space<vmem>>, vector<1x16xi32>,
    %get3A_1491 = vector.shape_cast %get3A_1490 : vector<1x16xi32> to vector<16xi32>
    %iota3A_1492 = tpu.iota {dimensions = array<i32: 0>} : vector<16xi32>
    %add3A_1493 = arith.constant 544 : i32
    %add3A_1494 = vector.broadcast %add3A_1493 : i32 to vector<16xi32>
    %add3A_1495 = arith.addi %add3A_1494, %iota3A_1492 : vector<16xi32>
    %div3A_1496 = arith.constant 20 : i32
    %div3A_1497 = vector.broadcast %div3A_1496 : i32 to vector<16xi32>
    %div3A_1498 = arith.divsi %add3A_1495, %div3A_1497 : vector<16xi32>
    %add3A_1499 = vector.broadcast %mul3A_2 : i32 to vector<16xi32>
    %add3A_1500 = arith.addi %add3A_1499, %div3A_1498 : vector<16xi32>
    %mul3A_1501 = arith.constant 100000 : i32
    %mul3A_1502 = vector.broadcast %mul3A_1501 : i32 to vector<16xi32>
    %mul3A_1503 = arith.muli %add3A_1500, %mul3A_1502 : vector<16xi32>
    %add3A_1504 = arith.addi %mul3A_1503, %get3A_1491 : vector<16xi32>
    %swap3A_1505 = arith.constant 4 : i32
    %swap3A_1506 = arith.index_cast %swap3A_1505 : i32 to index
    %swap3A_1507 = arith.constant 32 : index
    %swap3A_1508 = tpu.vector_load %arg8[%swap3A_1506, %swap3A_1507] {strides = array<i32>} : memref<5x128xi32, #tpu.memory_space<vmem>>, vector<1x16xi32>,
    %swap3A_1509 = vector.shape_cast %swap3A_1508 : vector<1x16xi32> to vector<16xi32>
    %swap3A_1510 = vector.shape_cast %add3A_1504 : vector<16xi32> to vector<1x16xi32>
    tpu.vector_store %arg8[%swap3A_1506, %swap3A_1507], %swap3A_1510 {strides = array<i32>} : memref<5x128xi32, #tpu.memory_space<vmem>>, vector<1x16xi32>,
    %eq3A_1511 = arith.constant 1 : i32
    %eq3A_1512 = vector.broadcast %eq3A_1511 : i32 to vector<16xi32>
    %eq3A_1513 = arith.cmpi eq, %get3A_1491, %eq3A_1512 : vector<16xi32>
    %get3A_1514 = arith.constant 4 : i32
    %get3A_1515 = arith.index_cast %get3A_1514 : i32 to index
    %get3A_1516 = arith.constant 32 : index
    %get3A_1517 = tpu.vector_load %arg7[%get3A_1515, %get3A_1516] {strides = array<i32>} : memref<5x128xf32, #tpu.memory_space<vmem>>, vector<1x16xf32>,
    %get3A_1518 = vector.shape_cast %get3A_1517 : vector<1x16xf32> to vector<16xf32>
    %jit3A_1519 = arith.constant 0.000000e+00 : f32
    %broadcast_in_dim3A_1520 = vector.broadcast %jit3A_1519 : f32 to vector<16xf32>
    %select_n3A_1521 = arith.select %eq3A_1513, %broadcast_in_dim3A_1520, %get3A_1518 : vector<16xi1>, vector<16xf32>
    %swap3A_1522 = arith.constant 4 : i32
    %swap3A_1523 = arith.index_cast %swap3A_1522 : i32 to index
    %swap3A_1524 = arith.constant 32 : index
    %swap3A_1525 = tpu.vector_load %arg7[%swap3A_1523, %swap3A_1524] {strides = array<i32>} : memref<5x128xf32, #tpu.memory_space<vmem>>, vector<1x16xf32>,
    %swap3A_1526 = vector.shape_cast %swap3A_1525 : vector<1x16xf32> to vector<16xf32>
    %swap3A_1527 = vector.shape_cast %select_n3A_1521 : vector<16xf32> to vector<1x16xf32>
    tpu.vector_store %arg7[%swap3A_1523, %swap3A_1524], %swap3A_1527 {strides = array<i32>} : memref<5x128xf32, #tpu.memory_space<vmem>>, vector<1x16xf32>,
    %get3A_1528 = arith.constant 4 : i32
    %get3A_1529 = arith.index_cast %get3A_1528 : i32 to index
    %get3A_1530 = arith.constant 48 : index
    %get3A_1531 = tpu.vector_load %arg6[%get3A_1529, %get3A_1530] {strides = array<i32>} : memref<5x128xi32, #tpu.memory_space<vmem>>, vector<1x16xi32>,
    %get3A_1532 = vector.shape_cast %get3A_1531 : vector<1x16xi32> to vector<16xi32>
    %iota3A_1533 = tpu.iota {dimensions = array<i32: 0>} : vector<16xi32>
    %add3A_1534 = arith.constant 560 : i32
    %add3A_1535 = vector.broadcast %add3A_1534 : i32 to vector<16xi32>
    %add3A_1536 = arith.addi %add3A_1535, %iota3A_1533 : vector<16xi32>
    %div3A_1537 = arith.constant 20 : i32
    %div3A_1538 = vector.broadcast %div3A_1537 : i32 to vector<16xi32>
    %div3A_1539 = arith.divsi %add3A_1536, %div3A_1538 : vector<16xi32>
    %add3A_1540 = vector.broadcast %mul3A_2 : i32 to vector<16xi32>
    %add3A_1541 = arith.addi %add3A_1540, %div3A_1539 : vector<16xi32>
    %mul3A_1542 = arith.constant 100000 : i32
    %mul3A_1543 = vector.broadcast %mul3A_1542 : i32 to vector<16xi32>
    %mul3A_1544 = arith.muli %add3A_1541, %mul3A_1543 : vector<16xi32>
    %add3A_1545 = arith.addi %mul3A_1544, %get3A_1532 : vector<16xi32>
    %swap3A_1546 = arith.constant 4 : i32
    %swap3A_1547 = arith.index_cast %swap3A_1546 : i32 to index
    %swap3A_1548 = arith.constant 48 : index
    %swap3A_1549 = tpu.vector_load %arg8[%swap3A_1547, %swap3A_1548] {strides = array<i32>} : memref<5x128xi32, #tpu.memory_space<vmem>>, vector<1x16xi32>,
    %swap3A_1550 = vector.shape_cast %swap3A_1549 : vector<1x16xi32> to vector<16xi32>
    %swap3A_1551 = vector.shape_cast %add3A_1545 : vector<16xi32> to vector<1x16xi32>
    tpu.vector_store %arg8[%swap3A_1547, %swap3A_1548], %swap3A_1551 {strides = array<i32>} : memref<5x128xi32, #tpu.memory_space<vmem>>, vector<1x16xi32>,
    %eq3A_1552 = arith.constant 1 : i32
    %eq3A_1553 = vector.broadcast %eq3A_1552 : i32 to vector<16xi32>
    %eq3A_1554 = arith.cmpi eq, %get3A_1532, %eq3A_1553 : vector<16xi32>
    %get3A_1555 = arith.constant 4 : i32
    %get3A_1556 = arith.index_cast %get3A_1555 : i32 to index
    %get3A_1557 = arith.constant 48 : index
    %get3A_1558 = tpu.vector_load %arg7[%get3A_1556, %get3A_1557] {strides = array<i32>} : memref<5x128xf32, #tpu.memory_space<vmem>>, vector<1x16xf32>,
    %get3A_1559 = vector.shape_cast %get3A_1558 : vector<1x16xf32> to vector<16xf32>
    %jit3A_1560 = arith.constant 0.000000e+00 : f32
    %broadcast_in_dim3A_1561 = vector.broadcast %jit3A_1560 : f32 to vector<16xf32>
    %select_n3A_1562 = arith.select %eq3A_1554, %broadcast_in_dim3A_1561, %get3A_1559 : vector<16xi1>, vector<16xf32>
    %swap3A_1563 = arith.constant 4 : i32
    %swap3A_1564 = arith.index_cast %swap3A_1563 : i32 to index
    %swap3A_1565 = arith.constant 48 : index
    %swap3A_1566 = tpu.vector_load %arg7[%swap3A_1564, %swap3A_1565] {strides = array<i32>} : memref<5x128xf32, #tpu.memory_space<vmem>>, vector<1x16xf32>,
    %swap3A_1567 = vector.shape_cast %swap3A_1566 : vector<1x16xf32> to vector<16xf32>
    %swap3A_1568 = vector.shape_cast %select_n3A_1562 : vector<16xf32> to vector<1x16xf32>
    tpu.vector_store %arg7[%swap3A_1564, %swap3A_1565], %swap3A_1568 {strides = array<i32>} : memref<5x128xf32, #tpu.memory_space<vmem>>, vector<1x16xf32>,
    %get3A_1569 = arith.constant 4 : i32
    %get3A_1570 = arith.index_cast %get3A_1569 : i32 to index
    %get3A_1571 = arith.constant 64 : index
    %get3A_1572 = tpu.vector_load %arg6[%get3A_1570, %get3A_1571] {strides = array<i32>} : memref<5x128xi32, #tpu.memory_space<vmem>>, vector<1x16xi32>,
    %get3A_1573 = vector.shape_cast %get3A_1572 : vector<1x16xi32> to vector<16xi32>
    %iota3A_1574 = tpu.iota {dimensions = array<i32: 0>} : vector<16xi32>
    %add3A_1575 = arith.constant 576 : i32
    %add3A_1576 = vector.broadcast %add3A_1575 : i32 to vector<16xi32>
    %add3A_1577 = arith.addi %add3A_1576, %iota3A_1574 : vector<16xi32>
    %div3A_1578 = arith.constant 20 : i32
    %div3A_1579 = vector.broadcast %div3A_1578 : i32 to vector<16xi32>
    %div3A_1580 = arith.divsi %add3A_1577, %div3A_1579 : vector<16xi32>
    %add3A_1581 = vector.broadcast %mul3A_2 : i32 to vector<16xi32>
    %add3A_1582 = arith.addi %add3A_1581, %div3A_1580 : vector<16xi32>
    %mul3A_1583 = arith.constant 100000 : i32
    %mul3A_1584 = vector.broadcast %mul3A_1583 : i32 to vector<16xi32>
    %mul3A_1585 = arith.muli %add3A_1582, %mul3A_1584 : vector<16xi32>
    %add3A_1586 = arith.addi %mul3A_1585, %get3A_1573 : vector<16xi32>
    %swap3A_1587 = arith.constant 4 : i32
    %swap3A_1588 = arith.index_cast %swap3A_1587 : i32 to index
    %swap3A_1589 = arith.constant 64 : index
    %swap3A_1590 = tpu.vector_load %arg8[%swap3A_1588, %swap3A_1589] {strides = array<i32>} : memref<5x128xi32, #tpu.memory_space<vmem>>, vector<1x16xi32>,
    %swap3A_1591 = vector.shape_cast %swap3A_1590 : vector<1x16xi32> to vector<16xi32>
    %swap3A_1592 = vector.shape_cast %add3A_1586 : vector<16xi32> to vector<1x16xi32>
    tpu.vector_store %arg8[%swap3A_1588, %swap3A_1589], %swap3A_1592 {strides = array<i32>} : memref<5x128xi32, #tpu.memory_space<vmem>>, vector<1x16xi32>,
    %eq3A_1593 = arith.constant 1 : i32
    %eq3A_1594 = vector.broadcast %eq3A_1593 : i32 to vector<16xi32>
    %eq3A_1595 = arith.cmpi eq, %get3A_1573, %eq3A_1594 : vector<16xi32>
    %get3A_1596 = arith.constant 4 : i32
    %get3A_1597 = arith.index_cast %get3A_1596 : i32 to index
    %get3A_1598 = arith.constant 64 : index
    %get3A_1599 = tpu.vector_load %arg7[%get3A_1597, %get3A_1598] {strides = array<i32>} : memref<5x128xf32, #tpu.memory_space<vmem>>, vector<1x16xf32>,
    %get3A_1600 = vector.shape_cast %get3A_1599 : vector<1x16xf32> to vector<16xf32>
    %jit3A_1601 = arith.constant 0.000000e+00 : f32
    %broadcast_in_dim3A_1602 = vector.broadcast %jit3A_1601 : f32 to vector<16xf32>
    %select_n3A_1603 = arith.select %eq3A_1595, %broadcast_in_dim3A_1602, %get3A_1600 : vector<16xi1>, vector<16xf32>
    %swap3A_1604 = arith.constant 4 : i32
    %swap3A_1605 = arith.index_cast %swap3A_1604 : i32 to index
    %swap3A_1606 = arith.constant 64 : index
    %swap3A_1607 = tpu.vector_load %arg7[%swap3A_1605, %swap3A_1606] {strides = array<i32>} : memref<5x128xf32, #tpu.memory_space<vmem>>, vector<1x16xf32>,
    %swap3A_1608 = vector.shape_cast %swap3A_1607 : vector<1x16xf32> to vector<16xf32>
    %swap3A_1609 = vector.shape_cast %select_n3A_1603 : vector<16xf32> to vector<1x16xf32>
    tpu.vector_store %arg7[%swap3A_1605, %swap3A_1606], %swap3A_1609 {strides = array<i32>} : memref<5x128xf32, #tpu.memory_space<vmem>>, vector<1x16xf32>,
    %get3A_1610 = arith.constant 4 : i32
    %get3A_1611 = arith.index_cast %get3A_1610 : i32 to index
    %get3A_1612 = arith.constant 80 : index
    %get3A_1613 = tpu.vector_load %arg6[%get3A_1611, %get3A_1612] {strides = array<i32>} : memref<5x128xi32, #tpu.memory_space<vmem>>, vector<1x16xi32>,
    %get3A_1614 = vector.shape_cast %get3A_1613 : vector<1x16xi32> to vector<16xi32>
    %iota3A_1615 = tpu.iota {dimensions = array<i32: 0>} : vector<16xi32>
    %add3A_1616 = arith.constant 592 : i32
    %add3A_1617 = vector.broadcast %add3A_1616 : i32 to vector<16xi32>
    %add3A_1618 = arith.addi %add3A_1617, %iota3A_1615 : vector<16xi32>
    %div3A_1619 = arith.constant 20 : i32
    %div3A_1620 = vector.broadcast %div3A_1619 : i32 to vector<16xi32>
    %div3A_1621 = arith.divsi %add3A_1618, %div3A_1620 : vector<16xi32>
    %add3A_1622 = vector.broadcast %mul3A_2 : i32 to vector<16xi32>
    %add3A_1623 = arith.addi %add3A_1622, %div3A_1621 : vector<16xi32>
    %mul3A_1624 = arith.constant 100000 : i32
    %mul3A_1625 = vector.broadcast %mul3A_1624 : i32 to vector<16xi32>
    %mul3A_1626 = arith.muli %add3A_1623, %mul3A_1625 : vector<16xi32>
    %add3A_1627 = arith.addi %mul3A_1626, %get3A_1614 : vector<16xi32>
    %swap3A_1628 = arith.constant 4 : i32
    %swap3A_1629 = arith.index_cast %swap3A_1628 : i32 to index
    %swap3A_1630 = arith.constant 80 : index
    %swap3A_1631 = tpu.vector_load %arg8[%swap3A_1629, %swap3A_1630] {strides = array<i32>} : memref<5x128xi32, #tpu.memory_space<vmem>>, vector<1x16xi32>,
    %swap3A_1632 = vector.shape_cast %swap3A_1631 : vector<1x16xi32> to vector<16xi32>
    %swap3A_1633 = vector.shape_cast %add3A_1627 : vector<16xi32> to vector<1x16xi32>
    tpu.vector_store %arg8[%swap3A_1629, %swap3A_1630], %swap3A_1633 {strides = array<i32>} : memref<5x128xi32, #tpu.memory_space<vmem>>, vector<1x16xi32>,
    %eq3A_1634 = arith.constant 1 : i32
    %eq3A_1635 = vector.broadcast %eq3A_1634 : i32 to vector<16xi32>
    %eq3A_1636 = arith.cmpi eq, %get3A_1614, %eq3A_1635 : vector<16xi32>
    %get3A_1637 = arith.constant 4 : i32
    %get3A_1638 = arith.index_cast %get3A_1637 : i32 to index
    %get3A_1639 = arith.constant 80 : index
    %get3A_1640 = tpu.vector_load %arg7[%get3A_1638, %get3A_1639] {strides = array<i32>} : memref<5x128xf32, #tpu.memory_space<vmem>>, vector<1x16xf32>,
    %get3A_1641 = vector.shape_cast %get3A_1640 : vector<1x16xf32> to vector<16xf32>
    %jit3A_1642 = arith.constant 0.000000e+00 : f32
    %broadcast_in_dim3A_1643 = vector.broadcast %jit3A_1642 : f32 to vector<16xf32>
    %select_n3A_1644 = arith.select %eq3A_1636, %broadcast_in_dim3A_1643, %get3A_1641 : vector<16xi1>, vector<16xf32>
    %swap3A_1645 = arith.constant 4 : i32
    %swap3A_1646 = arith.index_cast %swap3A_1645 : i32 to index
    %swap3A_1647 = arith.constant 80 : index
    %swap3A_1648 = tpu.vector_load %arg7[%swap3A_1646, %swap3A_1647] {strides = array<i32>} : memref<5x128xf32, #tpu.memory_space<vmem>>, vector<1x16xf32>,
    %swap3A_1649 = vector.shape_cast %swap3A_1648 : vector<1x16xf32> to vector<16xf32>
    %swap3A_1650 = vector.shape_cast %select_n3A_1644 : vector<16xf32> to vector<1x16xf32>
    tpu.vector_store %arg7[%swap3A_1646, %swap3A_1647], %swap3A_1650 {strides = array<i32>} : memref<5x128xf32, #tpu.memory_space<vmem>>, vector<1x16xf32>,
    %get3A_1651 = arith.constant 4 : i32
    %get3A_1652 = arith.index_cast %get3A_1651 : i32 to index
    %get3A_1653 = arith.constant 96 : index
    %get3A_1654 = tpu.vector_load %arg6[%get3A_1652, %get3A_1653] {strides = array<i32>} : memref<5x128xi32, #tpu.memory_space<vmem>>, vector<1x16xi32>,
    %get3A_1655 = vector.shape_cast %get3A_1654 : vector<1x16xi32> to vector<16xi32>
    %iota3A_1656 = tpu.iota {dimensions = array<i32: 0>} : vector<16xi32>
    %add3A_1657 = arith.constant 608 : i32
    %add3A_1658 = vector.broadcast %add3A_1657 : i32 to vector<16xi32>
    %add3A_1659 = arith.addi %add3A_1658, %iota3A_1656 : vector<16xi32>
    %div3A_1660 = arith.constant 20 : i32
    %div3A_1661 = vector.broadcast %div3A_1660 : i32 to vector<16xi32>
    %div3A_1662 = arith.divsi %add3A_1659, %div3A_1661 : vector<16xi32>
    %add3A_1663 = vector.broadcast %mul3A_2 : i32 to vector<16xi32>
    %add3A_1664 = arith.addi %add3A_1663, %div3A_1662 : vector<16xi32>
    %mul3A_1665 = arith.constant 100000 : i32
    %mul3A_1666 = vector.broadcast %mul3A_1665 : i32 to vector<16xi32>
    %mul3A_1667 = arith.muli %add3A_1664, %mul3A_1666 : vector<16xi32>
    %add3A_1668 = arith.addi %mul3A_1667, %get3A_1655 : vector<16xi32>
    %swap3A_1669 = arith.constant 4 : i32
    %swap3A_1670 = arith.index_cast %swap3A_1669 : i32 to index
    %swap3A_1671 = arith.constant 96 : index
    %swap3A_1672 = tpu.vector_load %arg8[%swap3A_1670, %swap3A_1671] {strides = array<i32>} : memref<5x128xi32, #tpu.memory_space<vmem>>, vector<1x16xi32>,
    %swap3A_1673 = vector.shape_cast %swap3A_1672 : vector<1x16xi32> to vector<16xi32>
    %swap3A_1674 = vector.shape_cast %add3A_1668 : vector<16xi32> to vector<1x16xi32>
    tpu.vector_store %arg8[%swap3A_1670, %swap3A_1671], %swap3A_1674 {strides = array<i32>} : memref<5x128xi32, #tpu.memory_space<vmem>>, vector<1x16xi32>,
    %eq3A_1675 = arith.constant 1 : i32
    %eq3A_1676 = vector.broadcast %eq3A_1675 : i32 to vector<16xi32>
    %eq3A_1677 = arith.cmpi eq, %get3A_1655, %eq3A_1676 : vector<16xi32>
    %get3A_1678 = arith.constant 4 : i32
    %get3A_1679 = arith.index_cast %get3A_1678 : i32 to index
    %get3A_1680 = arith.constant 96 : index
    %get3A_1681 = tpu.vector_load %arg7[%get3A_1679, %get3A_1680] {strides = array<i32>} : memref<5x128xf32, #tpu.memory_space<vmem>>, vector<1x16xf32>,
    %get3A_1682 = vector.shape_cast %get3A_1681 : vector<1x16xf32> to vector<16xf32>
    %jit3A_1683 = arith.constant 0.000000e+00 : f32
    %broadcast_in_dim3A_1684 = vector.broadcast %jit3A_1683 : f32 to vector<16xf32>
    %select_n3A_1685 = arith.select %eq3A_1677, %broadcast_in_dim3A_1684, %get3A_1682 : vector<16xi1>, vector<16xf32>
    %swap3A_1686 = arith.constant 4 : i32
    %swap3A_1687 = arith.index_cast %swap3A_1686 : i32 to index
    %swap3A_1688 = arith.constant 96 : index
    %swap3A_1689 = tpu.vector_load %arg7[%swap3A_1687, %swap3A_1688] {strides = array<i32>} : memref<5x128xf32, #tpu.memory_space<vmem>>, vector<1x16xf32>,
    %swap3A_1690 = vector.shape_cast %swap3A_1689 : vector<1x16xf32> to vector<16xf32>
    %swap3A_1691 = vector.shape_cast %select_n3A_1685 : vector<16xf32> to vector<1x16xf32>
    tpu.vector_store %arg7[%swap3A_1687, %swap3A_1688], %swap3A_1691 {strides = array<i32>} : memref<5x128xf32, #tpu.memory_space<vmem>>, vector<1x16xf32>,
    %get3A_1692 = arith.constant 4 : i32
    %get3A_1693 = arith.index_cast %get3A_1692 : i32 to index
    %get3A_1694 = arith.constant 112 : index
    %get3A_1695 = tpu.vector_load %arg6[%get3A_1693, %get3A_1694] {strides = array<i32>} : memref<5x128xi32, #tpu.memory_space<vmem>>, vector<1x16xi32>,
    %get3A_1696 = vector.shape_cast %get3A_1695 : vector<1x16xi32> to vector<16xi32>
    %iota3A_1697 = tpu.iota {dimensions = array<i32: 0>} : vector<16xi32>
    %add3A_1698 = arith.constant 624 : i32
    %add3A_1699 = vector.broadcast %add3A_1698 : i32 to vector<16xi32>
    %add3A_1700 = arith.addi %add3A_1699, %iota3A_1697 : vector<16xi32>
    %div3A_1701 = arith.constant 20 : i32
    %div3A_1702 = vector.broadcast %div3A_1701 : i32 to vector<16xi32>
    %div3A_1703 = arith.divsi %add3A_1700, %div3A_1702 : vector<16xi32>
    %add3A_1704 = vector.broadcast %mul3A_2 : i32 to vector<16xi32>
    %add3A_1705 = arith.addi %add3A_1704, %div3A_1703 : vector<16xi32>
    %mul3A_1706 = arith.constant 100000 : i32
    %mul3A_1707 = vector.broadcast %mul3A_1706 : i32 to vector<16xi32>
    %mul3A_1708 = arith.muli %add3A_1705, %mul3A_1707 : vector<16xi32>
    %add3A_1709 = arith.addi %mul3A_1708, %get3A_1696 : vector<16xi32>
    %swap3A_1710 = arith.constant 4 : i32
    %swap3A_1711 = arith.index_cast %swap3A_1710 : i32 to index
    %swap3A_1712 = arith.constant 112 : index
    %swap3A_1713 = tpu.vector_load %arg8[%swap3A_1711, %swap3A_1712] {strides = array<i32>} : memref<5x128xi32, #tpu.memory_space<vmem>>, vector<1x16xi32>,
    %swap3A_1714 = vector.shape_cast %swap3A_1713 : vector<1x16xi32> to vector<16xi32>
    %swap3A_1715 = vector.shape_cast %add3A_1709 : vector<16xi32> to vector<1x16xi32>
    tpu.vector_store %arg8[%swap3A_1711, %swap3A_1712], %swap3A_1715 {strides = array<i32>} : memref<5x128xi32, #tpu.memory_space<vmem>>, vector<1x16xi32>,
    %eq3A_1716 = arith.constant 1 : i32
    %eq3A_1717 = vector.broadcast %eq3A_1716 : i32 to vector<16xi32>
    %eq3A_1718 = arith.cmpi eq, %get3A_1696, %eq3A_1717 : vector<16xi32>
    %get3A_1719 = arith.constant 4 : i32
    %get3A_1720 = arith.index_cast %get3A_1719 : i32 to index
    %get3A_1721 = arith.constant 112 : index
    %get3A_1722 = tpu.vector_load %arg7[%get3A_1720, %get3A_1721] {strides = array<i32>} : memref<5x128xf32, #tpu.memory_space<vmem>>, vector<1x16xf32>,
    %get3A_1723 = vector.shape_cast %get3A_1722 : vector<1x16xf32> to vector<16xf32>
    %jit3A_1724 = arith.constant 0.000000e+00 : f32
    %broadcast_in_dim3A_1725 = vector.broadcast %jit3A_1724 : f32 to vector<16xf32>
    %select_n3A_1726 = arith.select %eq3A_1718, %broadcast_in_dim3A_1725, %get3A_1723 : vector<16xi1>, vector<16xf32>
    %swap3A_1727 = arith.constant 4 : i32
    %swap3A_1728 = arith.index_cast %swap3A_1727 : i32 to index
    %swap3A_1729 = arith.constant 112 : index
    %swap3A_1730 = tpu.vector_load %arg7[%swap3A_1728, %swap3A_1729] {strides = array<i32>} : memref<5x128xf32, #tpu.memory_space<vmem>>, vector<1x16xf32>,
    %swap3A_1731 = vector.shape_cast %swap3A_1730 : vector<1x16xf32> to vector<16xf32>
    %swap3A_1732 = vector.shape_cast %select_n3A_1726 : vector<16xf32> to vector<1x16xf32>
    tpu.vector_store %arg7[%swap3A_1728, %swap3A_1729], %swap3A_1732 {strides = array<i32>} : memref<5x128xf32, #tpu.memory_space<vmem>>, vector<1x16xf32>,
    %dma_start3A_1733 = arith.constant 0 : i32
    %dma_start3A_1734 = arith.constant 0 : i32
    %dma_start3A_1735 = arith.constant 0 : i32
    %dma_start3A_1736 = tpu.memref_slice %arg7[%dma_start3A_1733, %dma_start3A_1735] : memref<5x128xf32, #tpu.memory_space<vmem>> -> memref<1x128xf32, #tpu.memory_space<vmem>>
    %dma_start3A_1737 = tpu.memref_squeeze %dma_start3A_1736 : memref<1x128xf32, #tpu.memory_space<vmem>> -> memref<128xf32, #tpu.memory_space<vmem>>
    %dma_start3A_1738 = arith.constant 0 : i32
    %dma_start3A_1739 = tpu.memref_slice %arg8[%dma_start3A_1734, %dma_start3A_1738] : memref<5x128xi32, #tpu.memory_space<vmem>> -> memref<1x128xi32, #tpu.memory_space<vmem>>
    %dma_start3A_1740 = tpu.memref_squeeze %dma_start3A_1739 : memref<1x128xi32, #tpu.memory_space<vmem>> -> memref<128xi32, #tpu.memory_space<vmem>>
    %dma_start3A_1741 = arith.constant 0 : i32
    %dma_start3A_1742 = tpu.memref_slice %arg4[%dma_start3A_1741] : memref<102400000xf32, #tpu.memory_space<hbm>> -> memref<102400000xf32, #tpu.memory_space<hbm>>
    tpu.enqueue_indirect_dma source(%dma_start3A_1737 : memref<128xf32, #tpu.memory_space<vmem>>) target(%dma_start3A_1742 : memref<102400000xf32, #tpu.memory_space<hbm>>) offsets(%dma_start3A_1740 : memref<128xi32, #tpu.memory_space<vmem>>) semaphore(%arg10 : memref<!tpu.dma_semaphore, #tpu.memory_space<semaphore_mem>>)
    %dma_start3A_1743 = arith.constant 1 : i32
    %dma_start3A_1744 = arith.constant 1 : i32
    %dma_start3A_1745 = arith.constant 0 : i32
    %dma_start3A_1746 = tpu.memref_slice %arg7[%dma_start3A_1743, %dma_start3A_1745] : memref<5x128xf32, #tpu.memory_space<vmem>> -> memref<1x128xf32, #tpu.memory_space<vmem>>
    %dma_start3A_1747 = tpu.memref_squeeze %dma_start3A_1746 : memref<1x128xf32, #tpu.memory_space<vmem>> -> memref<128xf32, #tpu.memory_space<vmem>>
    %dma_start3A_1748 = arith.constant 0 : i32
    %dma_start3A_1749 = tpu.memref_slice %arg8[%dma_start3A_1744, %dma_start3A_1748] : memref<5x128xi32, #tpu.memory_space<vmem>> -> memref<1x128xi32, #tpu.memory_space<vmem>>
    %dma_start3A_1750 = tpu.memref_squeeze %dma_start3A_1749 : memref<1x128xi32, #tpu.memory_space<vmem>> -> memref<128xi32, #tpu.memory_space<vmem>>
    %dma_start3A_1751 = arith.constant 0 : i32
    %dma_start3A_1752 = tpu.memref_slice %arg4[%dma_start3A_1751] : memref<102400000xf32, #tpu.memory_space<hbm>> -> memref<102400000xf32, #tpu.memory_space<hbm>>
    tpu.enqueue_indirect_dma source(%dma_start3A_1747 : memref<128xf32, #tpu.memory_space<vmem>>) target(%dma_start3A_1752 : memref<102400000xf32, #tpu.memory_space<hbm>>) offsets(%dma_start3A_1750 : memref<128xi32, #tpu.memory_space<vmem>>) semaphore(%arg10 : memref<!tpu.dma_semaphore, #tpu.memory_space<semaphore_mem>>)
    %dma_start3A_1753 = arith.constant 2 : i32
    %dma_start3A_1754 = arith.constant 2 : i32
    %dma_start3A_1755 = arith.constant 0 : i32
    %dma_start3A_1756 = tpu.memref_slice %arg7[%dma_start3A_1753, %dma_start3A_1755] : memref<5x128xf32, #tpu.memory_space<vmem>> -> memref<1x128xf32, #tpu.memory_space<vmem>>
    %dma_start3A_1757 = tpu.memref_squeeze %dma_start3A_1756 : memref<1x128xf32, #tpu.memory_space<vmem>> -> memref<128xf32, #tpu.memory_space<vmem>>
    %dma_start3A_1758 = arith.constant 0 : i32
    %dma_start3A_1759 = tpu.memref_slice %arg8[%dma_start3A_1754, %dma_start3A_1758] : memref<5x128xi32, #tpu.memory_space<vmem>> -> memref<1x128xi32, #tpu.memory_space<vmem>>
    %dma_start3A_1760 = tpu.memref_squeeze %dma_start3A_1759 : memref<1x128xi32, #tpu.memory_space<vmem>> -> memref<128xi32, #tpu.memory_space<vmem>>
    %dma_start3A_1761 = arith.constant 0 : i32
    %dma_start3A_1762 = tpu.memref_slice %arg4[%dma_start3A_1761] : memref<102400000xf32, #tpu.memory_space<hbm>> -> memref<102400000xf32, #tpu.memory_space<hbm>>
    tpu.enqueue_indirect_dma source(%dma_start3A_1757 : memref<128xf32, #tpu.memory_space<vmem>>) target(%dma_start3A_1762 : memref<102400000xf32, #tpu.memory_space<hbm>>) offsets(%dma_start3A_1760 : memref<128xi32, #tpu.memory_space<vmem>>) semaphore(%arg10 : memref<!tpu.dma_semaphore, #tpu.memory_space<semaphore_mem>>)
    %dma_start3A_1763 = arith.constant 3 : i32
    %dma_start3A_1764 = arith.constant 3 : i32
    %dma_start3A_1765 = arith.constant 0 : i32
    %dma_start3A_1766 = tpu.memref_slice %arg7[%dma_start3A_1763, %dma_start3A_1765] : memref<5x128xf32, #tpu.memory_space<vmem>> -> memref<1x128xf32, #tpu.memory_space<vmem>>
    %dma_start3A_1767 = tpu.memref_squeeze %dma_start3A_1766 : memref<1x128xf32, #tpu.memory_space<vmem>> -> memref<128xf32, #tpu.memory_space<vmem>>
    %dma_start3A_1768 = arith.constant 0 : i32
    %dma_start3A_1769 = tpu.memref_slice %arg8[%dma_start3A_1764, %dma_start3A_1768] : memref<5x128xi32, #tpu.memory_space<vmem>> -> memref<1x128xi32, #tpu.memory_space<vmem>>
    %dma_start3A_1770 = tpu.memref_squeeze %dma_start3A_1769 : memref<1x128xi32, #tpu.memory_space<vmem>> -> memref<128xi32, #tpu.memory_space<vmem>>
    %dma_start3A_1771 = arith.constant 0 : i32
    %dma_start3A_1772 = tpu.memref_slice %arg4[%dma_start3A_1771] : memref<102400000xf32, #tpu.memory_space<hbm>> -> memref<102400000xf32, #tpu.memory_space<hbm>>
    tpu.enqueue_indirect_dma source(%dma_start3A_1767 : memref<128xf32, #tpu.memory_space<vmem>>) target(%dma_start3A_1772 : memref<102400000xf32, #tpu.memory_space<hbm>>) offsets(%dma_start3A_1770 : memref<128xi32, #tpu.memory_space<vmem>>) semaphore(%arg10 : memref<!tpu.dma_semaphore, #tpu.memory_space<semaphore_mem>>)
    %dma_start3A_1773 = arith.constant 4 : i32
    %dma_start3A_1774 = arith.constant 4 : i32
    %dma_start3A_1775 = arith.constant 0 : i32
    %dma_start3A_1776 = tpu.memref_slice %arg7[%dma_start3A_1773, %dma_start3A_1775] : memref<5x128xf32, #tpu.memory_space<vmem>> -> memref<1x128xf32, #tpu.memory_space<vmem>>
    %dma_start3A_1777 = tpu.memref_squeeze %dma_start3A_1776 : memref<1x128xf32, #tpu.memory_space<vmem>> -> memref<128xf32, #tpu.memory_space<vmem>>
    %dma_start3A_1778 = arith.constant 0 : i32
    %dma_start3A_1779 = tpu.memref_slice %arg8[%dma_start3A_1774, %dma_start3A_1778] : memref<5x128xi32, #tpu.memory_space<vmem>> -> memref<1x128xi32, #tpu.memory_space<vmem>>
    %dma_start3A_1780 = tpu.memref_squeeze %dma_start3A_1779 : memref<1x128xi32, #tpu.memory_space<vmem>> -> memref<128xi32, #tpu.memory_space<vmem>>
    %dma_start3A_1781 = arith.constant 0 : i32
    %dma_start3A_1782 = tpu.memref_slice %arg4[%dma_start3A_1781] : memref<102400000xf32, #tpu.memory_space<hbm>> -> memref<102400000xf32, #tpu.memory_space<hbm>>
    tpu.enqueue_indirect_dma source(%dma_start3A_1777 : memref<128xf32, #tpu.memory_space<vmem>>) target(%dma_start3A_1782 : memref<102400000xf32, #tpu.memory_space<hbm>>) offsets(%dma_start3A_1780 : memref<128xi32, #tpu.memory_space<vmem>>) semaphore(%arg10 : memref<!tpu.dma_semaphore, #tpu.memory_space<semaphore_mem>>)
    %dma_wait3A_1783 = arith.constant 0 : i32
    %dma_wait3A_1784 = arith.constant 0 : i32
    %dma_wait3A_1785 = arith.constant 0 : i32
    %dma_wait3A_1786 = tpu.memref_slice %arg7[%dma_wait3A_1783, %dma_wait3A_1785] : memref<5x128xf32, #tpu.memory_space<vmem>> -> memref<1x128xf32, #tpu.memory_space<vmem>>
    %dma_wait3A_1787 = tpu.memref_squeeze %dma_wait3A_1786 : memref<1x128xf32, #tpu.memory_space<vmem>> -> memref<128xf32, #tpu.memory_space<vmem>>
    %dma_wait3A_1788 = arith.constant 0 : i32
    %dma_wait3A_1789 = tpu.memref_slice %arg8[%dma_wait3A_1784, %dma_wait3A_1788] : memref<5x128xi32, #tpu.memory_space<vmem>> -> memref<1x128xi32, #tpu.memory_space<vmem>>
    %dma_wait3A_1790 = tpu.memref_squeeze %dma_wait3A_1789 : memref<1x128xi32, #tpu.memory_space<vmem>> -> memref<128xi32, #tpu.memory_space<vmem>>
    %dma_wait3A_1791 = arith.constant 0 : i32
    %dma_wait3A_1792 = tpu.memref_slice %arg4[%dma_wait3A_1791] : memref<102400000xf32, #tpu.memory_space<hbm>> -> memref<102400000xf32, #tpu.memory_space<hbm>>
    tpu.wait_indirect_dma semaphore(%arg10 : memref<!tpu.dma_semaphore, #tpu.memory_space<semaphore_mem>>) src(%dma_wait3A_1787 : memref<128xf32, #tpu.memory_space<vmem>>) dst(%dma_wait3A_1792 : memref<102400000xf32, #tpu.memory_space<hbm>>)
    %dma_wait3A_1793 = arith.constant 1 : i32
    %dma_wait3A_1794 = arith.constant 1 : i32
    %dma_wait3A_1795 = arith.constant 0 : i32
    %dma_wait3A_1796 = tpu.memref_slice %arg7[%dma_wait3A_1793, %dma_wait3A_1795] : memref<5x128xf32, #tpu.memory_space<vmem>> -> memref<1x128xf32, #tpu.memory_space<vmem>>
    %dma_wait3A_1797 = tpu.memref_squeeze %dma_wait3A_1796 : memref<1x128xf32, #tpu.memory_space<vmem>> -> memref<128xf32, #tpu.memory_space<vmem>>
    %dma_wait3A_1798 = arith.constant 0 : i32
    %dma_wait3A_1799 = tpu.memref_slice %arg8[%dma_wait3A_1794, %dma_wait3A_1798] : memref<5x128xi32, #tpu.memory_space<vmem>> -> memref<1x128xi32, #tpu.memory_space<vmem>>
    %dma_wait3A_1800 = tpu.memref_squeeze %dma_wait3A_1799 : memref<1x128xi32, #tpu.memory_space<vmem>> -> memref<128xi32, #tpu.memory_space<vmem>>
    %dma_wait3A_1801 = arith.constant 0 : i32
    %dma_wait3A_1802 = tpu.memref_slice %arg4[%dma_wait3A_1801] : memref<102400000xf32, #tpu.memory_space<hbm>> -> memref<102400000xf32, #tpu.memory_space<hbm>>
    tpu.wait_indirect_dma semaphore(%arg10 : memref<!tpu.dma_semaphore, #tpu.memory_space<semaphore_mem>>) src(%dma_wait3A_1797 : memref<128xf32, #tpu.memory_space<vmem>>) dst(%dma_wait3A_1802 : memref<102400000xf32, #tpu.memory_space<hbm>>)
    %dma_wait3A_1803 = arith.constant 2 : i32
    %dma_wait3A_1804 = arith.constant 2 : i32
    %dma_wait3A_1805 = arith.constant 0 : i32
    %dma_wait3A_1806 = tpu.memref_slice %arg7[%dma_wait3A_1803, %dma_wait3A_1805] : memref<5x128xf32, #tpu.memory_space<vmem>> -> memref<1x128xf32, #tpu.memory_space<vmem>>
    %dma_wait3A_1807 = tpu.memref_squeeze %dma_wait3A_1806 : memref<1x128xf32, #tpu.memory_space<vmem>> -> memref<128xf32, #tpu.memory_space<vmem>>
    %dma_wait3A_1808 = arith.constant 0 : i32
    %dma_wait3A_1809 = tpu.memref_slice %arg8[%dma_wait3A_1804, %dma_wait3A_1808] : memref<5x128xi32, #tpu.memory_space<vmem>> -> memref<1x128xi32, #tpu.memory_space<vmem>>
    %dma_wait3A_1810 = tpu.memref_squeeze %dma_wait3A_1809 : memref<1x128xi32, #tpu.memory_space<vmem>> -> memref<128xi32, #tpu.memory_space<vmem>>
    %dma_wait3A_1811 = arith.constant 0 : i32
    %dma_wait3A_1812 = tpu.memref_slice %arg4[%dma_wait3A_1811] : memref<102400000xf32, #tpu.memory_space<hbm>> -> memref<102400000xf32, #tpu.memory_space<hbm>>
    tpu.wait_indirect_dma semaphore(%arg10 : memref<!tpu.dma_semaphore, #tpu.memory_space<semaphore_mem>>) src(%dma_wait3A_1807 : memref<128xf32, #tpu.memory_space<vmem>>) dst(%dma_wait3A_1812 : memref<102400000xf32, #tpu.memory_space<hbm>>)
    %dma_wait3A_1813 = arith.constant 3 : i32
    %dma_wait3A_1814 = arith.constant 3 : i32
    %dma_wait3A_1815 = arith.constant 0 : i32
    %dma_wait3A_1816 = tpu.memref_slice %arg7[%dma_wait3A_1813, %dma_wait3A_1815] : memref<5x128xf32, #tpu.memory_space<vmem>> -> memref<1x128xf32, #tpu.memory_space<vmem>>
    %dma_wait3A_1817 = tpu.memref_squeeze %dma_wait3A_1816 : memref<1x128xf32, #tpu.memory_space<vmem>> -> memref<128xf32, #tpu.memory_space<vmem>>
    %dma_wait3A_1818 = arith.constant 0 : i32
    %dma_wait3A_1819 = tpu.memref_slice %arg8[%dma_wait3A_1814, %dma_wait3A_1818] : memref<5x128xi32, #tpu.memory_space<vmem>> -> memref<1x128xi32, #tpu.memory_space<vmem>>
    %dma_wait3A_1820 = tpu.memref_squeeze %dma_wait3A_1819 : memref<1x128xi32, #tpu.memory_space<vmem>> -> memref<128xi32, #tpu.memory_space<vmem>>
    %dma_wait3A_1821 = arith.constant 0 : i32
    %dma_wait3A_1822 = tpu.memref_slice %arg4[%dma_wait3A_1821] : memref<102400000xf32, #tpu.memory_space<hbm>> -> memref<102400000xf32, #tpu.memory_space<hbm>>
    tpu.wait_indirect_dma semaphore(%arg10 : memref<!tpu.dma_semaphore, #tpu.memory_space<semaphore_mem>>) src(%dma_wait3A_1817 : memref<128xf32, #tpu.memory_space<vmem>>) dst(%dma_wait3A_1822 : memref<102400000xf32, #tpu.memory_space<hbm>>)
    %dma_wait3A_1823 = arith.constant 4 : i32
    %dma_wait3A_1824 = arith.constant 4 : i32
    %dma_wait3A_1825 = arith.constant 0 : i32
    %dma_wait3A_1826 = tpu.memref_slice %arg7[%dma_wait3A_1823, %dma_wait3A_1825] : memref<5x128xf32, #tpu.memory_space<vmem>> -> memref<1x128xf32, #tpu.memory_space<vmem>>
    %dma_wait3A_1827 = tpu.memref_squeeze %dma_wait3A_1826 : memref<1x128xf32, #tpu.memory_space<vmem>> -> memref<128xf32, #tpu.memory_space<vmem>>
    %dma_wait3A_1828 = arith.constant 0 : i32
    %dma_wait3A_1829 = tpu.memref_slice %arg8[%dma_wait3A_1824, %dma_wait3A_1828] : memref<5x128xi32, #tpu.memory_space<vmem>> -> memref<1x128xi32, #tpu.memory_space<vmem>>
    %dma_wait3A_1830 = tpu.memref_squeeze %dma_wait3A_1829 : memref<1x128xi32, #tpu.memory_space<vmem>> -> memref<128xi32, #tpu.memory_space<vmem>>
    %dma_wait3A_1831 = arith.constant 0 : i32
    %dma_wait3A_1832 = tpu.memref_slice %arg4[%dma_wait3A_1831] : memref<102400000xf32, #tpu.memory_space<hbm>> -> memref<102400000xf32, #tpu.memory_space<hbm>>
    tpu.wait_indirect_dma semaphore(%arg10 : memref<!tpu.dma_semaphore, #tpu.memory_space<semaphore_mem>>) src(%dma_wait3A_1827 : memref<128xf32, #tpu.memory_space<vmem>>) dst(%dma_wait3A_1832 : memref<102400000xf32, #tpu.memory_space<hbm>>)
    return
  }
}

module attributes {stable_mosaic.version = 14 : i64} {
  func.func @_zero_body(%arg0: i32, %arg1: memref<2048000xf32, #tpu.memory_space<vmem>>) attributes {dimension_semantics = [#tpu.dimension_semantics<arbitrary>], iteration_bounds = array<i64: 50>, scalar_prefetch = 0 : i64, scratch_operands = 0 : i64, tpu.core_type = #tpu.core_type<tc>, window_params = [{transform_indices = @transform_0, window_bounds = array<i64: 2048000>}]} {
    %broadcast_in_dim3A = arith.constant 0.000000e+00 : f32
    %broadcast_in_dim3A_0 = vector.broadcast %broadcast_in_dim3A : f32 to vector<2048000xf32>
    %swap3A = arith.constant 0 : index
    %swap3A_1 = vector.load %arg1[%swap3A] : memref<2048000xf32, #tpu.memory_space<vmem>>, vector<2048000xf32>
    tpu.vector_store %arg1[%swap3A], %broadcast_in_dim3A_0 {strides = array<i32>} : memref<2048000xf32, #tpu.memory_space<vmem>>, vector<2048000xf32>,
    return
  }
  func.func @transform_0(%arg0: i32) -> i32 {
    %c0_i32 = arith.constant 0 : i32
    return %arg0 : i32
  }
}

</mosaic_0001>

<sc_bundles>
// kernel: kernel.4.cloned.1.call-start
scs
__scs_entry_jumppad:
0x0: {  	(pc) =	sbr.rel $0x88, $3  }
0x1: {  	(tag) =	ssettag $0x0;
	lr =	simm.s32 $0x1  }
0x2: {  	[smem:$0x3F9F] =	sst lr;
	_ =	strace $0xD0000000  }
0x3: {  	_ = 	snop  }
0x4: {  	_ = 	snop  }
0x5: {  	_ = 	snop  }
0x6: {  	_ = 	snop  }
0x7: {  	_ = 	snop  }
__scs_overlays_trampoline_lowered:
0x8: {  	[smem:$0x3FAE] =	sst s0  }
0x9: {  	[smem:$0x3FAF] =	sst s1  }
0xa: {  	[smem:$0x3FB0] =	sst s2  }
0xb: {  	[smem:$0x3FB1] =	sst s3  }
0xc: {  	[smem:$0x3FB2] =	sst s4  }
0xd: {  	[smem:$0x3FB3] =	sst s5  }
0xe: {  	[smem:$0x3FB4] =	sst s6  }
0xf: {  	[smem:$0x3FB5] =	sst s7  }
0x10: {  	[smem:$0x3FB6] =	sst s8  }
0x11: {  	[smem:$0x3FB7] =	sst s9;
	s0 =	simm.s32 @!p0 $0x0  }
0x12: {  	s1 =	sld [smem:$0x3F9D];
	s0 =	simm.s32 @p0 $0x1  }
0x13: {  	[smem:$0x3FB8] =	sst s0;
	s0 =	simm.s32 @!p1 $0x0  }
0x14: {  	s2 =	sld [smem:$0x3F9C];
	s0 =	simm.s32 @p1 $0x1  }
0x15: {  	[smem:$0x3FB9] =	sst s0;
	s0 =	simm.s32 @!p2 $0x0  }
0x16: {  	s3 =	sld [smem:$0x3FDB];
	s0 =	simm.s32 @p2 $0x1  }
0x17: {  	s4 =	simm.s32 $0x1BF5;
	[smem:$0x3FBB] =	sst s0  }
0x18: {  	s0 =	sld [smem:$0x3F9E];
	_ =	swait.ge [sflag:s4], $0x0  }
0x19: {  	s7 =	sld [smem:$0x3F9F]  }
0x1a: {  	s8 =	sadd.s32 $0xFFFFE003, lr  }
0x1b: {  	s9 =	sadd.s32 $0xFFFFFEF7, lr;
	s5 =	simm.s32 $0xFFFFFFFF;
	p2 =	slt.u32 s8, $0xFFFFF086  }
0x1c: {  	p1 =	slt.u32 s9, $0xF7A;
	s5 =	simm.s32 @!p2 $0x0  }
0x1d: {  	s5 =	simm.s32 @p1 $0x1;
	p0 =	seq.s32 s7, s2  }
0x1e: {  	s7 =	smul.u32 @!p0 $0xF7A, s2;
	p2 =	seq.s32 @!p0 s5, $0x0  }
0x1f: {  	s9 =	smul.u32 $0xF7A, s1;
	s8 =	simm.s32 @!p0 $0x1BF5;
	p2 =	por !p2, p0  }
0x20: {  	[sflag:s8] =	ssyncset.s32 @!p0 $0xFFFFF086;
	s6 =	sadd.s32 @!p0 s3, s7;
	s7 =	simm.s32 @!p0 $0x108  }
0x21: {  	s3 =	sadd.s32 s3, s9;
	s6 =	sadd.s32 @!p0 $0x88, s6;
	s7 =	simm.s32 @p2 $0x1082  }
0x22: {  	[simem:s7], [sflag:s8] =	dma.local @!p0 [hbm:s6], $0xF7A  }
0x23: {  	s9 =	sor.u32 $0xD0000000, s2;
	s6 =	simm.s32 $0x108;
	_ =	swait.ge @!p0 [sflag:s8], $0x0  }
0x24: {  	s3 =	sadd.s32 $0x88, s3;
	s6 =	simm.s32 @!p1 $0x1082;
	[sflag:s4] =	ssyncset.s32 $0xFFFFF086  }
0x25: {  	[simem:s6], [sflag:s4] =	dma.local [hbm:s3], $0xF7A  }
0x26: {  	[smem:$0x3F9F] =	sst s1;
	(tag) =	ssettag s2;
	_ =	strace s9  }
0x27: {  	s1 =	sld [smem:$0x3FAF]  }
0x28: {  	s2 =	sld [smem:$0x3FB0]  }
0x29: {  	s4 =	sld [smem:$0x3FB2]  }
0x2a: {  	p0 =	seq.s32 s5, $0x0;
	s5 =	sld [smem:$0x3FB3]  }
0x2b: {  	s6 =	sld [smem:$0x3FB4]  }
0x2c: {  	s7 =	sld [smem:$0x3FB5]  }
0x2d: {  	s3 =	simm.s32 $0x108;
	s8 =	sld [smem:$0x3FB6]  }
0x2e: {  	s3 =	simm.s32 @!p0 $0x1082;
	s9 =	sld [smem:$0x3FB7]  }
0x2f: {  	lr =	sadd.s32 s0, s3;
	s0 =	sld [smem:$0x3FAE]  }
0x30: {  	s3 =	sld [smem:$0x3FB1]  }
0x31: {  	[smem:$0x3FBA] =	sst s10  }
0x32: {  	s10 =	sld [smem:$0x3FB8];
	_ =	sdelay $0x3  }
0x33: {  	p0 =	seq.s32 s10, $0x1;
	s10 =	sld [smem:$0x3FBA];
	_ =	sdelay $0x3  }
0x34: {  	[smem:$0x3FBA] =	sst s10  }
0x35: {  	s10 =	sld [smem:$0x3FB9];
	_ =	sdelay $0x3  }
0x36: {  	p1 =	seq.s32 s10, $0x1;
	s10 =	sld [smem:$0x3FBA];
	_ =	sdelay $0x3  }
0x37: {  	[smem:$0x3FBA] =	sst s10  }
0x38: {  	s10 =	sld [smem:$0x3FBB]  }
0x39: {  	_ = 	snop;
	(pc) =	sbr.ind lr, $3  }
0x3a: {  	_ = 	snop  }
0x3b: {  	_ = 	snop  }
0x3c: {  	p2 =	seq.s32 s10, $0x1;
	s10 =	sld [smem:$0x3FBA]  }
0x3d: {  	_ =	shalt  }
0x3e: {  	_ =	shalt  }
0x3f: {  	_ =	shalt  }
0x40: {  	_ =	shalt  }
0x41: {  	_ =	shalt  }
0x42: {  	_ =	shalt  }
0x43: {  	_ =	shalt  }
0x44: {  	_ =	shalt  }
0x45: {  	_ =	shalt  }
0x46: {  	_ =	shalt  }
0x47: {  	_ =	shalt  }
0x48: {  	_ =	shalt  }
0x49: {  	_ =	shalt  }
0x4a: {  	_ =	shalt  }
0x4b: {  	_ =	shalt  }
0x4c: {  	_ =	shalt  }
0x4d: {  	_ =	shalt  }
0x4e: {  	_ =	shalt  }
0x4f: {  	_ =	shalt  }
0x50: {  	_ =	shalt  }
0x51: {  	_ =	shalt  }
0x52: {  	_ =	shalt  }
0x53: {  	_ =	shalt  }
0x54: {  	_ =	shalt  }
0x55: {  	_ =	shalt  }
0x56: {  	_ =	shalt  }
0x57: {  	_ =	shalt  }
0x58: {  	_ =	shalt  }
0x59: {  	_ =	shalt  }
0x5a: {  	_ =	shalt  }
0x5b: {  	_ =	shalt  }
0x5c: {  	_ =	shalt  }
0x5d: {  	_ =	shalt  }
0x5e: {  	_ =	shalt  }
0x5f: {  	_ =	shalt  }
0x60: {  	_ =	shalt  }
0x61: {  	_ =	shalt  }
0x62: {  	_ =	shalt  }
0x63: {  	_ =	shalt  }
0x64: {  	_ =	shalt  }
0x65: {  	_ =	shalt  }
0x66: {  	_ =	shalt  }
0x67: {  	_ =	shalt  }
0x68: {  	_ =	shalt  }
0x69: {  	_ =	shalt  }
0x6a: {  	_ =	shalt  }
0x6b: {  	_ =	shalt  }
0x6c: {  	_ =	shalt  }
0x6d: {  	_ =	shalt  }
0x6e: {  	_ =	shalt  }
0x6f: {  	_ =	shalt  }
0x70: {  	_ =	shalt  }
0x71: {  	_ =	shalt  }
0x72: {  	_ =	shalt  }
0x73: {  	_ =	shalt  }
0x74: {  	_ =	shalt  }
0x75: {  	_ =	shalt  }
0x76: {  	_ =	shalt  }
0x77: {  	_ =	shalt  }
0x78: {  	_ =	shalt  }
0x79: {  	_ =	shalt  }
0x7a: {  	_ =	shalt  }
0x7b: {  	_ =	shalt  }
0x7c: {  	_ =	shalt  }
0x7d: {  	_ =	shalt  }
0x7e: {  	_ =	shalt  }
0x7f: {  	_ =	shalt  }
0x80: {  	_ =	shalt  }
0x81: {  	_ =	shalt  }
0x82: {  	_ =	shalt  }
0x83: {  	_ =	shalt  }
0x84: {  	_ =	shalt  }
0x85: {  	_ =	shalt  }
0x86: {  	_ =	shalt  }
0x87: {  	_ =	shalt  }
.Lfunc_end0:
.L_simem_size_0:
called_computation.1_lowered:
.L_overlay_start_0:
0x88: {  	s2 =	sld [smem:$0x3FD9]  }
0x89: {  	s3 =	sld [smem:$0x3FFE];
	_ =	sdelay $0x1  }
0x8a: {  	s1 =	srdreg.scid  }
0x8b: {  	s0 =	sand.u32 $0x1, s1  }
0x8c: {  	s17 =	sshll.u32 s0, $0xA;
	s2 =	sadd.s32 s3, s2  }
0x8d: {  	s2 =	sadd.s32 s2, s17  }
0x8e: {  	[smem:$0x3FC6] =	sst s2  }
0x8f: {  	_ = 	snop  }
0x90: {  	s2 =	sld [smem:$0x3FC8]  }
0x91: {  	s18 =	sld [smem:$0x3FD0];
	(tm) =	ssettm $0x1  }
0x92: {  	s4 =	sld [smem:$0x3FFB];
	_ =	sdelay $0x3  }
0x93: {  	_ =	strace s4  }
0x94: {  	s4 =	sld [smem:$0x3FFC];
	_ =	sdelay $0x3  }
0x95: {  	_ =	strace s4  }
0x96: {  	s4 =	sld [smem:$0x3FFD];
	_ =	sdelay $0x3  }
0x97: {  	_ =	strace s4  }
0x98: {  	_ =	strace $0x8FFFFFFF  }
0x99: {  	s19 =	sld [smem:$0x3FDB];
	_ =	sdelay $0x1  }
0x9a: {  	s5 =	simm.s32 $_scs_section_size  }
0x9b: {  	s6 =	simm.s32 $_size__tile_overlayer_lowered;
	s7 =	simm.s32 $_tile_overlayer_lowered  }
0x9c: {  	s22 =	simm.s32 $0x1BFF;
	s21 =	sshll.u32 s7, $0x1;
	s4 =	sadd.s32 s5, s19  }
0x9d: {  	s8 =	simm.s32 $0x0;
	s20 =	sshll.u32 s6, $0x1;
	s6 =	sadd.s32 s21, s4  }
0x9e: {  	[timem:s8], [sflag:s22] =	dma.local [hbm:s6], s20  }
0x9f: {  	_ =	swait.ge [sflag:s22], s20  }
0xa0: {  	s5 =	ssub.s32 $0x0, s20;
	[sflag:s22] =	ssyncset.done $0x0  }
0xa1: {  	[sflag:s22] =	ssyncadd.s32 s5;
	_ =	sdelay $0x1  }
0xa2: {  	s23 =	simm.s32 $0x1B8B  }
0xa3: {  	_ =	swait.ge [sflag:s23], $0x1  }
0xa4: {  	[sflag:s23] =	ssyncset.done $0x0  }
0xa5: {  	s25 =	simm.s32 $0x1B8E;
	s24 =	sld [smem:$0x3FFE];
	[sflag:s23] =	ssyncadd.s32 $0xFFFFFFFF  }
0xa6: {  	s26 =	simm.s32 $execute0_lowered;
	[smem:$0x3FD2] =	sst s25  }
0xa7: {  	s6 =	sshll.u32 s26, $0x1;
	_ =	strace $0x80000046;
	[dreg:$0x1] =	wrdreg $0xFFFFFFFF  }
0xa8: {  	s28 =	simm.s32 $_size_execute0_lowered;
	s4 =	sadd.s32 s4, s6;
	[dreg:$0x0] =	wrdreg $0x0  }
0xa9: {  	s6 =	sshll.u32 s28, $0x1;
	[dreg:$0x2] =	wrdreg s4  }
0xaa: {  	[dreg:$0x3] =	wrdreg s6  }
0xab: {  	[dreg:$0x4] =	wrdreg $0xC0  }
0xac: {  	_ =	task [dreg:s8], $0x5FFFF  }
0xad: {  	[dreg:$0x1] =	wrdreg $0xFFFFFFFF  }
0xae: {  	[dreg:$0x0] =	wrdreg $0x60  }
0xaf: {  	[dreg:$0x2] =	wrdreg s24  }
0xb0: {  	[dreg:$0x3] =	wrdreg s2  }
0xb1: {  	[dreg:$0x4] =	wrdreg s18  }
0xb2: {  	[dreg:$0x5] =	wrdreg $0x9  }
0xb3: {  	_ =	task.clear_ibuf [dreg:s8], $0x6FFFF;
	_ =	strace $0x90000046  }
0xb4: {  	s29 =	simm.s32 $0x9;
	_ =	strace $0x80000048  }
0xb5: {  	_ =	swait.ge [sflag:s29], $0x1  }
0xb6: {  	[sflag:s29] =	ssyncadd.s32 $0xFFFFFFFF  }
0xb7: {  	_ =	strace $0x90000048  }
0xb8: {  	_ =	sfence  }
0xb9: {  	s30 =	sld [smem:$0x0];
	_ =	sdelay $0x2  }
0xba: {  	s31 =	sshll.u32 s1, $0xD;
	s1 =	sshrl.u32 s1, $0x2  }
0xbb: {  	s3 =	sand.u32 $0x4000, s31;
	s1 =	sadd.s32 s1, s30  }
0xbc: {  	s0 =	sor.u32 s3, s0;
	s1 =	sshll.u32 s1, $0x11  }
0xbd: {  	s0 =	sor.u32 s1, s0  }
0xbe: {  	s0 =	sadd.s32 $0x8F2B, s0  }
0xbf: {  	[sflag:s0] =	ssyncadd.remote.s32 $0x1  }
0xc0: {  	_ =	sfence.sel $0xFFFF  }
0xc1: {  	[dreg:$0x0] =	wrdreg $0xFFFFFFFF;
	(pc) =	sbr.abs _section_cstart, $3  }
0xc2: {  	[dreg:$0x1] =	wrdreg $0xFFFFFFFF  }
0xc3: {  	_ =	task.clear_ibuf [dreg:s8], $0x2FFFF;
	_ =	strace $0x9FFFFFFF  }
0xc4: {  	(tm) =	ssettm $0x7FFFFFFF  }
0xc5: {  	_ =	shalt  }
tec
execute0_lowered:
.L_overlay_start_1:
0x0: {  	(tag) =	ssettag $0x1  }
0x1: {  	v1 =	vlaneseq.u32;
	vm1 =	vcmask $0xF00;
	v2 =	vimm.s32 $0x186A0  }
0x2: {  	vm0 =	vcmask $0x2F00;
	v3 =	vimm.s32 $0x493E0;
	v6 =	vimm.s32 $0x7A120  }
0x3: {  	v7 =	vimm.s32 $0xAAE60;
	v11 =	vimm.s32 $0xDBBA0;
	v12 =	vimm.s32 $0x10C8E0  }
0x4: {  	v16 =	vimm.s32 $0x13D620;
	v18 =	vimm.s32 $0x16E360;
	v21 =	vimm.s32 $0x19F0A0  }
0x5: {  	v22 =	vimm.s32 $0x1CFDE0;
	v26 =	vimm.s32 $0x200B20;
	v28 =	vimm.s32 $0x231860  }
0x6: {  	v31 =	vimm.s32 $0x2625A0;
	v32 =	vimm.s32 $0x2932E0;
	v37 =	vimm.s32 $0x2C4020  }
0x7: {  	v39 =	vimm.s32 $0x2F4D60;
	v1 =	vshrl.u32 v1, $0x3;
	v3 =	vsel vm0, $0x30D40, v3  }
0x8: {  	s1 =	srdreg.scid;
	s0 =	stileid.u32;
	v6 =	vsel vm1, $0x61A80, v6;
	v9 =	vsel vm0, $0x927C0, v7;
	v11 =	vsel vm1, $0xC3500, v11  }
0x9: {  	s5 =	sand.u32 $0x1, s1;
	s29 =	sshll.u32 s0, $0x1;
	v14 =	vsel vm0, $0xF4240, v12;
	v16 =	vsel vm1, $0x124F80, v16;
	v18 =	vsel vm0, $0x155CC0, v18  }
0xa: {  	v21 =	vsel vm1, $0x186A00, v21;
	v24 =	vsel vm0, $0x1B7740, v22;
	v26 =	vsel vm1, $0x1E8480, v26;
	s6 =	sor.u32 s5, s29  }
0xb: {  	v30 =	vsel vm0, $0x2191C0, v28;
	v33 =	vsel vm1, $0x249F00, v31;
	v36 =	vsel vm0, $0x27AC40, v32;
	s1 =	sshll.u32 s6, $0x5  }
0xc: {  	v37 =	vsel vm1, $0x2AB980, v37;
	v35 =	vmul.u32 $0x186A0, v1;
	v0 =	vmov s1  }
0xd: {  	v39 =	vsel vm0, $0x2DC6C0, v39;
	v1 =	vsel vm1, $0x0, v2;
	v0 =	vmul.u32 $0x186A0, v0  }
0xe: {  	v2 =	vadd.s32 $0x186A0, v35;
	v8 =	vadd.s32 $0x7A120, v35;
	v13 =	vadd.s32 $0xDBBA0, v35  }
0xf: {  	v17 =	vadd.s32 $0x13D620, v35;
	v23 =	vadd.s32 $0x19F0A0, v35;
	v0 =	vbroadcast v0, $0x0  }
0x10: {  	v27 =	vadd.s32 $0x200B20, v35;
	v34 =	vadd.s32 $0x2625A0, v35;
	v38 =	vadd.s32 $0x2C4020, v35  }
0x11: {  	v1 =	vadd.s32 v1, v0;
	v2 =	vadd.s32 v2, v0;
	v3 =	vadd.s32 v3, v0  }
0x12: {  	s7 =	rddreg [dreg:$0x0];
	v4 =	vadd.s32 $0x493E0, v0;
	v5 =	vadd.s32 $0x61A80, v0;
	v6 =	vadd.s32 v6, v0  }
0x13: {  	s3 =	rddreg [dreg:$0x2];
	v7 =	vadd.s32 v8, v0;
	v8 =	vadd.s32 v9, v0;
	v9 =	vadd.s32 $0xAAE60, v0  }
0x14: {  	s2 =	rddreg [dreg:$0x3];
	s4 =	simm.s32 $0x0;
	v10 =	vadd.s32 $0xC3500, v0;
	v11 =	vadd.s32 v11, v0;
	v12 =	vadd.s32 v13, v0  }
0x15: {  	s9 =	simm.s32 $0x400;
	s10 =	simm.s32 $0x480;
	s11 =	simm.s32 $0x100;
	v13 =	vadd.s32 v14, v0;
	v14 =	vadd.s32 $0x10C8E0, v0;
	v15 =	vadd.s32 $0x124F80, v0  }
0x16: {  	s12 =	simm.s32 $0x500;
	s13 =	simm.s32 $0x180;
	s14 =	simm.s32 $0x580;
	v16 =	vadd.s32 v16, v0;
	v17 =	vadd.s32 v17, v0;
	v18 =	vadd.s32 v18, v0  }
0x17: {  	s15 =	simm.s32 $0x200;
	s16 =	simm.s32 $0x600;
	s17 =	simm.s32 $0x1;
	v19 =	vadd.s32 $0x16E360, v0;
	v20 =	vadd.s32 $0x186A00, v0;
	v21 =	vadd.s32 v21, v0  }
0x18: {  	s18 =	simm.s32 $0x800;
	s19 =	simm.s32 $0x880;
	s20 =	simm.s32 $0x900;
	v22 =	vadd.s32 v23, v0;
	v23 =	vadd.s32 v24, v0;
	v24 =	vadd.s32 $0x1CFDE0, v0  }
0x19: {  	s21 =	simm.s32 $0x980;
	s22 =	simm.s32 $0xA00;
	s23 =	simm.s32 $0x2;
	v25 =	vadd.s32 $0x1E8480, v0;
	v26 =	vadd.s32 v26, v0;
	v27 =	vadd.s32 v27, v0  }
0x1a: {  	[smem:$0x7FF] =	sst s4;
	s30 =	ssub.s32 $0x2, s5;
	s6 =	sshll.u32 s6, $0x7;
	v28 =	vadd.s32 $0x231860, v0;
	v29 =	vadd.s32 $0x249F00, v0;
	v30 =	vadd.s32 v30, v0  }
0x1b: {  	s8 =	sshrl.u32 s30, $0x1;
	s1 =	rddreg [dreg:$0x1];
	_ =	strace $0x80000047;
	v31 =	vadd.s32 $0x2932E0, v0;
	v32 =	vadd.s32 v33, v0;
	v33 =	vadd.s32 $0x2AB980, v0  }
0x1c: {  	s6 =	sadd.s32 s6, s7;
	s31 =	ssub.s32 s30, s8;
	s7 =	simm.s32 $0x3;
	v34 =	vadd.s32 v34, v0;
	v35 =	vadd.s32 v36, v0;
	v36 =	vadd.s32 v37, v0  }
0x1d: {  	s8 =	simm.s32 $0x80;
	s5 =	sadd.s32 $0xA00, s6;
	s6 =	smax.u32 s31, $0x1;
	v37 =	vadd.s32 v38, v0;
	v38 =	vadd.s32 v39, v0;
	v39 =	vadd.s32 $0x2F4D60, v0  }
.LBB2_1:
0x1e: {  	[tilespmem:s4], [sflag:$0x3] =	stream.linear.gather [hbm4b:s5+s4], $0x280, $0x38;
	[tilespmem:$0xC00] =	vst v63  }
0x1f: {  	_ =	swait.ge [sflag:s7], $0x280  }
0x20: {  	[sflag:s7] =	ssyncset.done $0x0  }
0x21: {  	[sflag:s7] =	ssyncadd.s32 $0xFFFFFD80  }
0x22: {  	[tilespmem:s9], [sflag:$0x1] =	stream.indirect.gather [hbm4b:s1+s8], $0x1, s4, s8, $0xb8;
	[tilespmem:$0xC00] =	vst v63  }
0x23: {  	_ = 	snop  }
0x24: {  	[tilespmem:s10], [sflag:$0x1] =	stream.indirect.gather [hbm4b:s1+s8], $0x1, s8, s8, $0xb8;
	[tilespmem:$0xC00] =	vst v63  }
0x25: {  	_ = 	snop  }
0x26: {  	[tilespmem:s12], [sflag:$0x1] =	stream.indirect.gather [hbm4b:s1+s8], $0x1, s11, s8, $0xb8;
	[tilespmem:$0xC00] =	vst v63  }
0x27: {  	_ = 	snop  }
0x28: {  	[tilespmem:s14], [sflag:$0x1] =	stream.indirect.gather [hbm4b:s1+s8], $0x1, s13, s8, $0xb8;
	[tilespmem:$0xC00] =	vst v63  }
0x29: {  	_ = 	snop  }
0x2a: {  	[tilespmem:s16], [sflag:$0x1] =	stream.indirect.gather [hbm4b:s1+s8], $0x1, s15, s8, $0xb8;
	[tilespmem:$0xC00] =	vst v63  }
0x2b: {  	_ =	swait.ge [sflag:s17], $0x80  }
0x2c: {  	[sflag:s17] =	ssyncset.done $0x0  }
0x2d: {  	[sflag:s17] =	ssyncadd.s32 $0xFFFFFF80  }
0x2e: {  	_ =	swait.ge [sflag:s17], $0x80  }
0x2f: {  	[sflag:s17] =	ssyncset.done $0x0  }
0x30: {  	[sflag:s17] =	ssyncadd.s32 $0xFFFFFF80  }
0x31: {  	_ =	swait.ge [sflag:s17], $0x80  }
0x32: {  	[sflag:s17] =	ssyncset.done $0x0  }
0x33: {  	[sflag:s17] =	ssyncadd.s32 $0xFFFFFF80  }
0x34: {  	_ =	swait.ge [sflag:s17], $0x80  }
0x35: {  	[sflag:s17] =	ssyncset.done $0x0  }
0x36: {  	[sflag:s17] =	ssyncadd.s32 $0xFFFFFF80  }
0x37: {  	_ =	swait.ge [sflag:s17], $0x80  }
0x38: {  	[sflag:s17] =	ssyncset.done $0x0  }
0x39: {  	[sflag:s17] =	ssyncadd.s32 $0xFFFFFF80  }
0x3a: {  	v40 =	vld [tilespmem:$0x0]  }
0x3b: {  	v42 =	vld [tilespmem:$0x10]  }
0x3c: {  	v44 =	vld [tilespmem:$0x20]  }
0x3d: {  	v58 =	vld [tilespmem:$0x30]  }
0x3e: {  	v62 =	vld [tilespmem:$0x40]  }
0x3f: {  	v49 =	vld [tilespmem:$0x50];
	v45 =	vadd.s32 v0, v40  }
0x40: {  	v53 =	vld [tilespmem:$0x60];
	v59 =	vadd.s32 v42, v1;
	[tilespmem:$0x800] =	vst v45  }
0x41: {  	v41 =	vld [tilespmem:$0x400];
	v63 =	vadd.s32 v44, v2;
	[tilespmem:$0x810] =	vst v59  }
0x42: {  	v43 =	vld [tilespmem:$0x410];
	v50 =	vadd.s32 v58, v3;
	[tilespmem:$0x820] =	vst v63  }
0x43: {  	v57 =	vld [tilespmem:$0x420];
	v54 =	vadd.s32 v62, v4;
	[tilespmem:$0x830] =	vst v50  }
0x44: {  	v60 =	vld [tilespmem:$0x430];
	vm15 =	veq.s32 v58, $0x1;
	v58 =	vadd.s32 v49, v5;
	[tilespmem:$0x840] =	vst v54  }
0x45: {  	v48 =	vld [tilespmem:$0x440];
	vm0 =	veq.s32 v40, $0x1;
	vm4 =	veq.s32 v62, $0x1;
	v62 =	vadd.s32 v53, v6;
	[tilespmem:$0x850] =	vst v58  }
0x46: {  	v51 =	vld [tilespmem:$0x450];
	vm13 =	veq.s32 v42, $0x1;
	v41 =	vsel vm0, $0x0, v41;
	[tilespmem:$0x860] =	vst v62  }
0x47: {  	v55 =	vld [tilespmem:$0x460];
	vm14 =	veq.s32 v44, $0x1;
	v61 =	vsel vm13, $0x0, v43;
	[tilespmem:$0x400] =	vst v41  }
0x48: {  	vm5 =	veq.s32 v49, $0x1;
	v49 =	vld [tilespmem:$0x90];
	v40 =	vsel vm14, $0x0, v57;
	[tilespmem:$0x410] =	vst v61  }
0x49: {  	vm6 =	veq.s32 v53, $0x1;
	v53 =	vld [tilespmem:$0xA0];
	v52 =	vsel vm15, $0x0, v60;
	[tilespmem:$0x420] =	vst v40  }
0x4a: {  	v56 =	vsel vm4, $0x0, v48;
	v57 =	vld [tilespmem:$0x70];
	[tilespmem:$0x430] =	vst v52  }
0x4b: {  	v60 =	vsel vm5, $0x0, v51;
	v51 =	vld [tilespmem:$0x490];
	[tilespmem:$0x440] =	vst v56  }
0x4c: {  	v48 =	vsel vm6, $0x0, v55;
	v55 =	vld [tilespmem:$0x4A0];
	[tilespmem:$0x450] =	vst v60  }
0x4d: {  	v59 =	vld [tilespmem:$0x470];
	[tilespmem:$0x460] =	vst v48;
	v58 =	vadd.s32 v49, v9  }
0x4e: {  	v61 =	vld [tilespmem:$0x80];
	v62 =	vadd.s32 v53, v10;
	[tilespmem:$0x890] =	vst v58  }
0x4f: {  	v63 =	vld [tilespmem:$0x480];
	vm9 =	veq.s32 v49, $0x1;
	v50 =	vadd.s32 v57, v7;
	[tilespmem:$0x8A0] =	vst v62  }
0x50: {  	vm10 =	veq.s32 v53, $0x1;
	v49 =	vld [tilespmem:$0xD0];
	v60 =	vsel vm9, $0x0, v51;
	[tilespmem:$0x870] =	vst v50  }
0x51: {  	v53 =	vld [tilespmem:$0xE0];
	vm7 =	veq.s32 v57, $0x1;
	v48 =	vsel vm10, $0x0, v55;
	[tilespmem:$0x490] =	vst v60  }
0x52: {  	v57 =	vld [tilespmem:$0xB0];
	v52 =	vsel vm7, $0x0, v59;
	[tilespmem:$0x4A0] =	vst v48  }
0x53: {  	v51 =	vld [tilespmem:$0x4D0];
	v54 =	vadd.s32 v61, v8;
	vm8 =	veq.s32 v61, $0x1;
	[tilespmem:$0x470] =	vst v52  }
0x54: {  	v55 =	vld [tilespmem:$0x4E0];
	[tilespmem:$0x880] =	vst v54;
	v56 =	vsel vm8, $0x0, v63  }
0x55: {  	v59 =	vld [tilespmem:$0x4B0];
	[tilespmem:$0x480] =	vst v56;
	v58 =	vadd.s32 v49, v13  }
0x56: {  	v61 =	vld [tilespmem:$0xC0];
	v62 =	vadd.s32 v53, v14;
	[tilespmem:$0x8D0] =	vst v58  }
0x57: {  	v63 =	vld [tilespmem:$0x4C0];
	vm13 =	veq.s32 v49, $0x1;
	v50 =	vadd.s32 v57, v11;
	[tilespmem:$0x8E0] =	vst v62  }
0x58: {  	vm14 =	veq.s32 v53, $0x1;
	v49 =	vld [tilespmem:$0x110];
	v60 =	vsel vm13, $0x0, v51;
	[tilespmem:$0x8B0] =	vst v50  }
0x59: {  	v53 =	vld [tilespmem:$0x120];
	vm11 =	veq.s32 v57, $0x1;
	v48 =	vsel vm14, $0x0, v55;
	[tilespmem:$0x4D0] =	vst v60  }
0x5a: {  	v57 =	vld [tilespmem:$0xF0];
	v52 =	vsel vm11, $0x0, v59;
	[tilespmem:$0x4E0] =	vst v48  }
0x5b: {  	v51 =	vld [tilespmem:$0x510];
	v54 =	vadd.s32 v61, v12;
	vm12 =	veq.s32 v61, $0x1;
	[tilespmem:$0x4B0] =	vst v52  }
0x5c: {  	v55 =	vld [tilespmem:$0x520];
	[tilespmem:$0x8C0] =	vst v54;
	v56 =	vsel vm12, $0x0, v63  }
0x5d: {  	v59 =	vld [tilespmem:$0x4F0];
	[tilespmem:$0x4C0] =	vst v56;
	v58 =	vadd.s32 v49, v17  }
0x5e: {  	v61 =	vld [tilespmem:$0x100];
	v62 =	vadd.s32 v53, v18;
	[tilespmem:$0x910] =	vst v58  }
0x5f: {  	v63 =	vld [tilespmem:$0x500];
	vm5 =	veq.s32 v49, $0x1;
	v50 =	vadd.s32 v57, v15;
	[tilespmem:$0x920] =	vst v62  }
0x60: {  	vm6 =	veq.s32 v53, $0x1;
	v49 =	vld [tilespmem:$0x150];
	v60 =	vsel vm5, $0x0, v51;
	[tilespmem:$0x8F0] =	vst v50  }
0x61: {  	v53 =	vld [tilespmem:$0x160];
	vm15 =	veq.s32 v57, $0x1;
	v48 =	vsel vm6, $0x0, v55;
	[tilespmem:$0x510] =	vst v60  }
0x62: {  	v57 =	vld [tilespmem:$0x130];
	v52 =	vsel vm15, $0x0, v59;
	[tilespmem:$0x520] =	vst v48  }
0x63: {  	v51 =	vld [tilespmem:$0x550];
	v54 =	vadd.s32 v61, v16;
	vm4 =	veq.s32 v61, $0x1;
	[tilespmem:$0x4F0] =	vst v52  }
0x64: {  	v55 =	vld [tilespmem:$0x560];
	[tilespmem:$0x900] =	vst v54;
	v56 =	vsel vm4, $0x0, v63  }
0x65: {  	v59 =	vld [tilespmem:$0x530];
	[tilespmem:$0x500] =	vst v56;
	v58 =	vadd.s32 v49, v21  }
0x66: {  	v61 =	vld [tilespmem:$0x140];
	v62 =	vadd.s32 v53, v22;
	[tilespmem:$0x950] =	vst v58  }
0x67: {  	v63 =	vld [tilespmem:$0x540];
	vm9 =	veq.s32 v49, $0x1;
	v50 =	vadd.s32 v57, v19;
	[tilespmem:$0x960] =	vst v62  }
0x68: {  	vm10 =	veq.s32 v53, $0x1;
	v49 =	vld [tilespmem:$0x190];
	v60 =	vsel vm9, $0x0, v51;
	[tilespmem:$0x930] =	vst v50  }
0x69: {  	v53 =	vld [tilespmem:$0x1A0];
	vm7 =	veq.s32 v57, $0x1;
	v48 =	vsel vm10, $0x0, v55;
	[tilespmem:$0x550] =	vst v60  }
0x6a: {  	v57 =	vld [tilespmem:$0x170];
	v52 =	vsel vm7, $0x0, v59;
	[tilespmem:$0x560] =	vst v48  }
0x6b: {  	v51 =	vld [tilespmem:$0x590];
	v54 =	vadd.s32 v61, v20;
	vm8 =	veq.s32 v61, $0x1;
	[tilespmem:$0x530] =	vst v52  }
0x6c: {  	v55 =	vld [tilespmem:$0x5A0];
	[tilespmem:$0x940] =	vst v54;
	v56 =	vsel vm8, $0x0, v63  }
0x6d: {  	v59 =	vld [tilespmem:$0x570];
	[tilespmem:$0x540] =	vst v56;
	v58 =	vadd.s32 v49, v25  }
0x6e: {  	v61 =	vld [tilespmem:$0x180];
	v62 =	vadd.s32 v53, v26;
	[tilespmem:$0x990] =	vst v58  }
0x6f: {  	v63 =	vld [tilespmem:$0x580];
	vm13 =	veq.s32 v49, $0x1;
	v50 =	vadd.s32 v57, v23;
	[tilespmem:$0x9A0] =	vst v62  }
0x70: {  	vm14 =	veq.s32 v53, $0x1;
	vm11 =	veq.s32 v57, $0x1;
	v57 =	vld [tilespmem:$0x1B0];
	v60 =	vsel vm13, $0x0, v51;
	[tilespmem:$0x970] =	vst v50  }
0x71: {  	v48 =	vld [tilespmem:$0x1D0];
	v47 =	vsel vm14, $0x0, v55;
	[tilespmem:$0x590] =	vst v60  }
0x72: {  	v52 =	vsel vm11, $0x0, v59;
	v59 =	vld [tilespmem:$0x5B0];
	[tilespmem:$0x5A0] =	vst v47  }
0x73: {  	v54 =	vadd.s32 v61, v24;
	vm12 =	veq.s32 v61, $0x1;
	v61 =	vld [tilespmem:$0x1C0];
	[tilespmem:$0x570] =	vst v52  }
0x74: {  	v50 =	vld [tilespmem:$0x5D0];
	[tilespmem:$0x980] =	vst v54;
	v56 =	vsel vm12, $0x0, v63  }
0x75: {  	v63 =	vld [tilespmem:$0x5C0];
	[tilespmem:$0x580] =	vst v56;
	v49 =	vadd.s32 v57, v27  }
0x76: {  	v52 =	vld [tilespmem:$0x1E0];
	vm15 =	veq.s32 v57, $0x1;
	v57 =	vadd.s32 v48, v28;
	[tilespmem:$0x9B0] =	vst v49  }
0x77: {  	v60 =	vld [tilespmem:$0x200];
	v51 =	vsel vm15, $0x0, v59;
	[tilespmem:$0x9D0] =	vst v57  }
0x78: {  	vm5 =	veq.s32 v48, $0x1;
	v54 =	vld [tilespmem:$0x5E0];
	v53 =	vadd.s32 v61, v30;
	[tilespmem:$0x5B0] =	vst v51  }
0x79: {  	v56 =	vld [tilespmem:$0x1F0];
	vm4 =	veq.s32 v61, $0x1;
	v59 =	vsel vm5, $0x0, v50;
	[tilespmem:$0x9C0] =	vst v53  }
0x7a: {  	v62 =	vld [tilespmem:$0x600];
	v55 =	vsel vm4, $0x0, v63;
	[tilespmem:$0x5D0] =	vst v59  }
0x7b: {  	v58 =	vld [tilespmem:$0x5F0];
	v61 =	vadd.s32 v52, v29;
	[tilespmem:$0x5C0] =	vst v55  }
0x7c: {  	v48 =	vld [tilespmem:$0x210];
	vm6 =	veq.s32 v52, $0x1;
	v53 =	vadd.s32 v60, v34;
	[tilespmem:$0x9E0] =	vst v61  }
0x7d: {  	v50 =	vld [tilespmem:$0x610];
	v63 =	vsel vm6, $0x0, v54;
	[tilespmem:$0xA00] =	vst v53  }
0x7e: {  	vm8 =	veq.s32 v60, $0x1;
	v52 =	vld [tilespmem:$0x220];
	v49 =	vadd.s32 v56, v32;
	[tilespmem:$0x5E0] =	vst v63  }
0x7f: {  	v60 =	vld [tilespmem:$0x240];
	vm7 =	veq.s32 v56, $0x1;
	v55 =	vsel vm8, $0x0, v62;
	[tilespmem:$0x9F0] =	vst v49  }
0x80: {  	v54 =	vld [tilespmem:$0x620];
	v51 =	vsel vm7, $0x0, v58;
	[tilespmem:$0x600] =	vst v55  }
0x81: {  	v56 =	vld [tilespmem:$0x230];
	[tilespmem:$0x5F0] =	vst v51;
	v57 =	vadd.s32 v48, v35;
	vm9 =	veq.s32 v48, $0x1  }
0x82: {  	v62 =	vld [tilespmem:$0x640];
	[tilespmem:$0xA10] =	vst v57;
	v59 =	vsel vm9, $0x0, v50  }
0x83: {  	v58 =	vld [tilespmem:$0x630];
	[tilespmem:$0x610] =	vst v59;
	v61 =	vadd.s32 v52, v31  }
0x84: {  	v48 =	vld [tilespmem:$0x250];
	vm10 =	veq.s32 v52, $0x1;
	v53 =	vadd.s32 v60, v36;
	[tilespmem:$0xA20] =	vst v61  }
0x85: {  	v50 =	vld [tilespmem:$0x650];
	v63 =	vsel vm10, $0x0, v54;
	[tilespmem:$0xA40] =	vst v53  }
0x86: {  	v52 =	vld [tilespmem:$0x260];
	vm12 =	veq.s32 v60, $0x1;
	v49 =	vadd.s32 v56, v33;
	[tilespmem:$0x620] =	vst v63  }
0x87: {  	vm11 =	veq.s32 v56, $0x1;
	v54 =	vld [tilespmem:$0x660];
	v55 =	vsel vm12, $0x0, v62;
	[tilespmem:$0xA30] =	vst v49  }
0x88: {  	v56 =	vld [tilespmem:$0x270];
	v51 =	vsel vm11, $0x0, v58;
	[tilespmem:$0x640] =	vst v55  }
0x89: {  	v58 =	vld [tilespmem:$0x670];
	[tilespmem:$0x630] =	vst v51;
	v57 =	vadd.s32 v48, v37;
	vm13 =	veq.s32 v48, $0x1  }
0x8a: {  	[tilespmem:$0xA50] =	vst v57;
	v59 =	vsel vm13, $0x0, v50  }
0x8b: {  	[tilespmem:$0x650] =	vst v59;
	vm14 =	veq.s32 v52, $0x1;
	v60 =	vadd.s32 v52, v38  }
0x8c: {  	[tilespmem:$0xA60] =	vst v60;
	v61 =	vsel vm14, $0x0, v54  }
0x8d: {  	vm15 =	veq.s32 v56, $0x1;
	v62 =	vadd.s32 v56, v39;
	[tilespmem:$0x660] =	vst v61  }
0x8e: {  	[tilespmem:$0xA70] =	vst v62;
	v63 =	vsel vm15, $0x0, v58  }
0x8f: {  	[tilespmem:$0x670] =	vst v63  }
0x90: {  	[hbm4b:s3+s8] =	stream.indirect.scatter [tilespmem:s9], [sflag:$0x2], $0x1, s18, s8, $0xb8;
	[tilespmem:$0xC00] =	vst v63  }
0x91: {  	_ = 	snop  }
0x92: {  	[hbm4b:s3+s8] =	stream.indirect.scatter [tilespmem:s10], [sflag:$0x2], $0x1, s19, s8, $0xb8;
	[tilespmem:$0xC00] =	vst v63  }
0x93: {  	_ = 	snop  }
0x94: {  	[hbm4b:s3+s8] =	stream.indirect.scatter [tilespmem:s12], [sflag:$0x2], $0x1, s20, s8, $0xb8;
	[tilespmem:$0xC00] =	vst v63  }
0x95: {  	_ = 	snop  }
0x96: {  	[hbm4b:s3+s8] =	stream.indirect.scatter [tilespmem:s14], [sflag:$0x2], $0x1, s21, s8, $0xb8;
	[tilespmem:$0xC00] =	vst v63  }
0x97: {  	_ = 	snop  }
0x98: {  	[hbm4b:s3+s8] =	stream.indirect.scatter [tilespmem:s16], [sflag:$0x2], $0x1, s22, s8, $0xb8;
	[tilespmem:$0xC00] =	vst v63  }
0x99: {  	_ =	swait.ge [sflag:s23], $0x80  }
0x9a: {  	[sflag:s23] =	ssyncset.done $0x0  }
0x9b: {  	[sflag:s23] =	ssyncadd.s32 $0xFFFFFF80  }
0x9c: {  	_ =	swait.ge [sflag:s23], $0x80  }
0x9d: {  	[sflag:s23] =	ssyncset.done $0x0  }
0x9e: {  	[sflag:s23] =	ssyncadd.s32 $0xFFFFFF80  }
0x9f: {  	_ =	swait.ge [sflag:s23], $0x80  }
0xa0: {  	[sflag:s23] =	ssyncset.done $0x0  }
0xa1: {  	[sflag:s23] =	ssyncadd.s32 $0xFFFFFF80  }
0xa2: {  	p0 =	sne.s32 s6, $0x1;
	_ =	swait.ge [sflag:s23], $0x80  }
.Ltmp0:
0xa3: {  	[sflag:s23] =	ssyncset.done $0x0;
	(pc) =	sbr.rel @p0 .LBB2_1-.Ltmp0, $4  }
0xa4: {  	[sflag:s23] =	ssyncadd.s32 $0xFFFFFF80  }
0xa5: {  	_ =	swait.ge [sflag:s23], $0x80  }
0xa6: {  	[sflag:s23] =	ssyncset.done $0x0  }
0xa7: {  	s6 =	sadd.s32 $0xFFFFFFFF, s6;
	[sflag:s23] =	ssyncadd.s32 $0xFFFFFF80  }
0xa8: {  	_ =	sfence.sel $0x180000  }
0xa9: {  	[bflag:$0x0] =	sbarrier.arrive $0xFFFF  }
0xaa: {  	p0 =	sne.s32 s0, $0x0;
	_ =	strace $0x90000047  }
0xab: {  	s0 =	sadd.s32 @!p0 $0x100000, s2;
	[bflag:$0x2] =	sbarrier.arrive $0xFFFF  }
0xac: {  	[sflag:s0] =	ssyncadd.tile.s32 @!p0 $0x1;
	_ =	shalt  }
.Lfunc_end2:
_tile_overlayer_lowered:
.L_overlay_start_2:
0xad: {  	(tag) =	ssettag $0x2  }
0xae: {  	s0 =	rddreg [dreg:$0x0];
	s2 =	stileid.u32  }
0xaf: {  	s1 =	rddreg [dreg:$0x1];
	p0 =	sne.s32 s2, $0x0  }
0xb0: {  	s3 =	rddreg [dreg:$0x2];
	[bflag:$0x3] =	sbarrier.arrive $0xFFFF;
	s2 =	simm.s32 @!p0 $0x1C03  }
0xb1: {  	[timem:s3], [sflag:s2] =	dma.local @!p0 [hbm:s0], s1  }
0xb2: {  	s0 =	simm.s32 @!p0 $0x3  }
0xb3: {  	_ =	swait.ge @!p0 [sflag:s0], s1  }
0xb4: {  	s1 =	ssub.s32 @!p0 $0x0, s1;
	[sflag:s0] =	ssyncset.done @!p0 $0x0  }
0xb5: {  	[sflag:s0] =	ssyncadd.s32 @!p0 s1  }
0xb6: {  	[bflag:$0x3] =	sbarrier.arrive $0xFFFF  }
0xb7: {  	_ =	shalt  }

// kernel: sparse-core-data-format-call.cloned.1.call-start
scs
called_computation_lowered:
.L_overlay_start_0:
0x0: {  	s2 =	sld [smem:$0x3FD9]  }
0x1: {  	s3 =	sld [smem:$0x3FFE];
	_ =	sdelay $0x1  }
0x2: {  	s1 =	srdreg.scid  }
0x3: {  	s0 =	sand.u32 $0x1, s1  }
0x4: {  	s18 =	sshll.u32 s0, $0xA;
	s2 =	sadd.s32 s3, s2  }
0x5: {  	s2 =	sadd.s32 s2, s18  }
0x6: {  	[smem:$0x3FC6] =	sst s2  }
0x7: {  	_ = 	snop  }
0x8: {  	s2 =	sld [smem:$0x3FD0];
	(tm) =	ssettm $0x1  }
0x9: {  	s19 =	sld [smem:$0x3FFB];
	_ =	sdelay $0x3  }
0xa: {  	_ =	strace s19  }
0xb: {  	s3 =	sld [smem:$0x3FFC];
	_ =	sdelay $0x3  }
0xc: {  	_ =	strace s3  }
0xd: {  	s3 =	sld [smem:$0x3FFD];
	_ =	sdelay $0x3  }
0xe: {  	_ =	strace s3  }
0xf: {  	_ =	strace $0x8FFFFFFF  }
0x10: {  	s20 =	sld [smem:$0x3FDB];
	_ =	sdelay $0x1  }
0x11: {  	s4 =	simm.s32 $_scs_section_size  }
0x12: {  	s5 =	simm.s32 $_size__tile_overlayer_lowered;
	s6 =	simm.s32 $_tile_overlayer_lowered  }
0x13: {  	s23 =	simm.s32 $0x1BFF;
	s22 =	sshll.u32 s6, $0x1;
	s3 =	sadd.s32 s4, s20  }
0x14: {  	s7 =	simm.s32 $0x0;
	s21 =	sshll.u32 s5, $0x1;
	s5 =	sadd.s32 s22, s3  }
0x15: {  	[timem:s7], [sflag:s23] =	dma.local [hbm:s5], s21  }
0x16: {  	_ =	swait.ge [sflag:s23], s21  }
0x17: {  	s4 =	ssub.s32 $0x0, s21;
	[sflag:s23] =	ssyncset.done $0x0  }
0x18: {  	[sflag:s23] =	ssyncadd.s32 s4;
	_ =	sdelay $0x1  }
0x19: {  	s24 =	simm.s32 $0x1B8B  }
0x1a: {  	_ =	swait.ge [sflag:s24], $0x1  }
0x1b: {  	[sflag:s24] =	ssyncset.done $0x0  }
0x1c: {  	s26 =	simm.s32 $0x1B8E;
	s25 =	sld [smem:$0x3FFE];
	[sflag:s24] =	ssyncadd.s32 $0xFFFFFFFF  }
0x1d: {  	s27 =	simm.s32 $execute0_lowered;
	[smem:$0x3FD2] =	sst s26  }
0x1e: {  	s5 =	sshll.u32 s27, $0x1;
	_ =	strace $0x80000049;
	[dreg:$0x1] =	wrdreg $0xFFFFFFFF  }
0x1f: {  	s28 =	simm.s32 $_size_execute0_lowered;
	s3 =	sadd.s32 s3, s5;
	[dreg:$0x0] =	wrdreg $0x0  }
0x20: {  	s5 =	sshll.u32 s28, $0x1;
	[dreg:$0x2] =	wrdreg s3  }
0x21: {  	[dreg:$0x3] =	wrdreg s5  }
0x22: {  	[dreg:$0x4] =	wrdreg $0xC0  }
0x23: {  	_ =	task [dreg:s7], $0x5FFFF  }
0x24: {  	[dreg:$0x1] =	wrdreg $0xFFFFFFFF  }
0x25: {  	[dreg:$0x0] =	wrdreg $0x60  }
0x26: {  	[dreg:$0x2] =	wrdreg s25  }
0x27: {  	[dreg:$0x3] =	wrdreg s2  }
0x28: {  	[dreg:$0x4] =	wrdreg $0x9  }
0x29: {  	_ =	task.clear_ibuf [dreg:s7], $0x5FFFF;
	_ =	strace $0x90000049  }
0x2a: {  	s29 =	simm.s32 $0x9;
	_ =	strace $0x8000004B  }
0x2b: {  	_ =	swait.ge [sflag:s29], $0x1  }
0x2c: {  	[sflag:s29] =	ssyncadd.s32 $0xFFFFFFFF  }
0x2d: {  	_ =	strace $0x9000004B  }
0x2e: {  	_ =	sfence  }
0x2f: {  	s30 =	sld [smem:$0x0];
	_ =	sdelay $0x2  }
0x30: {  	s31 =	sshll.u32 s1, $0xD;
	s1 =	sshrl.u32 s1, $0x2  }
0x31: {  	s3 =	sand.u32 $0x4000, s31;
	s1 =	sadd.s32 s1, s30  }
0x32: {  	s0 =	sor.u32 s3, s0;
	s1 =	sshll.u32 s1, $0x11  }
0x33: {  	s0 =	sor.u32 s1, s0  }
0x34: {  	s0 =	sadd.s32 $0x8F2B, s0  }
0x35: {  	[sflag:s0] =	ssyncadd.remote.s32 $0x1  }
0x36: {  	_ =	sfence.sel $0xFFFF  }
0x37: {  	[dreg:$0x0] =	wrdreg $0xFFFFFFFF;
	(pc) =	sbr.abs _section_cstart, $3  }
0x38: {  	[dreg:$0x1] =	wrdreg $0xFFFFFFFF  }
0x39: {  	_ =	task.clear_ibuf [dreg:s7], $0x2FFFF;
	_ =	strace $0x9FFFFFFF  }
0x3a: {  	(tm) =	ssettm $0x7FFFFFFF  }
0x3b: {  	_ =	shalt  }
tec
execute0_lowered:
.L_overlay_start_1:
0x0: {  	(tag) =	ssettag $0x1  }
0x1: {  	s0 =	stileid.u32  }
0x2: {  	s2 =	srdreg.scid;
	s7 =	rddreg [dreg:$0x0]  }
0x3: {  	s6 =	simm.s32 $0x1;
	s31 =	simm.s32 $0x2;
	s16 =	simm.s32 $0x0  }
0x4: {  	s9 =	simm.s32 $0x2000;
	s15 =	simm.s32 $0x0;
	s10 =	simm.s32 $0x0  }
0x5: {  	s11 =	simm.s32 $0x0;
	s14 =	simm.s32 $0x0;
	s1 =	sshll.u32 s0, $0x7  }
0x6: {  	s3 =	sshll.u32 s0, $0x4;
	s2 =	sshll.u32 s2, $0x8;
	s1 =	sand.u32 $0x380, s1  }
0x7: {  	s7 =	sadd.s32 $0xA00, s7;
	s2 =	sor.u32 s3, s2;
	s5 =	ssub.s32 $0x400, s1  }
0x8: {  	s3 =	rddreg [dreg:$0x1];
	s4 =	sand.u32 $0x180, s2;
	s29 =	sand.u32 $0x380, s5  }
0x9: {  	s30 =	ssub.s32 $0x18680, s4;
	s5 =	sshrl.u32 s5, $0xA;
	p0 =	sne.s32 s29, $0x0  }
.Ltmp0:
0xa: {  	s8 =	sshrl.u32 s30, $0x9;
	s6 =	simm.s32 @!p0 $0x0;
	(pc) =	sbr.rel .LBB1_1-.Ltmp0, $4  }
0xb: {  	s2 =	rddreg [dreg:$0x2];
	s8 =	sadd.s32 $0x1, s8;
	s6 =	sadd.s32 s6, s5  }
0xc: {  	_ =	strace $0x8000004A;
	s5 =	simm.s32 $0x1;
	s6 =	smul.u32 s6, s8  }
0xd: {  	s13 =	smov.u32 s1;
	s12 =	smov.u32 s4;
	[sflag:s5] =	ssyncpa.u1 $0x0  }
0xe: {  	p0 =	por $0x0, $0x0;
	[sflag:s31] =	ssyncpa.u1 $0x0;
	s8 =	sadd.s32 $0x1, s6  }
.LBB1_4:
0xf: {  	s21 =	sshra.s32 s21, $0x2;
	s27 =	sshll.u32 s10, $0xA;
	s22 =	sshll.u32 s11, $0x3  }
0x10: {  	s23 =	sshll.u32 s10, $0x7;
	s24 =	sand.u32 $0x78, s11;
	p1 =	sgt.s32 s10, $0x18620  }
0x11: {  	s25 =	sshra.s32 s10, $0x1F;
	s26 =	sshra.s32 s11, $0x1F;
	s20 =	sadd.s32 s21, s20  }
0x12: {  	v5 =	vld [tilespmem:s18+$0xFFFFFFD0];
	[tilespmem:s19+$0x2040 ss:$0x81] =	vst.msk $0xffff, v4;
	s21 =	sand.u32 $0xFFFFE000, s27;
	s22 =	sand.u32 $0xFFFFFC00, s22;
	s28 =	sand.u32 $0x380, s23  }
0x13: {  	v58 =	vld [tilespmem:s18+$0xFFFFFFE0];
	[tilespmem:s19+$0x2850 ss:$0x81] =	vst.msk $0xffff, v3;
	s23 =	smov.u32 s10;
	s30 =	sand.u32 s25, s10;
	s25 =	smov.u32 s11  }
0x14: {  	v59 =	vld [tilespmem:s18+$0xFFFFFFF0];
	[tilespmem:s19+$0x3060 ss:$0x81] =	vst.msk $0xffff, v2;
	s31 =	sand.u32 s26, s11;
	s21 =	sadd.s32 s22, s21;
	s22 =	sor.u32 s24, s28  }
0x15: {  	v60 =	vld [tilespmem:s18+$0x0];
	[tilespmem:s19+$0x0 ss:$0x81] =	vst.msk $0xffff, v1;
	s23 =	simm.s32 @!p1 $0x18620;
	p1 =	sgt.s32 s11, $0x380;
	s21 =	sshrl.u32 s21, $0xA  }
0x16: {  	v61 =	vld [tilespmem:s18+$0x10];
	[tilespmem:s20+$0x3870 ss:$0x81] =	vst.msk $0xffff, v0;
	s19 =	ssub.s32 s23, s30;
	s25 =	simm.s32 @!p1 $0x380;
	s29 =	smulhi.u32 $0x53E2D7, s21  }
0x17: {  	v62 =	vld [tilespmem:s18+$0x20];
	s23 =	ssub.s32 s25, s31;
	s26 =	sadd.s32 $0xFFFE79E0, s19;
	s19 =	ssub.s32 $0x186A0, s19;
	[tilespmem:s20+$0x810 ss:$0x81] =	vst.msk $0xffff, v5  }
0x18: {  	v63 =	vld [tilespmem:s18+$0xFFFFFFC0];
	[tilespmem:s20+$0x1020 ss:$0x81] =	vst.msk $0xffff, v58;
	p1 =	sgt.s32 s26, $0x7F;
	s28 =	sadd.s32 $0xFFFFFC80, s23;
	s24 =	sshrl.u32 s29, $0x7  }
0x19: {  	[tilespmem:s20+$0x1830 ss:$0x81] =	vst.msk $0xffff, v59;
	s23 =	ssub.s32 $0x400, s23;
	p2 =	sgt.s32 s28, $0x7F;
	s27 =	smul.u32 $0x186A0, s24  }
0x1a: {  	s30 =	sand.u32 $0x7, s11;
	[tilespmem:s20+$0x2040 ss:$0x81] =	vst.msk $0xffff, v60;
	s19 =	simm.s32 @p1 $0x0;
	s23 =	simm.s32 @p2 $0x0  }
0x1b: {  	[tilespmem:s20+$0x2850 ss:$0x81] =	vst.msk $0xffff, v61;
	s29 =	sshrl.u32 s22, $0x3;
	s19 =	smul.u32 s23, s19;
	s18 =	ssub.s32 s21, s27  }
0x1c: {  	[tilespmem:s20+$0x3060 ss:$0x81] =	vst.msk $0xffff, v62;
	s22 =	sshll.u32 s30, $0x12;
	s21 =	sadd.s32 s3, s29;
	s18 =	sshll.u32 s18, $0x7  }
0x1d: {  	[tilespmem:s20+$0x0 ss:$0x81] =	vst.msk $0xffff, v63;
	s31 =	sor.u32 $0x400, s22;
	s19 =	sand.u32 $0x3FFFFFFF, s19;
	s18 =	sadd.s32 s18, s21  }
0x1e: {  	[hbm4b:s18+s31] =	stream.strided.scatter [tilespmem:s17], [sflag:$0x2], s19, s9, s31, $0x20;
	[tilespmem:$0x10100] =	vst v63  }
.LBB1_5:
0x1f: {  	p1 =	slt.u32 s14, $0x2  }
0x20: {  	s18 =	smov.u32 s16;
	p2 =	sgt.s32 @!p1 s16, $0x18620;
	s17 =	sshra.s32 @!p1 s16, $0x1F  }
0x21: {  	p3 =	sgt.s32 @!p1 s15, $0x380;
	s19 =	sshra.s32 @!p1 s15, $0x1F;
	p2 =	por !p2, p1  }
0x22: {  	s16 =	sand.u32 @!p1 s17, s16;
	p3 =	por !p3, p1;
	s17 =	smov.u32 s15  }
0x23: {  	s15 =	sand.u32 @!p1 s19, s15;
	s18 =	simm.s32 @p2 $0x18620;
	s17 =	simm.s32 @p3 $0x380  }
0x24: {  	s16 =	ssub.s32 @!p1 s18, s16;
	s15 =	ssub.s32 @!p1 s17, s15  }
0x25: {  	s19 =	smov.u32 s13;
	s17 =	sadd.s32 @!p1 $0xFFFE79E0, s16;
	s18 =	sadd.s32 @!p1 $0xFFFFFC80, s15  }
0x26: {  	s16 =	ssub.s32 @!p1 $0x186A0, s16;
	p2 =	sgt.s32 @!p1 s17, $0x7F;
	p3 =	sgt.s32 @!p1 s18, $0x7F  }
0x27: {  	s15 =	ssub.s32 @!p1 $0x400, s15;
	p2 =	por !p2, p1;
	p3 =	por !p3, p1  }
0x28: {  	s17 =	sadd.s32 $0x200, s12;
	s16 =	simm.s32 @!p2 $0x0;
	s15 =	simm.s32 @!p3 $0x0  }
0x29: {  	p2 =	sgt.s32 s17, $0x1869F;
	s15 =	smul.u32 @!p1 s15, s16;
	s16 =	sadd.s32 $0x400, s13  }
0x2a: {  	s19 =	smov.u32 @p2 s16  }
0x2b: {  	s17 =	smov.u32 @p2 s4;
	p2 =	sgt.s32 s19, $0x3FF  }
0x2c: {  	s19 =	smov.u32 @p2 s1;
	p2 =	sne.s32 s14, s8  }
.Ltmp1:
0x2d: {  	p0 =	por !p0, !p0;
	s18 =	simm.s32 @!p1 $0x2;
	(pc) =	sbr.rel @!p2 .LBB1_6-.Ltmp1, $4  }
0x2e: {  	s16 =	smov.u32 s10;
	s10 =	smov.u32 s12;
	s15 =	sand.u32 @!p1 $0x3FFFFFFF, s15  }
0x2f: {  	s12 =	smov.u32 s17;
	_ =	swait.ge @!p1 [sflag:s18], s15;
	s20 =	ssub.s32 @!p1 $0x0, s15  }
0x30: {  	s15 =	smov.u32 s11;
	s14 =	sadd.s32 $0x1, s14;
	[sflag:s18] =	ssyncset.done @!p1 $0x0  }
0x31: {  	s11 =	smov.u32 s13;
	s13 =	smov.u32 s19;
	[sflag:s18] =	ssyncadd.s32 @!p1 s20  }
.LBB1_1:
0x32: {  	p1 =	sge.u32 s14, s6  }
0x33: {  	s17 =	sshrl.u32 @!p1 s13, $0x3  }
0x34: {  	s18 =	sshll.u32 @!p1 s12, $0x3;
	s17 =	smul.u32 @!p1 $0xC3800, s17  }
0x35: {  	s19 =	sshll.u32 @!p1 s13, $0x7;
	s18 =	sand.u32 @!p1 $0xFFFFFC00, s18  }
0x36: {  	s17 =	sadd.s32 @!p1 s17, s18;
	s18 =	sand.u32 @!p1 $0x380, s19  }
0x37: {  	s19 =	sand.u32 @!p1 $0x7F, s12;
	s17 =	sor.u32 @!p1 s18, s17  }
0x38: {  	s18 =	sor.u32 @!p1 s19, s17  }
0x39: {  	s19 =	smulhi.u32 @!p1 $0xA79C7B17, s18;
	_ =	sdelay $0x1  }
0x3a: {  	s17 =	smulhi.u32 @!p1 $0xA79C7B17, s17;
	s19 =	sshrl.u32 @!p1 s19, $0x10  }
0x3b: {  	s19 =	smul.u32 @!p1 $0x18700, s19  }
0x3c: {  	s31 =	sadd.s32 $0xFFFFFFFF, s14;
	s20 =	sxor.u32 @!p1 $0xFFFFFFFF, s14;
	s17 =	sshrl.u32 @!p1 s17, $0x10  }
0x3d: {  	s20 =	sshll.u32 @!p1 s20, $0xE;
	s17 =	sand.u32 @!p1 $0x3FF, s17;
	s18 =	ssub.s32 @!p1 s18, s19  }
0x3e: {  	s17 =	smul.u32 @!p1 $0x30E0, s17;
	s19 =	sshrl.u32 @!p1 s18, $0x3;
	s18 =	sand.u32 @!p1 $0x7, s18  }
0x3f: {  	s20 =	sand.u32 @!p1 $0x4000, s20;
	s19 =	sadd.s32 @!p1 s7, s19;
	s18 =	sshll.u32 @!p1 s18, $0x12  }
0x40: {  	s17 =	sadd.s32 @!p1 s17, s19;
	s18 =	sor.u32 @!p1 $0x400, s18;
	s19 =	simm.s32 @!p1 $0xC3800  }
0x41: {  	[tilespmem:s20], [sflag:$0x1] =	stream.strided.gather @!p1 [hbm4b:s17+s18], $0x4000, s19, s18, $0x38;
	[tilespmem:$0x10100] =	vst v63  }
0x42: {  	p1 =	sge.u32 s31, s6  }
.Ltmp2:
0x43: {  	_ = 	snop;
	(pc) =	sbr.rel @p1 .LBB1_5-.Ltmp2, $1  }
0x44: {  	_ =	sdelay $0x3  }
0x45: {  	s17 =	simm.s32 $0x1  }
0x46: {  	_ =	swait.ge [sflag:s5], $0x4000;
	s17 =	simm.s32 @!p0 $0x0  }
0x47: {  	[sflag:s5] =	ssyncset.done $0x0;
	s18 =	sshll.u32 s17, $0xE  }
0x48: {  	[sflag:s5] =	ssyncadd.s32 $0xFFFFC000;
	s18 =	sor.u32 $0x40, s18  }
0x49: {  	s17 =	smul.u32 $0x10200, s17;
	v0 =	vld [tilespmem:s18+$0x30]  }
0x4a: {  	v1 =	vld [tilespmem:s18+$0xFFFFFFD0]  }
0x4b: {  	s17 =	sshrl.u32 s17, $0x2;
	v5 =	vld [tilespmem:s18+$0xFFFFFFE0]  }
0x4c: {  	v6 =	vld [tilespmem:s18+$0xFFFFFFF0];
	s20 =	sor.u32 $0x8000, s17  }
0x4d: {  	s31 =	sand.u32 $0x1, s14;
	v4 =	vld [tilespmem:s18+$0x0];
	s19 =	sadd.s32 $0x0, s20  }
0x4e: {  	v3 =	vld [tilespmem:s18+$0x10];
	s17 =	smul.u32 $0x10200, s31;
	[tilespmem:s19+$0x3870 ss:$0x81] =	vst.msk $0xffff, v0  }
0x4f: {  	v2 =	vld [tilespmem:s18+$0x20];
	[tilespmem:s19+$0x810 ss:$0x81] =	vst.msk $0xffff, v1  }
0x50: {  	s17 =	sshrl.u32 s17, $0x2;
	v1 =	vld [tilespmem:s18+$0xFFFFFFC0];
	[tilespmem:s19+$0x1020 ss:$0x81] =	vst.msk $0xffff, v5;
	s18 =	sadd.s32 $0x80, s18  }
0x51: {  	s21 =	simm.s32 $0x4;
	s22 =	simm.s32 $0x8;
	s17 =	sor.u32 $0x8000, s17;
	[tilespmem:s19+$0x1830 ss:$0x81] =	vst.msk $0xffff, v6;
	v0 =	vld [tilespmem:s18+$0x30]  }
.LBB1_3:
0x52: {  	p1 =	sne.s32 s22, $0x1FC;
	v5 =	vld [tilespmem:s18+$0xFFFFFFD0];
	[tilespmem:s19+$0x2040 ss:$0x81] =	vst.msk $0xffff, v4  }
0x53: {  	v6 =	vld [tilespmem:s18+$0xFFFFFFE0];
	[tilespmem:s19+$0x2850 ss:$0x81] =	vst.msk $0xffff, v3  }
0x54: {  	s23 =	sshra.s32 s21, $0x2;
	s21 =	smov.u32 s22;
	v7 =	vld [tilespmem:s18+$0xFFFFFFF0];
	[tilespmem:s19+$0x3060 ss:$0x81] =	vst.msk $0xffff, v2  }
.Ltmp3:
0x55: {  	v4 =	vld [tilespmem:s18+$0x0];
	[tilespmem:s19+$0x0 ss:$0x81] =	vst.msk $0xffff, v1;
	s19 =	sadd.s32 s23, s20;
	(pc) =	sbr.rel @p1 .LBB1_3-.Ltmp3, $4  }
0x56: {  	v3 =	vld [tilespmem:s18+$0x10];
	[tilespmem:s19+$0x3870 ss:$0x81] =	vst.msk $0xffff, v0  }
0x57: {  	[tilespmem:s19+$0x810 ss:$0x81] =	vst.msk $0xffff, v5;
	v2 =	vld [tilespmem:s18+$0x20]  }
0x58: {  	v1 =	vld [tilespmem:s18+$0xFFFFFFC0];
	[tilespmem:s19+$0x1020 ss:$0x81] =	vst.msk $0xffff, v6;
	s18 =	sadd.s32 $0x80, s18  }
0x59: {  	s22 =	sadd.s32 $0x4, s22;
	v0 =	vld [tilespmem:s18+$0x30];
	[tilespmem:s19+$0x1830 ss:$0x81] =	vst.msk $0xffff, v7  }
.Ltmp4:
0x5a: {  	_ = 	snop;
	(pc) =	sbr.rel .LBB1_4-.Ltmp4, $1  }
0x5b: {  	_ =	sdelay $0x3  }
.LBB1_6:
0x5c: {  	_ =	sfence.sel $0x180000  }
0x5d: {  	s1 =	simm.s32 $0x1;
	[bflag:$0x0] =	sbarrier.arrive $0xFFFF  }
0x5e: {  	s31 =	simm.s32 $0x2;
	[sflag:s1] =	ssyncpa.u1 $0x1  }
0x5f: {  	[sflag:s31] =	ssyncpa.u1 $0x1  }
0x60: {  	p0 =	sne.s32 s0, $0x0;
	_ =	strace $0x9000004A  }
0x61: {  	s0 =	sadd.s32 @!p0 $0x100000, s2;
	[bflag:$0x2] =	sbarrier.arrive $0xFFFF  }
0x62: {  	[sflag:s0] =	ssyncadd.tile.s32 @!p0 $0x1;
	_ =	shalt  }
.Lfunc_end1:
_tile_overlayer_lowered:
.L_overlay_start_2:
0x63: {  	(tag) =	ssettag $0x2  }
0x64: {  	s0 =	rddreg [dreg:$0x0];
	s2 =	stileid.u32  }
0x65: {  	s1 =	rddreg [dreg:$0x1];
	p0 =	sne.s32 s2, $0x0  }
0x66: {  	s3 =	rddreg [dreg:$0x2];
	[bflag:$0x3] =	sbarrier.arrive $0xFFFF;
	s2 =	simm.s32 @!p0 $0x1C01  }
0x67: {  	[timem:s3], [sflag:s2] =	dma.local @!p0 [hbm:s0], s1  }
0x68: {  	s0 =	simm.s32 @!p0 $0x1  }
0x69: {  	_ =	swait.ge @!p0 [sflag:s0], s1  }
0x6a: {  	s1 =	ssub.s32 @!p0 $0x0, s1;
	[sflag:s0] =	ssyncset.done @!p0 $0x0  }
0x6b: {  	[sflag:s0] =	ssyncadd.s32 @!p0 s1  }
0x6c: {  	[bflag:$0x3] =	sbarrier.arrive $0xFFFF  }
0x6d: {  	_ =	shalt  }

</sc_bundles>
